<compile_context>
chip_gen: v7x
topology: tpu7x:2x2x1
jax: 0.10.2.dev20260603
libtpu: 0.0.44.dev20260713+nightly
codegen_flags: <defaults>
</compile_context>

<pallas_src>
import functools

import jax
import jax.numpy as jnp
from jax import lax
from jax.experimental import pallas as pl
from jax.experimental.pallas import tpu as pltpu
from jax.experimental.pallas import tpu_sc as plsc

N = 10000
E = 320000
KER = 8
OUT = 64
NC = 2
NS = 16
NW = NC * NS
EPW = E // NW
C = 40
NCH = EPW // C
CP = 80
NCHP = EPW // CP
NP = 10240
ROWS_T = NP // NS
EPWP = 10240
NCHA = EPWP // C

_mesh = plsc.VectorSubcoreMesh(
    core_axis_name="c", subcore_axis_name="s", num_cores=NC, num_subcores=NS)


def _sc_prep_body(spec_hbm, src2p_hbm, dst2p_hbm, zeros1_hbm,
                  pseudo_hbm, deg_hbm,
                  spec_v, src1_v, dst1_v, pbuf_v, ones_v, deg_sh,
                  dsem):
    cid = lax.axis_index("c")
    sid = lax.axis_index("s")
    wid = cid * NS + sid

    r0 = sid * ROWS_T
    pltpu.sync_copy(zeros1_hbm, deg_sh.at[pl.ds(r0, ROWS_T)])

    pltpu.sync_copy(src2p_hbm.at[wid], src1_v)
    pltpu.sync_copy(dst2p_hbm.at[wid], dst1_v)
    pltpu.sync_copy(spec_hbm, spec_v)

    for i in range(CP // 16):
        ones_v[pl.ds(i * 16, 16)] = jnp.ones((16,), jnp.float32)

    plsc.subcore_barrier()

    def group(g, carry):
        r = g // (CP // 16)
        c0 = (g % (CP // 16)) * 16
        sv = src1_v[r, pl.ds(c0, 16)] * 3
        dv = dst1_v[r, pl.ds(c0, 16)] * 3
        for c in range(3):
            cc = jnp.full((16,), c, jnp.int32)
            ss = plsc.load_gather(spec_v, [sv + cc])
            sd = plsc.load_gather(spec_v, [dv + cc])
            pbuf_v[c, pl.ds(g * 16, 16)] = sd - ss
        return carry

    lax.fori_loop(0, EPW // 16, group, 0)
    pltpu.sync_copy(pbuf_v, pseudo_hbm.at[wid, :, pl.ds(0, EPW)])

    def dchunk(j, carry):
        pltpu.async_copy(ones_v, deg_sh.at[dst1_v.at[j]], dsem, add=True)

        @pl.when(j >= 8)
        def _():
            pltpu.make_async_copy(ones_v, deg_sh.at[dst1_v.at[0]],
                                  dsem).wait()

        return carry

    lax.fori_loop(0, NCHP, dchunk, 0)

    def ddrain(j, carry):
        pltpu.make_async_copy(ones_v, deg_sh.at[dst1_v.at[0]], dsem).wait()
        return carry

    lax.fori_loop(0, 8, ddrain, 0)
    plsc.subcore_barrier()

    pltpu.sync_copy(deg_sh.at[pl.ds(r0, ROWS_T)],
                    deg_hbm.at[cid, 0, pl.ds(r0, ROWS_T)])


_sc_prep = functools.partial(
    pl.kernel,
    compiler_params=pltpu.CompilerParams(needs_layout_passes=False,
                                         use_tc_tiling_on_sc=False),
    out_type=[jax.ShapeDtypeStruct((NW, 3, EPWP), jnp.float32),
              jax.ShapeDtypeStruct((NC, 1, NP), jnp.float32)],
    mesh=_mesh,
    scratch_types=[
        pltpu.VMEM((3 * N,), jnp.float32),
        pltpu.VMEM((NCHP, CP), jnp.int32),
        pltpu.VMEM((NCHP, CP), jnp.int32),
        pltpu.VMEM((3, EPW), jnp.float32),
        pltpu.VMEM((CP,), jnp.float32),
        pltpu.VMEM_SHARED((NP,), jnp.float32),
        pltpu.SemaphoreType.DMA,
    ],
)(_sc_prep_body)


def _sc_edge_body(y_hbm, src2_hbm, dst2_hbm, alpha_hbm, lidx_hbm, zerosm_hbm,
                  agg_hbm,
                  src2_v, dst2_v, lidx_v, alphaA, alphaB, rowsA, rowsB, msgA,
                  msgB, agg_sh, gsemA, gsemB, asemA, asemB, ssemA, ssemB):
    cid = lax.axis_index("c")
    sid = lax.axis_index("s")
    wid = cid * NS + sid
    r0 = sid * ROWS_T
    pltpu.sync_copy(lidx_hbm, lidx_v)
    lay = lidx_v[...][0]

    pltpu.sync_copy(zerosm_hbm, agg_sh.at[pl.ds(r0, ROWS_T)])

    pltpu.sync_copy(src2_hbm.at[wid], src2_v)
    pltpu.sync_copy(dst2_hbm.at[wid], dst2_v)

    iot16 = lax.iota(jnp.int32, 16)

    def compute(rows_v, alpha_v, msg_v):
        @plsc.parallel_loop(0, C, 1, unroll=2)
        def _(e):
            ecol = iot16 * 0 + e
            av = plsc.load_gather(alpha_v, [iot16, ecol])
            a = [av[k] for k in range(KER)]
            for seg in range(OUT // 16):
                col = seg * 16
                acc = a[0] * rows_v[e, pl.ds(col, 16)]
                for k in range(1, KER):
                    acc = acc + a[k] * rows_v[e, pl.ds(k * OUT + col, 16)]
                msg_v[e, pl.ds(col, 16)] = acc

    def start(j, rows_v, alpha_v, gsem, asem):
        pltpu.async_copy(alpha_hbm.at[lay, wid, :, pl.ds(j * C, C)],
                         alpha_v, asem)
        pltpu.async_copy(y_hbm.at[src2_v.at[j]], rows_v, gsem)

    def wait(j, rows_v, alpha_v, gsem, asem):
        pltpu.make_async_copy(alpha_hbm.at[lay, wid, :, pl.ds(j * C, C)],
                              alpha_v, asem).wait()
        pltpu.make_async_copy(y_hbm.at[src2_v.at[j]], rows_v, gsem).wait()

    start(0, rowsA, alphaA, gsemA, asemA)
    plsc.subcore_barrier()

    def drain(msg_v, ssem):
        pltpu.make_async_copy(msg_v, agg_sh.at[dst2_v.at[0]], ssem).wait()

    def pair(jj, carry):
        j0 = jj * 2
        j1 = j0 + 1
        start(j1, rowsB, alphaB, gsemB, asemB)
        wait(j0, rowsA, alphaA, gsemA, asemA)

        @pl.when(jj > 0)
        def _():
            drain(msgA, ssemA)

        compute(rowsA, alphaA, msgA)
        pltpu.async_copy(msgA, agg_sh.at[dst2_v.at[j0]], ssemA, add=True)

        @pl.when(jj < NCH // 2 - 1)
        def _():
            start(j0 + 2, rowsA, alphaA, gsemA, asemA)

        wait(j1, rowsB, alphaB, gsemB, asemB)

        @pl.when(jj > 0)
        def _():
            drain(msgB, ssemB)

        compute(rowsB, alphaB, msgB)
        pltpu.async_copy(msgB, agg_sh.at[dst2_v.at[j1]], ssemB, add=True)
        return carry

    lax.fori_loop(0, NCH // 2, pair, 0)
    drain(msgA, ssemA)
    drain(msgB, ssemB)
    plsc.subcore_barrier()

    pltpu.sync_copy(agg_sh.at[pl.ds(r0, ROWS_T)],
                    agg_hbm.at[cid, pl.ds(r0, ROWS_T)])


_sc_edge = functools.partial(
    pl.kernel,
    compiler_params=pltpu.CompilerParams(use_tc_tiling_on_sc=False,
                                         needs_layout_passes=False),
    out_type=[jax.ShapeDtypeStruct((NC, NP, OUT), jnp.float32)],
    mesh=_mesh,
    scratch_types=[
        pltpu.VMEM((NCH, C), jnp.int32),
        pltpu.VMEM((NCH, C), jnp.int32),
        pltpu.VMEM((16,), jnp.int32),
        pltpu.VMEM((16, C), jnp.float32),
        pltpu.VMEM((16, C), jnp.float32),
        pltpu.VMEM((C, KER * OUT), jnp.float32),
        pltpu.VMEM((C, KER * OUT), jnp.float32),
        pltpu.VMEM((C, OUT), jnp.float32),
        pltpu.VMEM((C, OUT), jnp.float32),
        pltpu.VMEM_SHARED((NP, OUT), jnp.float32),
        pltpu.SemaphoreType.DMA,
        pltpu.SemaphoreType.DMA,
        pltpu.SemaphoreType.DMA,
        pltpu.SemaphoreType.DMA,
        pltpu.SemaphoreType.DMA,
        pltpu.SemaphoreType.DMA,
    ],
)(_sc_edge_body)


_EB = 1280


def _tc_alpha_body(p_ref, w1_ref, b1_ref, w2_ref, b2_ref, a_ref):
    p = p_ref[0]
    for l in range(4):
        h = jnp.tanh(
            jnp.dot(w1_ref[l], p, preferred_element_type=jnp.float32)
            + b1_ref[l])
        t = (jnp.dot(w2_ref[l], h, preferred_element_type=jnp.float32)
             + b2_ref[l])
        t = t - jnp.max(t, axis=0, keepdims=True)
        ex = jnp.exp(t)
        a8 = ex / jnp.sum(ex, axis=0, keepdims=True)
        a_ref[l, 0] = jnp.concatenate([a8, jnp.zeros_like(a8)], axis=0)


_BPW = EPWP // _EB


def _tc_alpha(pseudo, w1, b1, w2, b2):
    return pl.pallas_call(
        _tc_alpha_body,
        grid=(NW * _BPW,),
        in_specs=[
            pl.BlockSpec((1, 3, _EB), lambda i: (i // _BPW, 0, i % _BPW)),
            pl.BlockSpec((4, 16, 3), lambda i: (0, 0, 0)),
            pl.BlockSpec((4, 16, 1), lambda i: (0, 0, 0)),
            pl.BlockSpec((4, 8, 16), lambda i: (0, 0, 0)),
            pl.BlockSpec((4, 8, 1), lambda i: (0, 0, 0)),
        ],
        out_specs=pl.BlockSpec((4, 1, 16, _EB),
                               lambda i: (0, i // _BPW, 0, i % _BPW)),
        out_shape=jax.ShapeDtypeStruct((4, NW, 16, EPWP), jnp.float32),
    )(pseudo, w1, b1, w2, b2)


_MB = 400


def _tc_mm_body(x_ref, w_ref, y_ref):
    y_ref[...] = jnp.dot(x_ref[...], w_ref[...],
                         preferred_element_type=jnp.float32)


def _tc_mm(feats, w):
    k = feats.shape[1]
    return pl.pallas_call(
        _tc_mm_body,
        grid=(N // _MB,),
        in_specs=[
            pl.BlockSpec((_MB, k), lambda i: (i, 0)),
            pl.BlockSpec((k, KER * OUT), lambda i: (0, 0)),
        ],
        out_specs=pl.BlockSpec((_MB, KER * OUT), lambda i: (i, 0)),
        out_shape=jax.ShapeDtypeStruct((N, KER * OUT), jnp.float32),
    )(feats, w)


def _leaky(v):
    return jnp.where(v >= 0, v, 0.01 * v)


def _tc_act_body(agg_ref, deg_ref, b_ref, x_ref):
    agg = agg_ref[0] + agg_ref[1]
    deg = deg_ref[0] + deg_ref[1]
    v = agg / jnp.maximum(deg, 1.0) + b_ref[...]
    x_ref[...] = _leaky(v)


def _tc_act(aggp, degp, b):
    return pl.pallas_call(
        _tc_act_body,
        grid=(N // _MB,),
        in_specs=[
            pl.BlockSpec((NC, _MB, OUT), lambda i: (0, i, 0)),
            pl.BlockSpec((NC, _MB, 1), lambda i: (0, i, 0)),
            pl.BlockSpec((1, OUT), lambda i: (0, 0)),
        ],
        out_specs=pl.BlockSpec((_MB, OUT), lambda i: (i, 0)),
        out_shape=jax.ShapeDtypeStruct((N, OUT), jnp.float32),
    )(aggp, degp, b)


def _tc_pool_body(x4_ref, w1_ref, c1_ref, w2_ref, c2_ref,
                  w3_ref, c3_ref, z_ref, acc):
    i = pl.program_id(0)

    @pl.when(i == 0)
    def _():
        acc[...] = jnp.zeros_like(acc)

    acc[...] += jnp.sum(x4_ref[...], axis=0, keepdims=True)

    @pl.when(i == N // _MB - 1)
    def _():
        pooled = acc[...] * (1.0 / N)
        z1 = _leaky(jnp.dot(pooled, w1_ref[...],
                            preferred_element_type=jnp.float32) + c1_ref[...])
        z2 = _leaky(jnp.dot(z1, w2_ref[...],
                            preferred_element_type=jnp.float32) + c2_ref[...])
        z_ref[...] = (jnp.dot(z2, w3_ref[...],
                              preferred_element_type=jnp.float32)
                      + c3_ref[...])


def _tc_pool(x4, w1, c1, w2, c2, w3, c3):
    full = lambda *shape: pl.BlockSpec(shape, lambda i: (0,) * len(shape))
    return pl.pallas_call(
        _tc_pool_body,
        grid=(N // _MB,),
        in_specs=[
            pl.BlockSpec((_MB, OUT), lambda i: (i, 0)),
            full(OUT, 16), full(1, 16),
            full(16, 8), full(1, 8),
            full(8, 1), full(1, 1),
        ],
        out_specs=full(1, 1),
        out_shape=jax.ShapeDtypeStruct((1, 1), jnp.float32),
        scratch_shapes=[pltpu.VMEM((1, OUT), jnp.float32)],
    )(x4, w1, c1, w2, c2, w3, c3)


FIN = 320


def kernel(x, edge_index, params):
    src = edge_index[0]
    dst = edge_index[1]

    src2 = src.reshape(NW, NCH, C)
    dst2 = dst.reshape(NW, NCH, C)
    src2p = src.reshape(NW, NCHP, CP)
    dst2p = dst.reshape(NW, NCHP, CP)
    zeros1 = jnp.zeros((ROWS_T,), jnp.float32)
    zerosm = jnp.zeros((ROWS_T, OUT), jnp.float32)

    spec_flat = x[:, :3].reshape(-1)
    pseudo_w, degp = _sc_prep(spec_flat, src2p, dst2p, zeros1)
    degp3 = degp.reshape(NC, NP, 1)

    gcs = [params["gc%d" % (i + 1)] for i in range(4)]
    w1 = jnp.stack([g["Kw1"].T for g in gcs])
    b1 = jnp.stack([g["Kb1"].reshape(16, 1) for g in gcs])
    w2 = jnp.stack([g["Kw2"].T for g in gcs])
    b2 = jnp.stack([g["Kb2"].reshape(8, 1) for g in gcs])
    al_all = _tc_alpha(pseudo_w, w1, b1, w2, b2)

    zblk = jnp.zeros((KER, OUT, OUT), jnp.float32)
    wflat = []
    for l in range(4):
        wk = gcs[l]["Wk"]
        parts = [wk[:, l * OUT:l * OUT + 128]]
        for m in range(1, 4):
            j = l - m
            parts.append(wk[:, j * OUT:(j + 1) * OUT] if 0 <= j <= l - 1
                         else zblk)
        wpad = jnp.concatenate(parts, axis=1)
        wflat.append(jnp.transpose(wpad, (1, 0, 2)).reshape(FIN, KER * OUT))
    wflat_all = jnp.stack(wflat)
    bias_all = jnp.stack([g["b"].reshape(1, OUT) for g in gcs])

    feats0 = jnp.concatenate(
        [x, jnp.zeros((N, FIN - 128), jnp.float32)], axis=1)

    lidx_all = jnp.broadcast_to(
        jnp.arange(4, dtype=jnp.int32)[:, None], (4, 16))

    def step(feats, xs_l):
        wflat_l, bias_l, lidx_l, l_idx = xs_l
        y = _tc_mm(feats, wflat_l)
        aggp, = _sc_edge(y, src2, dst2, al_all, lidx_l, zerosm)
        xl = _tc_act(aggp, degp3, bias_l)
        off = 128 + jnp.minimum(l_idx, 2) * OUT
        feats = lax.dynamic_update_slice(feats, xl, (0, off))
        return feats, xl

    _, xls = lax.scan(step, feats0,
                      (wflat_all, bias_all, lidx_all, jnp.arange(4)))
    x4 = xls[3]

    z = _tc_pool(x4,
                 params["lin1_w"], params["lin1_b"].reshape(1, 16),
                 params["lin2_w"], params["lin2_b"].reshape(1, 8),
                 params["lin3_w"], params["lin3_b"].reshape(1, 1))
    return z.reshape(1)

# --- scband reference (transcript-rebuilt; emitter-appended) ---
"""Pipeline reference for scband-gcn-90417651516090 (READ-ONLY COPY).

The authoritative reference and input builder live on the scoring server;
editing this copy changes nothing except your own understanding.
"""

import jax, jax.numpy as jnp
import numpy as np

N_NODES = 10000
N_EDGES = 320000
FEAT = 128
HID1 = 64
HID2 = 64
HID3 = 64
PAR = 64
EMB = 16
KER = 8


def _leaky(x, slope=0.01):
    return jnp.where(x >= 0, x, slope * x)


def _graph_conv(x, edge_index, spec, p):
    # MoNet/GMM-style continuous-kernel graph convolution conditioned on the
    # 3-dim spectral/spatial domain (spec_domain = x[:, :3] of the ORIGINAL input).
    src = edge_index[0]
    dst = edge_index[1]
    pseudo = spec[dst] - spec[src]                      # [E, 3]
    h = jnp.tanh(pseudo @ p['Kw1'] + p['Kb1'])          # [E, EMB]
    alpha = jax.nn.softmax(h @ p['Kw2'] + p['Kb2'], axis=-1)  # [E, KER]
    y = jnp.einsum('ni,kio->nko', x, p['Wk'])           # [N, KER, out]
    msg = jnp.sum(alpha[:, :, None] * y[src], axis=1)   # [E, out] (gather + weight)
    agg = jax.ops.segment_sum(msg, dst, num_segments=x.shape[0])
    deg = jax.ops.segment_sum(jnp.ones((msg.shape[0],), x.dtype), dst, num_segments=x.shape[0])
    return agg / jnp.maximum(deg, 1.0)[:, None] + p['b']


def _forward(x, edge_index, params):
    spec = x[:, :3]
    feats = x
    x1 = _leaky(_graph_conv(feats, edge_index, spec, params['gc1']))
    feats = jnp.concatenate([x1, feats], axis=1)
    x2 = _leaky(_graph_conv(feats, edge_index, spec, params['gc2']))
    feats = jnp.concatenate([x2, feats], axis=1)
    x3 = _leaky(_graph_conv(feats, edge_index, spec, params['gc3']))
    feats = jnp.concatenate([x3, feats], axis=1)
    x4 = _leaky(_graph_conv(feats, edge_index, spec, params['gc4']))
    # AdaptiveAvgPool2d((1, par)) on [1, N, par] -> mean over node axis -> [par]
    pooled = jnp.mean(x4, axis=0)
    z = _leaky(pooled @ params['lin1_w'] + params['lin1_b'])
    z = _leaky(z @ params['lin2_w'] + params['lin2_b'])
    z = z @ params['lin3_w'] + params['lin3_b']
    return z


def setup_inputs(seed: int = 0):
    key = jax.random.key(seed)
    ks = jax.random.split(key, 32)
    x = jax.random.normal(ks[0], (N_NODES, FEAT), dtype=jnp.float32)
    edge_index = jax.random.randint(ks[1], (2, N_EDGES), 0, N_NODES, dtype=jnp.int32)
    ins = [FEAT, FEAT + HID1, FEAT + HID1 + HID2, FEAT + HID1 + HID2 + HID3]
    outs = [HID1, HID2, HID3, PAR]
    params = {}
    kidx = 2
    for i in range(4):
        params['gc%d' % (i + 1)] = {
            'Wk': jax.random.normal(ks[kidx], (KER, ins[i], outs[i]), dtype=jnp.float32) * 0.05,
            'b': jnp.zeros((outs[i],), dtype=jnp.float32),
            'Kw1': jax.random.normal(ks[kidx + 1], (3, EMB), dtype=jnp.float32) * 0.05,
            'Kb1': jnp.zeros((EMB,), dtype=jnp.float32),
            'Kw2': jax.random.normal(ks[kidx + 2], (EMB, KER), dtype=jnp.float32) * 0.05,
            'Kb2': jnp.zeros((KER,), dtype=jnp.float32),
        }
        kidx += 3
    params['lin1_w'] = jax.random.normal(ks[kidx], (PAR, 16), dtype=jnp.float32) * 0.05
    params['lin1_b'] = jnp.zeros((16,), dtype=jnp.float32)
    params['lin2_w'] = jax.random.normal(ks[kidx + 1], (16, 8), dtype=jnp.float32) * 0.05
    params['lin2_b'] = jnp.zeros((8,), dtype=jnp.float32)
    params['lin3_w'] = jax.random.normal(ks[kidx + 2], (8, 1), dtype=jnp.float32) * 0.05
    params['lin3_b'] = jnp.zeros((1,), dtype=jnp.float32)
    return {'x': x, 'edge_index': edge_index, 'params': params}


def reference(x, edge_index, params):
    return _forward(x, edge_index, params)

if __name__ == "__main__":
    import jax
    _d = setup_inputs()
    print(jax.jit(kernel)(*tuple(_d.values())))

</pallas_src>

<mosaic_0001>
#map = affine_map<(d0, d1) -> (0)>
#map1 = affine_map<(d0, d1) -> (0, 0, 0)>
module attributes {stable_mosaic.version = 14 : i64} {
  func.func @_sc_prep_body(%arg0: i32, %arg1: i32, %arg2: memref<30000xf32, #tpu.memory_space<hbm>>, %arg3: memref<32x125x80xi32, #tpu.memory_space<hbm>>, %arg4: memref<32x125x80xi32, #tpu.memory_space<hbm>>, %arg5: memref<640xf32, #tpu.memory_space<hbm>>, %arg6: memref<32x3x10240xf32, #tpu.memory_space<hbm>>, %arg7: memref<2x1x10240xf32, #tpu.memory_space<hbm>>, %arg8: memref<30000xf32, #tpu.memory_space<vmem>>, %arg9: memref<125x80xi32, #tpu.memory_space<vmem>>, %arg10: memref<125x80xi32, #tpu.memory_space<vmem>>, %arg11: memref<3x10000xf32, #tpu.memory_space<vmem>>, %arg12: memref<80xf32, #tpu.memory_space<vmem>>, %arg13: memref<10240xf32, #tpu.memory_space<vmem_shared>>, %arg14: memref<!tpu.dma_semaphore, #tpu.memory_space<semaphore_mem>>) attributes {dimension_semantics = [#tpu.dimension_semantics<core_parallel>, #tpu.dimension_semantics<subcore_parallel>], iteration_bounds = array<i64: 2, 16>, scalar_prefetch = 0 : i64, scratch_operands = 7 : i64, tpu.core_type = #tpu.core_type<sc_vector_subcore>, window_params = [{transform_indices = #map}, {transform_indices = #map1}, {transform_indices = #map1}, {transform_indices = #map}, {transform_indices = #map1}, {transform_indices = #map1}]} {
    %mul3A = arith.constant 16 : i32
    %mul3A_0 = arith.muli %arg0, %mul3A : i32
    %add3A = arith.addi %mul3A_0, %arg1 : i32
    %mul3A_1 = arith.constant 640 : i32
    %mul3A_2 = arith.muli %arg1, %mul3A_1 : i32
    "tpu.region"() ({
      %run_scoped3A_39 = tpu.sem_alloc : memref<!tpu.dma_semaphore, #tpu.memory_space<semaphore_mem>>
      %dma_start3A = tpu.memref_slice %arg13[%mul3A_2] : memref<10240xf32, #tpu.memory_space<vmem_shared>> -> memref<640xf32, #tpu.memory_space<vmem_shared>>
      tpu.enqueue_dma source(%arg5 : memref<640xf32, #tpu.memory_space<hbm>>) target(%dma_start3A : memref<640xf32, #tpu.memory_space<vmem_shared>>) target_semaphore(%run_scoped3A_39 : memref<!tpu.dma_semaphore, #tpu.memory_space<semaphore_mem>>)
      %dma_wait3A = tpu.memref_slice %arg13[%mul3A_2] : memref<10240xf32, #tpu.memory_space<vmem_shared>> -> memref<640xf32, #tpu.memory_space<vmem_shared>>
      tpu.wait_dma2 semaphore(%run_scoped3A_39 : memref<!tpu.dma_semaphore, #tpu.memory_space<semaphore_mem>>) src(%arg5 : memref<640xf32, #tpu.memory_space<hbm>>) dst(%dma_wait3A : memref<640xf32, #tpu.memory_space<vmem_shared>>)
      tpu.yield
    }) : () -> ()
    "tpu.region"() ({
      %run_scoped3A_39 = tpu.sem_alloc : memref<!tpu.dma_semaphore, #tpu.memory_space<semaphore_mem>>
      %dma_start3A = arith.constant 0 : i32
      %dma_start3A_40 = arith.constant 0 : i32
      %dma_start3A_41 = tpu.memref_slice %arg3[%add3A, %dma_start3A, %dma_start3A_40] : memref<32x125x80xi32, #tpu.memory_space<hbm>> -> memref<1x125x80xi32, #tpu.memory_space<hbm>>
      %dma_start3A_42 = tpu.memref_squeeze %dma_start3A_41 : memref<1x125x80xi32, #tpu.memory_space<hbm>> -> memref<125x80xi32, #tpu.memory_space<hbm>>
      %dma_start3A_43 = arith.constant 0 : i32
      %dma_start3A_44 = arith.constant 0 : i32
      %dma_start3A_45 = tpu.memref_slice %arg3[%add3A, %dma_start3A_43, %dma_start3A_44] : memref<32x125x80xi32, #tpu.memory_space<hbm>> -> memref<1x125x80xi32, #tpu.memory_space<hbm>>
      %dma_start3A_46 = tpu.memref_squeeze %dma_start3A_45 : memref<1x125x80xi32, #tpu.memory_space<hbm>> -> memref<125x80xi32, #tpu.memory_space<hbm>>
      tpu.enqueue_dma source(%dma_start3A_46 : memref<125x80xi32, #tpu.memory_space<hbm>>) target(%arg9 : memref<125x80xi32, #tpu.memory_space<vmem>>) target_semaphore(%run_scoped3A_39 : memref<!tpu.dma_semaphore, #tpu.memory_space<semaphore_mem>>)
      %dma_wait3A = arith.constant 0 : i32
      %dma_wait3A_47 = arith.constant 0 : i32
      %dma_wait3A_48 = tpu.memref_slice %arg3[%add3A, %dma_wait3A, %dma_wait3A_47] : memref<32x125x80xi32, #tpu.memory_space<hbm>> -> memref<1x125x80xi32, #tpu.memory_space<hbm>>
      %dma_wait3A_49 = tpu.memref_squeeze %dma_wait3A_48 : memref<1x125x80xi32, #tpu.memory_space<hbm>> -> memref<125x80xi32, #tpu.memory_space<hbm>>
      %dma_wait3A_50 = arith.constant 0 : i32
      %dma_wait3A_51 = arith.constant 0 : i32
      %dma_wait3A_52 = tpu.memref_slice %arg3[%add3A, %dma_wait3A_50, %dma_wait3A_51] : memref<32x125x80xi32, #tpu.memory_space<hbm>> -> memref<1x125x80xi32, #tpu.memory_space<hbm>>
      %dma_wait3A_53 = tpu.memref_squeeze %dma_wait3A_52 : memref<1x125x80xi32, #tpu.memory_space<hbm>> -> memref<125x80xi32, #tpu.memory_space<hbm>>
      tpu.wait_dma2 semaphore(%run_scoped3A_39 : memref<!tpu.dma_semaphore, #tpu.memory_space<semaphore_mem>>) src(%dma_wait3A_53 : memref<125x80xi32, #tpu.memory_space<hbm>>) dst(%arg9 : memref<125x80xi32, #tpu.memory_space<vmem>>)
      tpu.yield
    }) : () -> ()
    "tpu.region"() ({
      %run_scoped3A_39 = tpu.sem_alloc : memref<!tpu.dma_semaphore, #tpu.memory_space<semaphore_mem>>
      %dma_start3A = arith.constant 0 : i32
      %dma_start3A_40 = arith.constant 0 : i32
      %dma_start3A_41 = tpu.memref_slice %arg4[%add3A, %dma_start3A, %dma_start3A_40] : memref<32x125x80xi32, #tpu.memory_space<hbm>> -> memref<1x125x80xi32, #tpu.memory_space<hbm>>
      %dma_start3A_42 = tpu.memref_squeeze %dma_start3A_41 : memref<1x125x80xi32, #tpu.memory_space<hbm>> -> memref<125x80xi32, #tpu.memory_space<hbm>>
      %dma_start3A_43 = arith.constant 0 : i32
      %dma_start3A_44 = arith.constant 0 : i32
      %dma_start3A_45 = tpu.memref_slice %arg4[%add3A, %dma_start3A_43, %dma_start3A_44] : memref<32x125x80xi32, #tpu.memory_space<hbm>> -> memref<1x125x80xi32, #tpu.memory_space<hbm>>
      %dma_start3A_46 = tpu.memref_squeeze %dma_start3A_45 : memref<1x125x80xi32, #tpu.memory_space<hbm>> -> memref<125x80xi32, #tpu.memory_space<hbm>>
      tpu.enqueue_dma source(%dma_start3A_46 : memref<125x80xi32, #tpu.memory_space<hbm>>) target(%arg10 : memref<125x80xi32, #tpu.memory_space<vmem>>) target_semaphore(%run_scoped3A_39 : memref<!tpu.dma_semaphore, #tpu.memory_space<semaphore_mem>>)
      %dma_wait3A = arith.constant 0 : i32
      %dma_wait3A_47 = arith.constant 0 : i32
      %dma_wait3A_48 = tpu.memref_slice %arg4[%add3A, %dma_wait3A, %dma_wait3A_47] : memref<32x125x80xi32, #tpu.memory_space<hbm>> -> memref<1x125x80xi32, #tpu.memory_space<hbm>>
      %dma_wait3A_49 = tpu.memref_squeeze %dma_wait3A_48 : memref<1x125x80xi32, #tpu.memory_space<hbm>> -> memref<125x80xi32, #tpu.memory_space<hbm>>
      %dma_wait3A_50 = arith.constant 0 : i32
      %dma_wait3A_51 = arith.constant 0 : i32
      %dma_wait3A_52 = tpu.memref_slice %arg4[%add3A, %dma_wait3A_50, %dma_wait3A_51] : memref<32x125x80xi32, #tpu.memory_space<hbm>> -> memref<1x125x80xi32, #tpu.memory_space<hbm>>
      %dma_wait3A_53 = tpu.memref_squeeze %dma_wait3A_52 : memref<1x125x80xi32, #tpu.memory_space<hbm>> -> memref<125x80xi32, #tpu.memory_space<hbm>>
      tpu.wait_dma2 semaphore(%run_scoped3A_39 : memref<!tpu.dma_semaphore, #tpu.memory_space<semaphore_mem>>) src(%dma_wait3A_53 : memref<125x80xi32, #tpu.memory_space<hbm>>) dst(%arg10 : memref<125x80xi32, #tpu.memory_space<vmem>>)
      tpu.yield
    }) : () -> ()
    "tpu.region"() ({
      %run_scoped3A_39 = tpu.sem_alloc : memref<!tpu.dma_semaphore, #tpu.memory_space<semaphore_mem>>
      tpu.enqueue_dma source(%arg2 : memref<30000xf32, #tpu.memory_space<hbm>>) target(%arg8 : memref<30000xf32, #tpu.memory_space<vmem>>) target_semaphore(%run_scoped3A_39 : memref<!tpu.dma_semaphore, #tpu.memory_space<semaphore_mem>>)
      tpu.wait_dma2 semaphore(%run_scoped3A_39 : memref<!tpu.dma_semaphore, #tpu.memory_space<semaphore_mem>>) src(%arg2 : memref<30000xf32, #tpu.memory_space<hbm>>) dst(%arg8 : memref<30000xf32, #tpu.memory_space<vmem>>)
      tpu.yield
    }) : () -> ()
    %broadcast_in_dim3A = arith.constant 1.000000e+00 : f32
    %broadcast_in_dim3A_3 = vector.broadcast %broadcast_in_dim3A : f32 to vector<16xf32>
    %swap3A = arith.constant 0 : index
    %swap3A_4 = tpu.vector_load %arg12[%swap3A] {strides = array<i32>} : memref<80xf32, #tpu.memory_space<vmem>>, vector<16xf32>,
    tpu.vector_store %arg12[%swap3A], %broadcast_in_dim3A_3 {strides = array<i32>} : memref<80xf32, #tpu.memory_space<vmem>>, vector<16xf32>,
    %broadcast_in_dim3A_5 = arith.constant 1.000000e+00 : f32
    %broadcast_in_dim3A_6 = vector.broadcast %broadcast_in_dim3A_5 : f32 to vector<16xf32>
    %swap3A_7 = arith.constant 16 : index
    %swap3A_8 = tpu.vector_load %arg12[%swap3A_7] {strides = array<i32>} : memref<80xf32, #tpu.memory_space<vmem>>, vector<16xf32>,
    tpu.vector_store %arg12[%swap3A_7], %broadcast_in_dim3A_6 {strides = array<i32>} : memref<80xf32, #tpu.memory_space<vmem>>, vector<16xf32>,
    %broadcast_in_dim3A_9 = arith.constant 1.000000e+00 : f32
    %broadcast_in_dim3A_10 = vector.broadcast %broadcast_in_dim3A_9 : f32 to vector<16xf32>
    %swap3A_11 = arith.constant 32 : index
    %swap3A_12 = tpu.vector_load %arg12[%swap3A_11] {strides = array<i32>} : memref<80xf32, #tpu.memory_space<vmem>>, vector<16xf32>,
    tpu.vector_store %arg12[%swap3A_11], %broadcast_in_dim3A_10 {strides = array<i32>} : memref<80xf32, #tpu.memory_space<vmem>>, vector<16xf32>,
    %broadcast_in_dim3A_13 = arith.constant 1.000000e+00 : f32
    %broadcast_in_dim3A_14 = vector.broadcast %broadcast_in_dim3A_13 : f32 to vector<16xf32>
    %swap3A_15 = arith.constant 48 : index
    %swap3A_16 = tpu.vector_load %arg12[%swap3A_15] {strides = array<i32>} : memref<80xf32, #tpu.memory_space<vmem>>, vector<16xf32>,
    tpu.vector_store %arg12[%swap3A_15], %broadcast_in_dim3A_14 {strides = array<i32>} : memref<80xf32, #tpu.memory_space<vmem>>, vector<16xf32>,
    %broadcast_in_dim3A_17 = arith.constant 1.000000e+00 : f32
    %broadcast_in_dim3A_18 = vector.broadcast %broadcast_in_dim3A_17 : f32 to vector<16xf32>
    %swap3A_19 = arith.constant 64 : index
    %swap3A_20 = tpu.vector_load %arg12[%swap3A_19] {strides = array<i32>} : memref<80xf32, #tpu.memory_space<vmem>>, vector<16xf32>,
    tpu.vector_store %arg12[%swap3A_19], %broadcast_in_dim3A_18 {strides = array<i32>} : memref<80xf32, #tpu.memory_space<vmem>>, vector<16xf32>,
    %barrier3A = arith.constant 0 : index
    tpu.barrier barrier_id(%barrier3A)
    %scan3A = arith.constant 0 : i32
    %scan3A_21 = arith.constant 0 : i32
    %scan3A_22 = arith.constant 625 : i32
    %scan3A_23 = arith.addi %scan3A_21, %scan3A_22 : i32
    %scan3A_24 = arith.constant 1 : i32
    scf.for %scan3A_39 = %scan3A_21 to %scan3A_23 step %scan3A_24  : i32 {
      %jit3A = arith.constant 5 : i32
      %div3A = arith.divsi %scan3A_39, %jit3A : i32
      %sign3A = arith.constant 0 : i32
      %sign3A_40 = arith.cmpi sgt, %scan3A_39, %sign3A : i32
      %sign3A_41 = arith.extui %sign3A_40 : i1 to i32
      %sign3A_42 = arith.constant 0 : i32
      %sign3A_43 = arith.cmpi slt, %scan3A_39, %sign3A_42 : i32
      %sign3A_44 = arith.extui %sign3A_43 : i1 to i32
      %sign3A_45 = arith.subi %sign3A_41, %sign3A_44 : i32
      %sign3A_46 = arith.constant 0 : i32
      %sign3A_47 = arith.cmpi sgt, %jit3A, %sign3A_46 : i32
      %sign3A_48 = arith.extui %sign3A_47 : i1 to i32
      %sign3A_49 = arith.constant 0 : i32
      %sign3A_50 = arith.cmpi slt, %jit3A, %sign3A_49 : i32
      %sign3A_51 = arith.extui %sign3A_50 : i1 to i32
      %sign3A_52 = arith.subi %sign3A_48, %sign3A_51 : i32
      %ne3A = arith.cmpi ne, %sign3A_45, %sign3A_52 : i32
      %rem3A = arith.remsi %scan3A_39, %jit3A : i32
      %ne3A_53 = arith.constant 0 : i32
      %ne3A_54 = arith.cmpi ne, %rem3A, %ne3A_53 : i32
      %and3A = arith.andi %ne3A, %ne3A_54 : i1
      %sub3A = arith.constant 1 : i32
      %sub3A_55 = arith.subi %div3A, %sub3A : i32
      %select_n3A = arith.select %and3A, %sub3A_55, %div3A : i32
      %jit3A_56 = arith.constant 5 : i32
      %eq3A = arith.constant 0 : i32
      %eq3A_57 = arith.cmpi eq, %jit3A_56, %eq3A : i32
      %jit3A_58 = arith.constant 1 : i32
      %select_n3A_59 = arith.select %eq3A_57, %jit3A_58, %jit3A_56 : i32
      %rem3A_60 = arith.remsi %scan3A_39, %select_n3A_59 : i32
      %ne3A_61 = arith.constant 0 : i32
      %ne3A_62 = arith.cmpi ne, %rem3A_60, %ne3A_61 : i32
      %lt3A = arith.constant 0 : i32
      %lt3A_63 = arith.cmpi slt, %rem3A_60, %lt3A : i32
      %lt3A_64 = arith.constant 0 : i32
      %lt3A_65 = arith.cmpi slt, %select_n3A_59, %lt3A_64 : i32
      %ne3A_66 = arith.xori %lt3A_63, %lt3A_65 : i1
      %and3A_67 = arith.andi %ne3A_66, %ne3A_62 : i1
      %add3A_68 = arith.addi %rem3A_60, %select_n3A_59 : i32
      %select_n3A_69 = arith.select %and3A_67, %add3A_68, %rem3A_60 : i32
      %mul3A_70 = arith.constant 16 : i32
      %mul3A_71 = arith.muli %select_n3A_69, %mul3A_70 : i32
      %get3A = arith.index_cast %select_n3A : i32 to index
      %get3A_72 = arith.index_cast %mul3A_71 : i32 to index
      %get3A_73 = tpu.vector_load %arg9[%get3A, %get3A_72] {strides = array<i32>} : memref<125x80xi32, #tpu.memory_space<vmem>>, vector<16xi32>,
      %mul3A_74 = arith.constant 3 : i32
      %mul3A_75 = vector.broadcast %mul3A_74 : i32 to vector<16xi32>
      %mul3A_76 = arith.muli %get3A_73, %mul3A_75 : vector<16xi32>
      %get3A_77 = arith.index_cast %select_n3A : i32 to index
      %get3A_78 = arith.index_cast %mul3A_71 : i32 to index
      %get3A_79 = tpu.vector_load %arg10[%get3A_77, %get3A_78] {strides = array<i32>} : memref<125x80xi32, #tpu.memory_space<vmem>>, vector<16xi32>,
      %mul3A_80 = arith.constant 3 : i32
      %mul3A_81 = vector.broadcast %mul3A_80 : i32 to vector<16xi32>
      %mul3A_82 = arith.muli %get3A_79, %mul3A_81 : vector<16xi32>
      %broadcast_in_dim3A_83 = arith.constant 0 : i32
      %broadcast_in_dim3A_84 = vector.broadcast %broadcast_in_dim3A_83 : i32 to vector<16xi32>
      %add3A_85 = arith.addi %mul3A_76, %broadcast_in_dim3A_84 : vector<16xi32>
      %gather3A = tpu.vector_load_idx %arg8[%add3A_85] : memref<30000xf32, #tpu.memory_space<vmem>>[vector<16xi32>], vector<16xf32>,
      %add3A_86 = arith.addi %mul3A_82, %broadcast_in_dim3A_84 : vector<16xi32>
      %gather3A_87 = tpu.vector_load_idx %arg8[%add3A_86] : memref<30000xf32, #tpu.memory_space<vmem>>[vector<16xi32>], vector<16xf32>,
      %sub3A_88 = arith.subf %gather3A_87, %gather3A : vector<16xf32>
      %mul3A_89 = arith.constant 16 : i32
      %mul3A_90 = arith.muli %scan3A_39, %mul3A_89 : i32
      %swap3A_91 = arith.constant 0 : i32
      %swap3A_92 = arith.index_cast %swap3A_91 : i32 to index
      %swap3A_93 = arith.index_cast %mul3A_90 : i32 to index
      %swap3A_94 = tpu.vector_load %arg11[%swap3A_92, %swap3A_93] {strides = array<i32>} : memref<3x10000xf32, #tpu.memory_space<vmem>>, vector<16xf32>,
      tpu.vector_store %arg11[%swap3A_92, %swap3A_93], %sub3A_88 {strides = array<i32>} : memref<3x10000xf32, #tpu.memory_space<vmem>>, vector<16xf32>,
      %broadcast_in_dim3A_95 = arith.constant 1 : i32
      %broadcast_in_dim3A_96 = vector.broadcast %broadcast_in_dim3A_95 : i32 to vector<16xi32>
      %add3A_97 = arith.addi %mul3A_76, %broadcast_in_dim3A_96 : vector<16xi32>
      %gather3A_98 = tpu.vector_load_idx %arg8[%add3A_97] : memref<30000xf32, #tpu.memory_space<vmem>>[vector<16xi32>], vector<16xf32>,
      %add3A_99 = arith.addi %mul3A_82, %broadcast_in_dim3A_96 : vector<16xi32>
      %gather3A_100 = tpu.vector_load_idx %arg8[%add3A_99] : memref<30000xf32, #tpu.memory_space<vmem>>[vector<16xi32>], vector<16xf32>,
      %sub3A_101 = arith.subf %gather3A_100, %gather3A_98 : vector<16xf32>
      %mul3A_102 = arith.constant 16 : i32
      %mul3A_103 = arith.muli %scan3A_39, %mul3A_102 : i32
      %swap3A_104 = arith.constant 1 : i32
      %swap3A_105 = arith.index_cast %swap3A_104 : i32 to index
      %swap3A_106 = arith.index_cast %mul3A_103 : i32 to index
      %swap3A_107 = tpu.vector_load %arg11[%swap3A_105, %swap3A_106] {strides = array<i32>} : memref<3x10000xf32, #tpu.memory_space<vmem>>, vector<16xf32>,
      tpu.vector_store %arg11[%swap3A_105, %swap3A_106], %sub3A_101 {strides = array<i32>} : memref<3x10000xf32, #tpu.memory_space<vmem>>, vector<16xf32>,
      %broadcast_in_dim3A_108 = arith.constant 2 : i32
      %broadcast_in_dim3A_109 = vector.broadcast %broadcast_in_dim3A_108 : i32 to vector<16xi32>
      %add3A_110 = arith.addi %mul3A_76, %broadcast_in_dim3A_109 : vector<16xi32>
      %gather3A_111 = tpu.vector_load_idx %arg8[%add3A_110] : memref<30000xf32, #tpu.memory_space<vmem>>[vector<16xi32>], vector<16xf32>,
      %add3A_112 = arith.addi %mul3A_82, %broadcast_in_dim3A_109 : vector<16xi32>
      %gather3A_113 = tpu.vector_load_idx %arg8[%add3A_112] : memref<30000xf32, #tpu.memory_space<vmem>>[vector<16xi32>], vector<16xf32>,
      %sub3A_114 = arith.subf %gather3A_113, %gather3A_111 : vector<16xf32>
      %mul3A_115 = arith.constant 16 : i32
      %mul3A_116 = arith.muli %scan3A_39, %mul3A_115 : i32
      %swap3A_117 = arith.constant 2 : i32
      %swap3A_118 = arith.index_cast %swap3A_117 : i32 to index
      %swap3A_119 = arith.index_cast %mul3A_116 : i32 to index
      %swap3A_120 = tpu.vector_load %arg11[%swap3A_118, %swap3A_119] {strides = array<i32>} : memref<3x10000xf32, #tpu.memory_space<vmem>>, vector<16xf32>,
      tpu.vector_store %arg11[%swap3A_118, %swap3A_119], %sub3A_114 {strides = array<i32>} : memref<3x10000xf32, #tpu.memory_space<vmem>>, vector<16xf32>,
    }
    %scan3A_25 = arith.constant 625 : i32
    "tpu.region"() ({
      %run_scoped3A_39 = tpu.sem_alloc : memref<!tpu.dma_semaphore, #tpu.memory_space<semaphore_mem>>
      %dma_start3A = arith.constant 0 : i32
      %dma_start3A_40 = arith.constant 0 : i32
      %dma_start3A_41 = tpu.memref_slice %arg6[%add3A, %dma_start3A, %dma_start3A_40] : memref<32x3x10240xf32, #tpu.memory_space<hbm>> -> memref<1x3x10000xf32, #tpu.memory_space<hbm>>
      %dma_start3A_42 = tpu.memref_squeeze %dma_start3A_41 : memref<1x3x10000xf32, #tpu.memory_space<hbm>> -> memref<3x10000xf32, #tpu.memory_space<hbm>>
      %dma_start3A_43 = arith.constant 0 : i32
      %dma_start3A_44 = arith.constant 0 : i32
      %dma_start3A_45 = tpu.memref_slice %arg6[%add3A, %dma_start3A_43, %dma_start3A_44] : memref<32x3x10240xf32, #tpu.memory_space<hbm>> -> memref<1x3x10000xf32, #tpu.memory_space<hbm>>
      %dma_start3A_46 = tpu.memref_squeeze %dma_start3A_45 : memref<1x3x10000xf32, #tpu.memory_space<hbm>> -> memref<3x10000xf32, #tpu.memory_space<hbm>>
      tpu.enqueue_dma source(%arg11 : memref<3x10000xf32, #tpu.memory_space<vmem>>) target(%dma_start3A_46 : memref<3x10000xf32, #tpu.memory_space<hbm>>) target_semaphore(%run_scoped3A_39 : memref<!tpu.dma_semaphore, #tpu.memory_space<semaphore_mem>>)
      %dma_wait3A = arith.constant 0 : i32
      %dma_wait3A_47 = arith.constant 0 : i32
      %dma_wait3A_48 = tpu.memref_slice %arg6[%add3A, %dma_wait3A, %dma_wait3A_47] : memref<32x3x10240xf32, #tpu.memory_space<hbm>> -> memref<1x3x10000xf32, #tpu.memory_space<hbm>>
      %dma_wait3A_49 = tpu.memref_squeeze %dma_wait3A_48 : memref<1x3x10000xf32, #tpu.memory_space<hbm>> -> memref<3x10000xf32, #tpu.memory_space<hbm>>
      %dma_wait3A_50 = arith.constant 0 : i32
      %dma_wait3A_51 = arith.constant 0 : i32
      %dma_wait3A_52 = tpu.memref_slice %arg6[%add3A, %dma_wait3A_50, %dma_wait3A_51] : memref<32x3x10240xf32, #tpu.memory_space<hbm>> -> memref<1x3x10000xf32, #tpu.memory_space<hbm>>
      %dma_wait3A_53 = tpu.memref_squeeze %dma_wait3A_52 : memref<1x3x10000xf32, #tpu.memory_space<hbm>> -> memref<3x10000xf32, #tpu.memory_space<hbm>>
      tpu.wait_dma2 semaphore(%run_scoped3A_39 : memref<!tpu.dma_semaphore, #tpu.memory_space<semaphore_mem>>) src(%arg11 : memref<3x10000xf32, #tpu.memory_space<vmem>>) dst(%dma_wait3A_53 : memref<3x10000xf32, #tpu.memory_space<hbm>>)
      tpu.yield
    }) : () -> ()
    %scan3A_26 = arith.constant 0 : i32
    %scan3A_27 = arith.constant 0 : i32
    %scan3A_28 = arith.constant 125 : i32
    %scan3A_29 = arith.addi %scan3A_27, %scan3A_28 : i32
    %scan3A_30 = arith.constant 1 : i32
    scf.for %scan3A_39 = %scan3A_27 to %scan3A_29 step %scan3A_30  : i32 {
      %dma_start3A = arith.constant 0 : i32
      %dma_start3A_40 = tpu.memref_slice %arg10[%scan3A_39, %dma_start3A] : memref<125x80xi32, #tpu.memory_space<vmem>> -> memref<1x80xi32, #tpu.memory_space<vmem>>
      %dma_start3A_41 = tpu.memref_squeeze %dma_start3A_40 : memref<1x80xi32, #tpu.memory_space<vmem>> -> memref<80xi32, #tpu.memory_space<vmem>>
      %dma_start3A_42 = arith.constant 0 : i32
      %dma_start3A_43 = tpu.memref_slice %arg13[%dma_start3A_42] : memref<10240xf32, #tpu.memory_space<vmem_shared>> -> memref<10240xf32, #tpu.memory_space<vmem_shared>>
      tpu.enqueue_indirect_dma source(%arg12 : memref<80xf32, #tpu.memory_space<vmem>>) target(%dma_start3A_43 : memref<10240xf32, #tpu.memory_space<vmem_shared>>) offsets(%dma_start3A_41 : memref<80xi32, #tpu.memory_space<vmem>>) semaphore(%arg14 : memref<!tpu.dma_semaphore, #tpu.memory_space<semaphore_mem>>) {add = true}
      %ge3A = arith.constant 8 : i32
      %ge3A_44 = arith.cmpi sge, %scan3A_39, %ge3A : i32
      %convert_element_type3A = arith.extui %ge3A_44 : i1 to i32
      %cond3A = arith.constant 0 : i32
      %cond3A_45 = arith.cmpi ne, %convert_element_type3A, %cond3A : i32
      scf.if %cond3A_45 {
        %dma_wait3A = arith.constant 0 : i32
        %dma_wait3A_46 = arith.constant 0 : i32
        %dma_wait3A_47 = tpu.memref_slice %arg10[%dma_wait3A, %dma_wait3A_46] : memref<125x80xi32, #tpu.memory_space<vmem>> -> memref<1x80xi32, #tpu.memory_space<vmem>>
        %dma_wait3A_48 = tpu.memref_squeeze %dma_wait3A_47 : memref<1x80xi32, #tpu.memory_space<vmem>> -> memref<80xi32, #tpu.memory_space<vmem>>
        %dma_wait3A_49 = arith.constant 0 : i32
        %dma_wait3A_50 = tpu.memref_slice %arg13[%dma_wait3A_49] : memref<10240xf32, #tpu.memory_space<vmem_shared>> -> memref<10240xf32, #tpu.memory_space<vmem_shared>>
        tpu.wait_indirect_dma semaphore(%arg14 : memref<!tpu.dma_semaphore, #tpu.memory_space<semaphore_mem>>) src(%arg12 : memref<80xf32, #tpu.memory_space<vmem>>) dst(%dma_wait3A_50 : memref<10240xf32, #tpu.memory_space<vmem_shared>>)
      } else {
      }
    }
    %scan3A_31 = arith.constant 125 : i32
    %scan3A_32 = arith.constant 0 : i32
    %scan3A_33 = arith.constant 0 : i32
    %scan3A_34 = arith.constant 8 : i32
    %scan3A_35 = arith.addi %scan3A_33, %scan3A_34 : i32
    %scan3A_36 = arith.constant 1 : i32
    scf.for %scan3A_39 = %scan3A_33 to %scan3A_35 step %scan3A_36  : i32 {
      %dma_wait3A = arith.constant 0 : i32
      %dma_wait3A_40 = arith.constant 0 : i32
      %dma_wait3A_41 = tpu.memref_slice %arg10[%dma_wait3A, %dma_wait3A_40] : memref<125x80xi32, #tpu.memory_space<vmem>> -> memref<1x80xi32, #tpu.memory_space<vmem>>
      %dma_wait3A_42 = tpu.memref_squeeze %dma_wait3A_41 : memref<1x80xi32, #tpu.memory_space<vmem>> -> memref<80xi32, #tpu.memory_space<vmem>>
      %dma_wait3A_43 = arith.constant 0 : i32
      %dma_wait3A_44 = tpu.memref_slice %arg13[%dma_wait3A_43] : memref<10240xf32, #tpu.memory_space<vmem_shared>> -> memref<10240xf32, #tpu.memory_space<vmem_shared>>
      tpu.wait_indirect_dma semaphore(%arg14 : memref<!tpu.dma_semaphore, #tpu.memory_space<semaphore_mem>>) src(%arg12 : memref<80xf32, #tpu.memory_space<vmem>>) dst(%dma_wait3A_44 : memref<10240xf32, #tpu.memory_space<vmem_shared>>)
    }
    %scan3A_37 = arith.constant 8 : i32
    %barrier3A_38 = arith.constant 0 : index
    tpu.barrier barrier_id(%barrier3A_38)
    %run_scoped3A = arith.constant 0 : i32
    "tpu.region"() ({
      %run_scoped3A_39 = tpu.sem_alloc : memref<!tpu.dma_semaphore, #tpu.memory_space<semaphore_mem>>
      %dma_start3A = tpu.memref_slice %arg7[%arg0, %run_scoped3A, %mul3A_2] : memref<2x1x10240xf32, #tpu.memory_space<hbm>> -> memref<1x1x640xf32, #tpu.memory_space<hbm>>
      %dma_start3A_40 = tpu.memref_squeeze %dma_start3A : memref<1x1x640xf32, #tpu.memory_space<hbm>> -> memref<640xf32, #tpu.memory_space<hbm>>
      %dma_start3A_41 = tpu.memref_slice %arg13[%mul3A_2] : memref<10240xf32, #tpu.memory_space<vmem_shared>> -> memref<640xf32, #tpu.memory_space<vmem_shared>>
      tpu.enqueue_dma source(%dma_start3A_41 : memref<640xf32, #tpu.memory_space<vmem_shared>>) target(%dma_start3A_40 : memref<640xf32, #tpu.memory_space<hbm>>) target_semaphore(%run_scoped3A_39 : memref<!tpu.dma_semaphore, #tpu.memory_space<semaphore_mem>>)
      %dma_wait3A = tpu.memref_slice %arg7[%arg0, %run_scoped3A, %mul3A_2] : memref<2x1x10240xf32, #tpu.memory_space<hbm>> -> memref<1x1x640xf32, #tpu.memory_space<hbm>>
      %dma_wait3A_42 = tpu.memref_squeeze %dma_wait3A : memref<1x1x640xf32, #tpu.memory_space<hbm>> -> memref<640xf32, #tpu.memory_space<hbm>>
      %dma_wait3A_43 = tpu.memref_slice %arg13[%mul3A_2] : memref<10240xf32, #tpu.memory_space<vmem_shared>> -> memref<640xf32, #tpu.memory_space<vmem_shared>>
      tpu.wait_dma2 semaphore(%run_scoped3A_39 : memref<!tpu.dma_semaphore, #tpu.memory_space<semaphore_mem>>) src(%dma_wait3A_43 : memref<640xf32, #tpu.memory_space<vmem_shared>>) dst(%dma_wait3A_42 : memref<640xf32, #tpu.memory_space<hbm>>)
      tpu.yield
    }) : () -> ()
    return
  }
}

#map = affine_map<(d0, d1) -> (0, 0)>
#map1 = affine_map<(d0, d1) -> (0, 0, 0)>
#map2 = affine_map<(d0, d1) -> (0, 0, 0, 0)>
#map3 = affine_map<(d0, d1) -> (0)>
module attributes {stable_mosaic.version = 14 : i64} {
  func.func @_sc_edge_body(%arg0: i32, %arg1: i32, %arg2: memref<10000x512xf32, #tpu.memory_space<hbm>>, %arg3: memref<32x250x40xi32, #tpu.memory_space<hbm>>, %arg4: memref<32x250x40xi32, #tpu.memory_space<hbm>>, %arg5: memref<4x32x16x10240xf32, #tpu.memory_space<hbm>>, %arg6: memref<16xi32, #tpu.memory_space<hbm>>, %arg7: memref<640x64xf32, #tpu.memory_space<hbm>>, %arg8: memref<2x10240x64xf32, #tpu.memory_space<hbm>>, %arg9: memref<250x40xi32, #tpu.memory_space<vmem>>, %arg10: memref<250x40xi32, #tpu.memory_space<vmem>>, %arg11: memref<16xi32, #tpu.memory_space<vmem>>, %arg12: memref<16x40xf32, #tpu.memory_space<vmem>>, %arg13: memref<16x40xf32, #tpu.memory_space<vmem>>, %arg14: memref<40x512xf32, #tpu.memory_space<vmem>>, %arg15: memref<40x512xf32, #tpu.memory_space<vmem>>, %arg16: memref<40x64xf32, #tpu.memory_space<vmem>>, %arg17: memref<40x64xf32, #tpu.memory_space<vmem>>, %arg18: memref<10240x64xf32, #tpu.memory_space<vmem_shared>>, %arg19: memref<!tpu.dma_semaphore, #tpu.memory_space<semaphore_mem>>, %arg20: memref<!tpu.dma_semaphore, #tpu.memory_space<semaphore_mem>>, %arg21: memref<!tpu.dma_semaphore, #tpu.memory_space<semaphore_mem>>, %arg22: memref<!tpu.dma_semaphore, #tpu.memory_space<semaphore_mem>>, %arg23: memref<!tpu.dma_semaphore, #tpu.memory_space<semaphore_mem>>, %arg24: memref<!tpu.dma_semaphore, #tpu.memory_space<semaphore_mem>>) attributes {dimension_semantics = [#tpu.dimension_semantics<core_parallel>, #tpu.dimension_semantics<subcore_parallel>], iteration_bounds = array<i64: 2, 16>, scalar_prefetch = 0 : i64, scratch_operands = 16 : i64, tpu.core_type = #tpu.core_type<sc_vector_subcore>, window_params = [{transform_indices = #map}, {transform_indices = #map1}, {transform_indices = #map1}, {transform_indices = #map2}, {transform_indices = #map3}, {transform_indices = #map}, {transform_indices = #map1}]} {
    %mul3A = arith.constant 16 : i32
    %mul3A_0 = arith.muli %arg0, %mul3A : i32
    %add3A = arith.addi %mul3A_0, %arg1 : i32
    %mul3A_1 = arith.constant 640 : i32
    %mul3A_2 = arith.muli %arg1, %mul3A_1 : i32
    "tpu.region"() ({
      %run_scoped3A = tpu.sem_alloc : memref<!tpu.dma_semaphore, #tpu.memory_space<semaphore_mem>>
      tpu.enqueue_dma source(%arg6 : memref<16xi32, #tpu.memory_space<hbm>>) target(%arg11 : memref<16xi32, #tpu.memory_space<vmem>>) target_semaphore(%run_scoped3A : memref<!tpu.dma_semaphore, #tpu.memory_space<semaphore_mem>>)
      tpu.wait_dma2 semaphore(%run_scoped3A : memref<!tpu.dma_semaphore, #tpu.memory_space<semaphore_mem>>) src(%arg6 : memref<16xi32, #tpu.memory_space<hbm>>) dst(%arg11 : memref<16xi32, #tpu.memory_space<vmem>>)
      tpu.yield
    }) : () -> ()
    %get3A = arith.constant 0 : index
    %get3A_3 = tpu.vector_load %arg11[%get3A] {strides = array<i32>} : memref<16xi32, #tpu.memory_space<vmem>>, vector<16xi32>,
    %slice3A = vector.extract_strided_slice %get3A_3 {offsets = [0], sizes = [1], strides = [1]} : vector<16xi32> to vector<1xi32>
    %squeeze3A = vector.extract %slice3A[0] : i32 from vector<1xi32>
    "tpu.region"() ({
      %run_scoped3A = tpu.sem_alloc : memref<!tpu.dma_semaphore, #tpu.memory_space<semaphore_mem>>
      %dma_start3A_37 = arith.constant 0 : i32
      %dma_start3A_38 = tpu.memref_slice %arg18[%mul3A_2, %dma_start3A_37] : memref<10240x64xf32, #tpu.memory_space<vmem_shared>> -> memref<640x64xf32, #tpu.memory_space<vmem_shared>>
      tpu.enqueue_dma source(%arg7 : memref<640x64xf32, #tpu.memory_space<hbm>>) target(%dma_start3A_38 : memref<640x64xf32, #tpu.memory_space<vmem_shared>>) target_semaphore(%run_scoped3A : memref<!tpu.dma_semaphore, #tpu.memory_space<semaphore_mem>>)
      %dma_wait3A_39 = arith.constant 0 : i32
      %dma_wait3A_40 = tpu.memref_slice %arg18[%mul3A_2, %dma_wait3A_39] : memref<10240x64xf32, #tpu.memory_space<vmem_shared>> -> memref<640x64xf32, #tpu.memory_space<vmem_shared>>
      tpu.wait_dma2 semaphore(%run_scoped3A : memref<!tpu.dma_semaphore, #tpu.memory_space<semaphore_mem>>) src(%arg7 : memref<640x64xf32, #tpu.memory_space<hbm>>) dst(%dma_wait3A_40 : memref<640x64xf32, #tpu.memory_space<vmem_shared>>)
      tpu.yield
    }) : () -> ()
    "tpu.region"() ({
      %run_scoped3A = tpu.sem_alloc : memref<!tpu.dma_semaphore, #tpu.memory_space<semaphore_mem>>
      %dma_start3A_37 = arith.constant 0 : i32
      %dma_start3A_38 = arith.constant 0 : i32
      %dma_start3A_39 = tpu.memref_slice %arg3[%add3A, %dma_start3A_37, %dma_start3A_38] : memref<32x250x40xi32, #tpu.memory_space<hbm>> -> memref<1x250x40xi32, #tpu.memory_space<hbm>>
      %dma_start3A_40 = tpu.memref_squeeze %dma_start3A_39 : memref<1x250x40xi32, #tpu.memory_space<hbm>> -> memref<250x40xi32, #tpu.memory_space<hbm>>
      %dma_start3A_41 = arith.constant 0 : i32
      %dma_start3A_42 = arith.constant 0 : i32
      %dma_start3A_43 = tpu.memref_slice %arg3[%add3A, %dma_start3A_41, %dma_start3A_42] : memref<32x250x40xi32, #tpu.memory_space<hbm>> -> memref<1x250x40xi32, #tpu.memory_space<hbm>>
      %dma_start3A_44 = tpu.memref_squeeze %dma_start3A_43 : memref<1x250x40xi32, #tpu.memory_space<hbm>> -> memref<250x40xi32, #tpu.memory_space<hbm>>
      tpu.enqueue_dma source(%dma_start3A_44 : memref<250x40xi32, #tpu.memory_space<hbm>>) target(%arg9 : memref<250x40xi32, #tpu.memory_space<vmem>>) target_semaphore(%run_scoped3A : memref<!tpu.dma_semaphore, #tpu.memory_space<semaphore_mem>>)
      %dma_wait3A_45 = arith.constant 0 : i32
      %dma_wait3A_46 = arith.constant 0 : i32
      %dma_wait3A_47 = tpu.memref_slice %arg3[%add3A, %dma_wait3A_45, %dma_wait3A_46] : memref<32x250x40xi32, #tpu.memory_space<hbm>> -> memref<1x250x40xi32, #tpu.memory_space<hbm>>
      %dma_wait3A_48 = tpu.memref_squeeze %dma_wait3A_47 : memref<1x250x40xi32, #tpu.memory_space<hbm>> -> memref<250x40xi32, #tpu.memory_space<hbm>>
      %dma_wait3A_49 = arith.constant 0 : i32
      %dma_wait3A_50 = arith.constant 0 : i32
      %dma_wait3A_51 = tpu.memref_slice %arg3[%add3A, %dma_wait3A_49, %dma_wait3A_50] : memref<32x250x40xi32, #tpu.memory_space<hbm>> -> memref<1x250x40xi32, #tpu.memory_space<hbm>>
      %dma_wait3A_52 = tpu.memref_squeeze %dma_wait3A_51 : memref<1x250x40xi32, #tpu.memory_space<hbm>> -> memref<250x40xi32, #tpu.memory_space<hbm>>
      tpu.wait_dma2 semaphore(%run_scoped3A : memref<!tpu.dma_semaphore, #tpu.memory_space<semaphore_mem>>) src(%dma_wait3A_52 : memref<250x40xi32, #tpu.memory_space<hbm>>) dst(%arg9 : memref<250x40xi32, #tpu.memory_space<vmem>>)
      tpu.yield
    }) : () -> ()
    "tpu.region"() ({
      %run_scoped3A = tpu.sem_alloc : memref<!tpu.dma_semaphore, #tpu.memory_space<semaphore_mem>>
      %dma_start3A_37 = arith.constant 0 : i32
      %dma_start3A_38 = arith.constant 0 : i32
      %dma_start3A_39 = tpu.memref_slice %arg4[%add3A, %dma_start3A_37, %dma_start3A_38] : memref<32x250x40xi32, #tpu.memory_space<hbm>> -> memref<1x250x40xi32, #tpu.memory_space<hbm>>
      %dma_start3A_40 = tpu.memref_squeeze %dma_start3A_39 : memref<1x250x40xi32, #tpu.memory_space<hbm>> -> memref<250x40xi32, #tpu.memory_space<hbm>>
      %dma_start3A_41 = arith.constant 0 : i32
      %dma_start3A_42 = arith.constant 0 : i32
      %dma_start3A_43 = tpu.memref_slice %arg4[%add3A, %dma_start3A_41, %dma_start3A_42] : memref<32x250x40xi32, #tpu.memory_space<hbm>> -> memref<1x250x40xi32, #tpu.memory_space<hbm>>
      %dma_start3A_44 = tpu.memref_squeeze %dma_start3A_43 : memref<1x250x40xi32, #tpu.memory_space<hbm>> -> memref<250x40xi32, #tpu.memory_space<hbm>>
      tpu.enqueue_dma source(%dma_start3A_44 : memref<250x40xi32, #tpu.memory_space<hbm>>) target(%arg10 : memref<250x40xi32, #tpu.memory_space<vmem>>) target_semaphore(%run_scoped3A : memref<!tpu.dma_semaphore, #tpu.memory_space<semaphore_mem>>)
      %dma_wait3A_45 = arith.constant 0 : i32
      %dma_wait3A_46 = arith.constant 0 : i32
      %dma_wait3A_47 = tpu.memref_slice %arg4[%add3A, %dma_wait3A_45, %dma_wait3A_46] : memref<32x250x40xi32, #tpu.memory_space<hbm>> -> memref<1x250x40xi32, #tpu.memory_space<hbm>>
      %dma_wait3A_48 = tpu.memref_squeeze %dma_wait3A_47 : memref<1x250x40xi32, #tpu.memory_space<hbm>> -> memref<250x40xi32, #tpu.memory_space<hbm>>
      %dma_wait3A_49 = arith.constant 0 : i32
      %dma_wait3A_50 = arith.constant 0 : i32
      %dma_wait3A_51 = tpu.memref_slice %arg4[%add3A, %dma_wait3A_49, %dma_wait3A_50] : memref<32x250x40xi32, #tpu.memory_space<hbm>> -> memref<1x250x40xi32, #tpu.memory_space<hbm>>
      %dma_wait3A_52 = tpu.memref_squeeze %dma_wait3A_51 : memref<1x250x40xi32, #tpu.memory_space<hbm>> -> memref<250x40xi32, #tpu.memory_space<hbm>>
      tpu.wait_dma2 semaphore(%run_scoped3A : memref<!tpu.dma_semaphore, #tpu.memory_space<semaphore_mem>>) src(%dma_wait3A_52 : memref<250x40xi32, #tpu.memory_space<hbm>>) dst(%arg10 : memref<250x40xi32, #tpu.memory_space<vmem>>)
      tpu.yield
    }) : () -> ()
    %iota3A = tpu.iota {dimensions = array<i32: 0>} : vector<16xi32>
    %dma_start3A = arith.constant 0 : i32
    %dma_start3A_4 = arith.constant 0 : i32
    %dma_start3A_5 = tpu.memref_slice %arg5[%squeeze3A, %add3A, %dma_start3A, %dma_start3A_4] : memref<4x32x16x10240xf32, #tpu.memory_space<hbm>> -> memref<1x1x16x40xf32, #tpu.memory_space<hbm>>
    %dma_start3A_6 = tpu.memref_squeeze %dma_start3A_5 : memref<1x1x16x40xf32, #tpu.memory_space<hbm>> -> memref<16x40xf32, #tpu.memory_space<hbm>>
    %dma_start3A_7 = arith.constant 0 : i32
    %dma_start3A_8 = arith.constant 0 : i32
    %dma_start3A_9 = tpu.memref_slice %arg5[%squeeze3A, %add3A, %dma_start3A_7, %dma_start3A_8] : memref<4x32x16x10240xf32, #tpu.memory_space<hbm>> -> memref<1x1x16x40xf32, #tpu.memory_space<hbm>>
    %dma_start3A_10 = tpu.memref_squeeze %dma_start3A_9 : memref<1x1x16x40xf32, #tpu.memory_space<hbm>> -> memref<16x40xf32, #tpu.memory_space<hbm>>
    tpu.enqueue_dma source(%dma_start3A_10 : memref<16x40xf32, #tpu.memory_space<hbm>>) target(%arg12 : memref<16x40xf32, #tpu.memory_space<vmem>>) target_semaphore(%arg21 : memref<!tpu.dma_semaphore, #tpu.memory_space<semaphore_mem>>)
    %dma_start3A_11 = arith.constant 0 : i32
    %dma_start3A_12 = arith.constant 0 : i32
    %dma_start3A_13 = tpu.memref_slice %arg9[%dma_start3A_11, %dma_start3A_12] : memref<250x40xi32, #tpu.memory_space<vmem>> -> memref<1x40xi32, #tpu.memory_space<vmem>>
    %dma_start3A_14 = tpu.memref_squeeze %dma_start3A_13 : memref<1x40xi32, #tpu.memory_space<vmem>> -> memref<40xi32, #tpu.memory_space<vmem>>
    %dma_start3A_15 = arith.constant 0 : i32
    %dma_start3A_16 = arith.constant 0 : i32
    %dma_start3A_17 = tpu.memref_slice %arg2[%dma_start3A_15, %dma_start3A_16] : memref<10000x512xf32, #tpu.memory_space<hbm>> -> memref<10000x512xf32, #tpu.memory_space<hbm>>
    tpu.enqueue_indirect_dma source(%dma_start3A_17 : memref<10000x512xf32, #tpu.memory_space<hbm>>) target(%arg14 : memref<40x512xf32, #tpu.memory_space<vmem>>) offsets(%dma_start3A_14 : memref<40xi32, #tpu.memory_space<vmem>>) semaphore(%arg19 : memref<!tpu.dma_semaphore, #tpu.memory_space<semaphore_mem>>)
    %barrier3A = arith.constant 0 : index
    tpu.barrier barrier_id(%barrier3A)
    %scan3A = arith.constant 0 : i32
    %scan3A_18 = arith.constant 0 : i32
    %scan3A_19 = arith.constant 125 : i32
    %scan3A_20 = arith.addi %scan3A_18, %scan3A_19 : i32
    %scan3A_21 = arith.constant 1 : i32
    scf.for %scan3A_37 = %scan3A_18 to %scan3A_20 step %scan3A_21  : i32 {
      %mul3A_38 = arith.constant 2 : i32
      %mul3A_39 = arith.muli %scan3A_37, %mul3A_38 : i32
      %add3A_40 = arith.constant 1 : i32
      %add3A_41 = arith.addi %mul3A_39, %add3A_40 : i32
      %mul3A_42 = arith.constant 40 : i32
      %mul3A_43 = arith.muli %add3A_41, %mul3A_42 : i32
      %dma_start3A_44 = arith.constant 0 : i32
      %dma_start3A_45 = tpu.memref_slice %arg5[%squeeze3A, %add3A, %dma_start3A_44, %mul3A_43] : memref<4x32x16x10240xf32, #tpu.memory_space<hbm>> -> memref<1x1x16x40xf32, #tpu.memory_space<hbm>>
      %dma_start3A_46 = tpu.memref_squeeze %dma_start3A_45 : memref<1x1x16x40xf32, #tpu.memory_space<hbm>> -> memref<16x40xf32, #tpu.memory_space<hbm>>
      %dma_start3A_47 = arith.constant 0 : i32
      %dma_start3A_48 = tpu.memref_slice %arg5[%squeeze3A, %add3A, %dma_start3A_47, %mul3A_43] : memref<4x32x16x10240xf32, #tpu.memory_space<hbm>> -> memref<1x1x16x40xf32, #tpu.memory_space<hbm>>
      %dma_start3A_49 = tpu.memref_squeeze %dma_start3A_48 : memref<1x1x16x40xf32, #tpu.memory_space<hbm>> -> memref<16x40xf32, #tpu.memory_space<hbm>>
      tpu.enqueue_dma source(%dma_start3A_49 : memref<16x40xf32, #tpu.memory_space<hbm>>) target(%arg13 : memref<16x40xf32, #tpu.memory_space<vmem>>) target_semaphore(%arg22 : memref<!tpu.dma_semaphore, #tpu.memory_space<semaphore_mem>>)
      %dma_start3A_50 = arith.constant 0 : i32
      %dma_start3A_51 = tpu.memref_slice %arg9[%add3A_41, %dma_start3A_50] : memref<250x40xi32, #tpu.memory_space<vmem>> -> memref<1x40xi32, #tpu.memory_space<vmem>>
      %dma_start3A_52 = tpu.memref_squeeze %dma_start3A_51 : memref<1x40xi32, #tpu.memory_space<vmem>> -> memref<40xi32, #tpu.memory_space<vmem>>
      %dma_start3A_53 = arith.constant 0 : i32
      %dma_start3A_54 = arith.constant 0 : i32
      %dma_start3A_55 = tpu.memref_slice %arg2[%dma_start3A_53, %dma_start3A_54] : memref<10000x512xf32, #tpu.memory_space<hbm>> -> memref<10000x512xf32, #tpu.memory_space<hbm>>
      tpu.enqueue_indirect_dma source(%dma_start3A_55 : memref<10000x512xf32, #tpu.memory_space<hbm>>) target(%arg15 : memref<40x512xf32, #tpu.memory_space<vmem>>) offsets(%dma_start3A_52 : memref<40xi32, #tpu.memory_space<vmem>>) semaphore(%arg20 : memref<!tpu.dma_semaphore, #tpu.memory_space<semaphore_mem>>)
      %mul3A_56 = arith.constant 40 : i32
      %mul3A_57 = arith.muli %mul3A_39, %mul3A_56 : i32
      %dma_wait3A_58 = arith.constant 0 : i32
      %dma_wait3A_59 = tpu.memref_slice %arg5[%squeeze3A, %add3A, %dma_wait3A_58, %mul3A_57] : memref<4x32x16x10240xf32, #tpu.memory_space<hbm>> -> memref<1x1x16x40xf32, #tpu.memory_space<hbm>>
      %dma_wait3A_60 = tpu.memref_squeeze %dma_wait3A_59 : memref<1x1x16x40xf32, #tpu.memory_space<hbm>> -> memref<16x40xf32, #tpu.memory_space<hbm>>
      %dma_wait3A_61 = arith.constant 0 : i32
      %dma_wait3A_62 = tpu.memref_slice %arg5[%squeeze3A, %add3A, %dma_wait3A_61, %mul3A_57] : memref<4x32x16x10240xf32, #tpu.memory_space<hbm>> -> memref<1x1x16x40xf32, #tpu.memory_space<hbm>>
      %dma_wait3A_63 = tpu.memref_squeeze %dma_wait3A_62 : memref<1x1x16x40xf32, #tpu.memory_space<hbm>> -> memref<16x40xf32, #tpu.memory_space<hbm>>
      tpu.wait_dma2 semaphore(%arg21 : memref<!tpu.dma_semaphore, #tpu.memory_space<semaphore_mem>>) src(%dma_wait3A_63 : memref<16x40xf32, #tpu.memory_space<hbm>>) dst(%arg12 : memref<16x40xf32, #tpu.memory_space<vmem>>)
      %dma_wait3A_64 = arith.constant 0 : i32
      %dma_wait3A_65 = tpu.memref_slice %arg9[%mul3A_39, %dma_wait3A_64] : memref<250x40xi32, #tpu.memory_space<vmem>> -> memref<1x40xi32, #tpu.memory_space<vmem>>
      %dma_wait3A_66 = tpu.memref_squeeze %dma_wait3A_65 : memref<1x40xi32, #tpu.memory_space<vmem>> -> memref<40xi32, #tpu.memory_space<vmem>>
      %dma_wait3A_67 = arith.constant 0 : i32
      %dma_wait3A_68 = arith.constant 0 : i32
      %dma_wait3A_69 = tpu.memref_slice %arg2[%dma_wait3A_67, %dma_wait3A_68] : memref<10000x512xf32, #tpu.memory_space<hbm>> -> memref<10000x512xf32, #tpu.memory_space<hbm>>
      tpu.wait_indirect_dma semaphore(%arg19 : memref<!tpu.dma_semaphore, #tpu.memory_space<semaphore_mem>>) src(%dma_wait3A_69 : memref<10000x512xf32, #tpu.memory_space<hbm>>) dst(%arg14 : memref<40x512xf32, #tpu.memory_space<vmem>>)
      %gt3A = arith.constant 0 : i32
      %gt3A_70 = arith.cmpi sgt, %scan3A_37, %gt3A : i32
      %convert_element_type3A = arith.extui %gt3A_70 : i1 to i32
      %cond3A = arith.constant 0 : i32
      %cond3A_71 = arith.cmpi ne, %convert_element_type3A, %cond3A : i32
      scf.if %cond3A_71 {
        %dma_wait3A_112 = arith.constant 0 : i32
        %dma_wait3A_113 = arith.constant 0 : i32
        %dma_wait3A_114 = tpu.memref_slice %arg10[%dma_wait3A_112, %dma_wait3A_113] : memref<250x40xi32, #tpu.memory_space<vmem>> -> memref<1x40xi32, #tpu.memory_space<vmem>>
        %dma_wait3A_115 = tpu.memref_squeeze %dma_wait3A_114 : memref<1x40xi32, #tpu.memory_space<vmem>> -> memref<40xi32, #tpu.memory_space<vmem>>
        %dma_wait3A_116 = arith.constant 0 : i32
        %dma_wait3A_117 = arith.constant 0 : i32
        %dma_wait3A_118 = tpu.memref_slice %arg18[%dma_wait3A_116, %dma_wait3A_117] : memref<10240x64xf32, #tpu.memory_space<vmem_shared>> -> memref<10240x64xf32, #tpu.memory_space<vmem_shared>>
        tpu.wait_indirect_dma semaphore(%arg23 : memref<!tpu.dma_semaphore, #tpu.memory_space<semaphore_mem>>) src(%arg16 : memref<40x64xf32, #tpu.memory_space<vmem>>) dst(%dma_wait3A_118 : memref<10240x64xf32, #tpu.memory_space<vmem_shared>>)
      } else {
      }
      %parallel_loop3A = arith.constant 0 : i32
      %parallel_loop3A_72 = arith.constant 40 : i32
      %parallel_loop3A_73 = arith.constant 1 : i32
      scf.for %parallel_loop3A_112 = %parallel_loop3A to %parallel_loop3A_72 step %parallel_loop3A_73  : i32 {
        %parallel_loop3A_113 = arith.constant 0 : i32
        %parallel_loop3A_114 = vector.broadcast %parallel_loop3A_113 : i32 to vector<16xi32>
        %parallel_loop3A_115 = arith.muli %iota3A, %parallel_loop3A_114 : vector<16xi32>
        %parallel_loop3A_116 = vector.broadcast %parallel_loop3A_112 : i32 to vector<16xi32>
        %parallel_loop3A_117 = arith.addi %parallel_loop3A_115, %parallel_loop3A_116 : vector<16xi32>
        %parallel_loop3A_118 = tpu.vector_load_idx %arg12[%iota3A, %parallel_loop3A_117] : memref<16x40xf32, #tpu.memory_space<vmem>>[vector<16xi32>, vector<16xi32>], vector<16xf32>,
        %parallel_loop3A_119 = vector.extract_strided_slice %parallel_loop3A_118 {offsets = [0], sizes = [1], strides = [1]} : vector<16xf32> to vector<1xf32>
        %parallel_loop3A_120 = vector.extract %parallel_loop3A_119[0] : f32 from vector<1xf32>
        %parallel_loop3A_121 = vector.extract_strided_slice %parallel_loop3A_118 {offsets = [1], sizes = [1], strides = [1]} : vector<16xf32> to vector<1xf32>
        %parallel_loop3A_122 = vector.extract %parallel_loop3A_121[0] : f32 from vector<1xf32>
        %parallel_loop3A_123 = vector.extract_strided_slice %parallel_loop3A_118 {offsets = [2], sizes = [1], strides = [1]} : vector<16xf32> to vector<1xf32>
        %parallel_loop3A_124 = vector.extract %parallel_loop3A_123[0] : f32 from vector<1xf32>
        %parallel_loop3A_125 = vector.extract_strided_slice %parallel_loop3A_118 {offsets = [3], sizes = [1], strides = [1]} : vector<16xf32> to vector<1xf32>
        %parallel_loop3A_126 = vector.extract %parallel_loop3A_125[0] : f32 from vector<1xf32>
        %parallel_loop3A_127 = vector.extract_strided_slice %parallel_loop3A_118 {offsets = [4], sizes = [1], strides = [1]} : vector<16xf32> to vector<1xf32>
        %parallel_loop3A_128 = vector.extract %parallel_loop3A_127[0] : f32 from vector<1xf32>
        %parallel_loop3A_129 = vector.extract_strided_slice %parallel_loop3A_118 {offsets = [5], sizes = [1], strides = [1]} : vector<16xf32> to vector<1xf32>
        %parallel_loop3A_130 = vector.extract %parallel_loop3A_129[0] : f32 from vector<1xf32>
        %parallel_loop3A_131 = vector.extract_strided_slice %parallel_loop3A_118 {offsets = [6], sizes = [1], strides = [1]} : vector<16xf32> to vector<1xf32>
        %parallel_loop3A_132 = vector.extract %parallel_loop3A_131[0] : f32 from vector<1xf32>
        %parallel_loop3A_133 = vector.extract_strided_slice %parallel_loop3A_118 {offsets = [7], sizes = [1], strides = [1]} : vector<16xf32> to vector<1xf32>
        %parallel_loop3A_134 = vector.extract %parallel_loop3A_133[0] : f32 from vector<1xf32>
        %parallel_loop3A_135 = arith.index_cast %parallel_loop3A_112 : i32 to index
        %parallel_loop3A_136 = arith.constant 0 : index
        %parallel_loop3A_137 = tpu.vector_load %arg14[%parallel_loop3A_135, %parallel_loop3A_136] {strides = array<i32>} : memref<40x512xf32, #tpu.memory_space<vmem>>, vector<16xf32>,
        %parallel_loop3A_138 = vector.broadcast %parallel_loop3A_120 : f32 to vector<16xf32>
        %parallel_loop3A_139 = arith.mulf %parallel_loop3A_138, %parallel_loop3A_137 : vector<16xf32>
        %parallel_loop3A_140 = arith.index_cast %parallel_loop3A_112 : i32 to index
        %parallel_loop3A_141 = arith.constant 64 : index
        %parallel_loop3A_142 = tpu.vector_load %arg14[%parallel_loop3A_140, %parallel_loop3A_141] {strides = array<i32>} : memref<40x512xf32, #tpu.memory_space<vmem>>, vector<16xf32>,
        %parallel_loop3A_143 = vector.broadcast %parallel_loop3A_122 : f32 to vector<16xf32>
        %parallel_loop3A_144 = arith.mulf %parallel_loop3A_143, %parallel_loop3A_142 : vector<16xf32>
        %parallel_loop3A_145 = arith.addf %parallel_loop3A_139, %parallel_loop3A_144 : vector<16xf32>
        %parallel_loop3A_146 = arith.index_cast %parallel_loop3A_112 : i32 to index
        %parallel_loop3A_147 = arith.constant 128 : index
        %parallel_loop3A_148 = tpu.vector_load %arg14[%parallel_loop3A_146, %parallel_loop3A_147] {strides = array<i32>} : memref<40x512xf32, #tpu.memory_space<vmem>>, vector<16xf32>,
        %parallel_loop3A_149 = vector.broadcast %parallel_loop3A_124 : f32 to vector<16xf32>
        %parallel_loop3A_150 = arith.mulf %parallel_loop3A_149, %parallel_loop3A_148 : vector<16xf32>
        %parallel_loop3A_151 = arith.addf %parallel_loop3A_145, %parallel_loop3A_150 : vector<16xf32>
        %parallel_loop3A_152 = arith.index_cast %parallel_loop3A_112 : i32 to index
        %parallel_loop3A_153 = arith.constant 192 : index
        %parallel_loop3A_154 = tpu.vector_load %arg14[%parallel_loop3A_152, %parallel_loop3A_153] {strides = array<i32>} : memref<40x512xf32, #tpu.memory_space<vmem>>, vector<16xf32>,
        %parallel_loop3A_155 = vector.broadcast %parallel_loop3A_126 : f32 to vector<16xf32>
        %parallel_loop3A_156 = arith.mulf %parallel_loop3A_155, %parallel_loop3A_154 : vector<16xf32>
        %parallel_loop3A_157 = arith.addf %parallel_loop3A_151, %parallel_loop3A_156 : vector<16xf32>
        %parallel_loop3A_158 = arith.index_cast %parallel_loop3A_112 : i32 to index
        %parallel_loop3A_159 = arith.constant 256 : index
        %parallel_loop3A_160 = tpu.vector_load %arg14[%parallel_loop3A_158, %parallel_loop3A_159] {strides = array<i32>} : memref<40x512xf32, #tpu.memory_space<vmem>>, vector<16xf32>,
        %parallel_loop3A_161 = vector.broadcast %parallel_loop3A_128 : f32 to vector<16xf32>
        %parallel_loop3A_162 = arith.mulf %parallel_loop3A_161, %parallel_loop3A_160 : vector<16xf32>
        %parallel_loop3A_163 = arith.addf %parallel_loop3A_157, %parallel_loop3A_162 : vector<16xf32>
        %parallel_loop3A_164 = arith.index_cast %parallel_loop3A_112 : i32 to index
        %parallel_loop3A_165 = arith.constant 320 : index
        %parallel_loop3A_166 = tpu.vector_load %arg14[%parallel_loop3A_164, %parallel_loop3A_165] {strides = array<i32>} : memref<40x512xf32, #tpu.memory_space<vmem>>, vector<16xf32>,
        %parallel_loop3A_167 = vector.broadcast %parallel_loop3A_130 : f32 to vector<16xf32>
        %parallel_loop3A_168 = arith.mulf %parallel_loop3A_167, %parallel_loop3A_166 : vector<16xf32>
        %parallel_loop3A_169 = arith.addf %parallel_loop3A_163, %parallel_loop3A_168 : vector<16xf32>
        %parallel_loop3A_170 = arith.index_cast %parallel_loop3A_112 : i32 to index
        %parallel_loop3A_171 = arith.constant 384 : index
        %parallel_loop3A_172 = tpu.vector_load %arg14[%parallel_loop3A_170, %parallel_loop3A_171] {strides = array<i32>} : memref<40x512xf32, #tpu.memory_space<vmem>>, vector<16xf32>,
        %parallel_loop3A_173 = vector.broadcast %parallel_loop3A_132 : f32 to vector<16xf32>
        %parallel_loop3A_174 = arith.mulf %parallel_loop3A_173, %parallel_loop3A_172 : vector<16xf32>
        %parallel_loop3A_175 = arith.addf %parallel_loop3A_169, %parallel_loop3A_174 : vector<16xf32>
        %parallel_loop3A_176 = arith.index_cast %parallel_loop3A_112 : i32 to index
        %parallel_loop3A_177 = arith.constant 448 : index
        %parallel_loop3A_178 = tpu.vector_load %arg14[%parallel_loop3A_176, %parallel_loop3A_177] {strides = array<i32>} : memref<40x512xf32, #tpu.memory_space<vmem>>, vector<16xf32>,
        %parallel_loop3A_179 = vector.broadcast %parallel_loop3A_134 : f32 to vector<16xf32>
        %parallel_loop3A_180 = arith.mulf %parallel_loop3A_179, %parallel_loop3A_178 : vector<16xf32>
        %parallel_loop3A_181 = arith.addf %parallel_loop3A_175, %parallel_loop3A_180 : vector<16xf32>
        %parallel_loop3A_182 = arith.index_cast %parallel_loop3A_112 : i32 to index
        %parallel_loop3A_183 = arith.constant 0 : index
        %parallel_loop3A_184 = tpu.vector_load %arg16[%parallel_loop3A_182, %parallel_loop3A_183] {strides = array<i32>} : memref<40x64xf32, #tpu.memory_space<vmem>>, vector<16xf32>,
        tpu.vector_store %arg16[%parallel_loop3A_182, %parallel_loop3A_183], %parallel_loop3A_181 {strides = array<i32>} : memref<40x64xf32, #tpu.memory_space<vmem>>, vector<16xf32>,
        %parallel_loop3A_185 = arith.index_cast %parallel_loop3A_112 : i32 to index
        %parallel_loop3A_186 = arith.constant 16 : index
        %parallel_loop3A_187 = tpu.vector_load %arg14[%parallel_loop3A_185, %parallel_loop3A_186] {strides = array<i32>} : memref<40x512xf32, #tpu.memory_space<vmem>>, vector<16xf32>,
        %parallel_loop3A_188 = vector.broadcast %parallel_loop3A_120 : f32 to vector<16xf32>
        %parallel_loop3A_189 = arith.mulf %parallel_loop3A_188, %parallel_loop3A_187 : vector<16xf32>
        %parallel_loop3A_190 = arith.index_cast %parallel_loop3A_112 : i32 to index
        %parallel_loop3A_191 = arith.constant 80 : index
        %parallel_loop3A_192 = tpu.vector_load %arg14[%parallel_loop3A_190, %parallel_loop3A_191] {strides = array<i32>} : memref<40x512xf32, #tpu.memory_space<vmem>>, vector<16xf32>,
        %parallel_loop3A_193 = vector.broadcast %parallel_loop3A_122 : f32 to vector<16xf32>
        %parallel_loop3A_194 = arith.mulf %parallel_loop3A_193, %parallel_loop3A_192 : vector<16xf32>
        %parallel_loop3A_195 = arith.addf %parallel_loop3A_189, %parallel_loop3A_194 : vector<16xf32>
        %parallel_loop3A_196 = arith.index_cast %parallel_loop3A_112 : i32 to index
        %parallel_loop3A_197 = arith.constant 144 : index
        %parallel_loop3A_198 = tpu.vector_load %arg14[%parallel_loop3A_196, %parallel_loop3A_197] {strides = array<i32>} : memref<40x512xf32, #tpu.memory_space<vmem>>, vector<16xf32>,
        %parallel_loop3A_199 = vector.broadcast %parallel_loop3A_124 : f32 to vector<16xf32>
        %parallel_loop3A_200 = arith.mulf %parallel_loop3A_199, %parallel_loop3A_198 : vector<16xf32>
        %parallel_loop3A_201 = arith.addf %parallel_loop3A_195, %parallel_loop3A_200 : vector<16xf32>
        %parallel_loop3A_202 = arith.index_cast %parallel_loop3A_112 : i32 to index
        %parallel_loop3A_203 = arith.constant 208 : index
        %parallel_loop3A_204 = tpu.vector_load %arg14[%parallel_loop3A_202, %parallel_loop3A_203] {strides = array<i32>} : memref<40x512xf32, #tpu.memory_space<vmem>>, vector<16xf32>,
        %parallel_loop3A_205 = vector.broadcast %parallel_loop3A_126 : f32 to vector<16xf32>
        %parallel_loop3A_206 = arith.mulf %parallel_loop3A_205, %parallel_loop3A_204 : vector<16xf32>
        %parallel_loop3A_207 = arith.addf %parallel_loop3A_201, %parallel_loop3A_206 : vector<16xf32>
        %parallel_loop3A_208 = arith.index_cast %parallel_loop3A_112 : i32 to index
        %parallel_loop3A_209 = arith.constant 272 : index
        %parallel_loop3A_210 = tpu.vector_load %arg14[%parallel_loop3A_208, %parallel_loop3A_209] {strides = array<i32>} : memref<40x512xf32, #tpu.memory_space<vmem>>, vector<16xf32>,
        %parallel_loop3A_211 = vector.broadcast %parallel_loop3A_128 : f32 to vector<16xf32>
        %parallel_loop3A_212 = arith.mulf %parallel_loop3A_211, %parallel_loop3A_210 : vector<16xf32>
        %parallel_loop3A_213 = arith.addf %parallel_loop3A_207, %parallel_loop3A_212 : vector<16xf32>
        %parallel_loop3A_214 = arith.index_cast %parallel_loop3A_112 : i32 to index
        %parallel_loop3A_215 = arith.constant 336 : index
        %parallel_loop3A_216 = tpu.vector_load %arg14[%parallel_loop3A_214, %parallel_loop3A_215] {strides = array<i32>} : memref<40x512xf32, #tpu.memory_space<vmem>>, vector<16xf32>,
        %parallel_loop3A_217 = vector.broadcast %parallel_loop3A_130 : f32 to vector<16xf32>
        %parallel_loop3A_218 = arith.mulf %parallel_loop3A_217, %parallel_loop3A_216 : vector<16xf32>
        %parallel_loop3A_219 = arith.addf %parallel_loop3A_213, %parallel_loop3A_218 : vector<16xf32>
        %parallel_loop3A_220 = arith.index_cast %parallel_loop3A_112 : i32 to index
        %parallel_loop3A_221 = arith.constant 400 : index
        %parallel_loop3A_222 = tpu.vector_load %arg14[%parallel_loop3A_220, %parallel_loop3A_221] {strides = array<i32>} : memref<40x512xf32, #tpu.memory_space<vmem>>, vector<16xf32>,
        %parallel_loop3A_223 = vector.broadcast %parallel_loop3A_132 : f32 to vector<16xf32>
        %parallel_loop3A_224 = arith.mulf %parallel_loop3A_223, %parallel_loop3A_222 : vector<16xf32>
        %parallel_loop3A_225 = arith.addf %parallel_loop3A_219, %parallel_loop3A_224 : vector<16xf32>
        %parallel_loop3A_226 = arith.index_cast %parallel_loop3A_112 : i32 to index
        %parallel_loop3A_227 = arith.constant 464 : index
        %parallel_loop3A_228 = tpu.vector_load %arg14[%parallel_loop3A_226, %parallel_loop3A_227] {strides = array<i32>} : memref<40x512xf32, #tpu.memory_space<vmem>>, vector<16xf32>,
        %parallel_loop3A_229 = vector.broadcast %parallel_loop3A_134 : f32 to vector<16xf32>
        %parallel_loop3A_230 = arith.mulf %parallel_loop3A_229, %parallel_loop3A_228 : vector<16xf32>
        %parallel_loop3A_231 = arith.addf %parallel_loop3A_225, %parallel_loop3A_230 : vector<16xf32>
        %parallel_loop3A_232 = arith.index_cast %parallel_loop3A_112 : i32 to index
        %parallel_loop3A_233 = arith.constant 16 : index
        %parallel_loop3A_234 = tpu.vector_load %arg16[%parallel_loop3A_232, %parallel_loop3A_233] {strides = array<i32>} : memref<40x64xf32, #tpu.memory_space<vmem>>, vector<16xf32>,
        tpu.vector_store %arg16[%parallel_loop3A_232, %parallel_loop3A_233], %parallel_loop3A_231 {strides = array<i32>} : memref<40x64xf32, #tpu.memory_space<vmem>>, vector<16xf32>,
        %parallel_loop3A_235 = arith.index_cast %parallel_loop3A_112 : i32 to index
        %parallel_loop3A_236 = arith.constant 32 : index
        %parallel_loop3A_237 = tpu.vector_load %arg14[%parallel_loop3A_235, %parallel_loop3A_236] {strides = array<i32>} : memref<40x512xf32, #tpu.memory_space<vmem>>, vector<16xf32>,
        %parallel_loop3A_238 = vector.broadcast %parallel_loop3A_120 : f32 to vector<16xf32>
        %parallel_loop3A_239 = arith.mulf %parallel_loop3A_238, %parallel_loop3A_237 : vector<16xf32>
        %parallel_loop3A_240 = arith.index_cast %parallel_loop3A_112 : i32 to index
        %parallel_loop3A_241 = arith.constant 96 : index
        %parallel_loop3A_242 = tpu.vector_load %arg14[%parallel_loop3A_240, %parallel_loop3A_241] {strides = array<i32>} : memref<40x512xf32, #tpu.memory_space<vmem>>, vector<16xf32>,
        %parallel_loop3A_243 = vector.broadcast %parallel_loop3A_122 : f32 to vector<16xf32>
        %parallel_loop3A_244 = arith.mulf %parallel_loop3A_243, %parallel_loop3A_242 : vector<16xf32>
        %parallel_loop3A_245 = arith.addf %parallel_loop3A_239, %parallel_loop3A_244 : vector<16xf32>
        %parallel_loop3A_246 = arith.index_cast %parallel_loop3A_112 : i32 to index
        %parallel_loop3A_247 = arith.constant 160 : index
        %parallel_loop3A_248 = tpu.vector_load %arg14[%parallel_loop3A_246, %parallel_loop3A_247] {strides = array<i32>} : memref<40x512xf32, #tpu.memory_space<vmem>>, vector<16xf32>,
        %parallel_loop3A_249 = vector.broadcast %parallel_loop3A_124 : f32 to vector<16xf32>
        %parallel_loop3A_250 = arith.mulf %parallel_loop3A_249, %parallel_loop3A_248 : vector<16xf32>
        %parallel_loop3A_251 = arith.addf %parallel_loop3A_245, %parallel_loop3A_250 : vector<16xf32>
        %parallel_loop3A_252 = arith.index_cast %parallel_loop3A_112 : i32 to index
        %parallel_loop3A_253 = arith.constant 224 : index
        %parallel_loop3A_254 = tpu.vector_load %arg14[%parallel_loop3A_252, %parallel_loop3A_253] {strides = array<i32>} : memref<40x512xf32, #tpu.memory_space<vmem>>, vector<16xf32>,
        %parallel_loop3A_255 = vector.broadcast %parallel_loop3A_126 : f32 to vector<16xf32>
        %parallel_loop3A_256 = arith.mulf %parallel_loop3A_255, %parallel_loop3A_254 : vector<16xf32>
        %parallel_loop3A_257 = arith.addf %parallel_loop3A_251, %parallel_loop3A_256 : vector<16xf32>
        %parallel_loop3A_258 = arith.index_cast %parallel_loop3A_112 : i32 to index
        %parallel_loop3A_259 = arith.constant 288 : index
        %parallel_loop3A_260 = tpu.vector_load %arg14[%parallel_loop3A_258, %parallel_loop3A_259] {strides = array<i32>} : memref<40x512xf32, #tpu.memory_space<vmem>>, vector<16xf32>,
        %parallel_loop3A_261 = vector.broadcast %parallel_loop3A_128 : f32 to vector<16xf32>
        %parallel_loop3A_262 = arith.mulf %parallel_loop3A_261, %parallel_loop3A_260 : vector<16xf32>
        %parallel_loop3A_263 = arith.addf %parallel_loop3A_257, %parallel_loop3A_262 : vector<16xf32>
        %parallel_loop3A_264 = arith.index_cast %parallel_loop3A_112 : i32 to index
        %parallel_loop3A_265 = arith.constant 352 : index
        %parallel_loop3A_266 = tpu.vector_load %arg14[%parallel_loop3A_264, %parallel_loop3A_265] {strides = array<i32>} : memref<40x512xf32, #tpu.memory_space<vmem>>, vector<16xf32>,
        %parallel_loop3A_267 = vector.broadcast %parallel_loop3A_130 : f32 to vector<16xf32>
        %parallel_loop3A_268 = arith.mulf %parallel_loop3A_267, %parallel_loop3A_266 : vector<16xf32>
        %parallel_loop3A_269 = arith.addf %parallel_loop3A_263, %parallel_loop3A_268 : vector<16xf32>
        %parallel_loop3A_270 = arith.index_cast %parallel_loop3A_112 : i32 to index
        %parallel_loop3A_271 = arith.constant 416 : index
        %parallel_loop3A_272 = tpu.vector_load %arg14[%parallel_loop3A_270, %parallel_loop3A_271] {strides = array<i32>} : memref<40x512xf32, #tpu.memory_space<vmem>>, vector<16xf32>,
        %parallel_loop3A_273 = vector.broadcast %parallel_loop3A_132 : f32 to vector<16xf32>
        %parallel_loop3A_274 = arith.mulf %parallel_loop3A_273, %parallel_loop3A_272 : vector<16xf32>
        %parallel_loop3A_275 = arith.addf %parallel_loop3A_269, %parallel_loop3A_274 : vector<16xf32>
        %parallel_loop3A_276 = arith.index_cast %parallel_loop3A_112 : i32 to index
        %parallel_loop3A_277 = arith.constant 480 : index
        %parallel_loop3A_278 = tpu.vector_load %arg14[%parallel_loop3A_276, %parallel_loop3A_277] {strides = array<i32>} : memref<40x512xf32, #tpu.memory_space<vmem>>, vector<16xf32>,
        %parallel_loop3A_279 = vector.broadcast %parallel_loop3A_134 : f32 to vector<16xf32>
        %parallel_loop3A_280 = arith.mulf %parallel_loop3A_279, %parallel_loop3A_278 : vector<16xf32>
        %parallel_loop3A_281 = arith.addf %parallel_loop3A_275, %parallel_loop3A_280 : vector<16xf32>
        %parallel_loop3A_282 = arith.index_cast %parallel_loop3A_112 : i32 to index
        %parallel_loop3A_283 = arith.constant 32 : index
        %parallel_loop3A_284 = tpu.vector_load %arg16[%parallel_loop3A_282, %parallel_loop3A_283] {strides = array<i32>} : memref<40x64xf32, #tpu.memory_space<vmem>>, vector<16xf32>,
        tpu.vector_store %arg16[%parallel_loop3A_282, %parallel_loop3A_283], %parallel_loop3A_281 {strides = array<i32>} : memref<40x64xf32, #tpu.memory_space<vmem>>, vector<16xf32>,
        %parallel_loop3A_285 = arith.index_cast %parallel_loop3A_112 : i32 to index
        %parallel_loop3A_286 = arith.constant 48 : index
        %parallel_loop3A_287 = tpu.vector_load %arg14[%parallel_loop3A_285, %parallel_loop3A_286] {strides = array<i32>} : memref<40x512xf32, #tpu.memory_space<vmem>>, vector<16xf32>,
        %parallel_loop3A_288 = vector.broadcast %parallel_loop3A_120 : f32 to vector<16xf32>
        %parallel_loop3A_289 = arith.mulf %parallel_loop3A_288, %parallel_loop3A_287 : vector<16xf32>
        %parallel_loop3A_290 = arith.index_cast %parallel_loop3A_112 : i32 to index
        %parallel_loop3A_291 = arith.constant 112 : index
        %parallel_loop3A_292 = tpu.vector_load %arg14[%parallel_loop3A_290, %parallel_loop3A_291] {strides = array<i32>} : memref<40x512xf32, #tpu.memory_space<vmem>>, vector<16xf32>,
        %parallel_loop3A_293 = vector.broadcast %parallel_loop3A_122 : f32 to vector<16xf32>
        %parallel_loop3A_294 = arith.mulf %parallel_loop3A_293, %parallel_loop3A_292 : vector<16xf32>
        %parallel_loop3A_295 = arith.addf %parallel_loop3A_289, %parallel_loop3A_294 : vector<16xf32>
        %parallel_loop3A_296 = arith.index_cast %parallel_loop3A_112 : i32 to index
        %parallel_loop3A_297 = arith.constant 176 : index
        %parallel_loop3A_298 = tpu.vector_load %arg14[%parallel_loop3A_296, %parallel_loop3A_297] {strides = array<i32>} : memref<40x512xf32, #tpu.memory_space<vmem>>, vector<16xf32>,
        %parallel_loop3A_299 = vector.broadcast %parallel_loop3A_124 : f32 to vector<16xf32>
        %parallel_loop3A_300 = arith.mulf %parallel_loop3A_299, %parallel_loop3A_298 : vector<16xf32>
        %parallel_loop3A_301 = arith.addf %parallel_loop3A_295, %parallel_loop3A_300 : vector<16xf32>
        %parallel_loop3A_302 = arith.index_cast %parallel_loop3A_112 : i32 to index
        %parallel_loop3A_303 = arith.constant 240 : index
        %parallel_loop3A_304 = tpu.vector_load %arg14[%parallel_loop3A_302, %parallel_loop3A_303] {strides = array<i32>} : memref<40x512xf32, #tpu.memory_space<vmem>>, vector<16xf32>,
        %parallel_loop3A_305 = vector.broadcast %parallel_loop3A_126 : f32 to vector<16xf32>
        %parallel_loop3A_306 = arith.mulf %parallel_loop3A_305, %parallel_loop3A_304 : vector<16xf32>
        %parallel_loop3A_307 = arith.addf %parallel_loop3A_301, %parallel_loop3A_306 : vector<16xf32>
        %parallel_loop3A_308 = arith.index_cast %parallel_loop3A_112 : i32 to index
        %parallel_loop3A_309 = arith.constant 304 : index
        %parallel_loop3A_310 = tpu.vector_load %arg14[%parallel_loop3A_308, %parallel_loop3A_309] {strides = array<i32>} : memref<40x512xf32, #tpu.memory_space<vmem>>, vector<16xf32>,
        %parallel_loop3A_311 = vector.broadcast %parallel_loop3A_128 : f32 to vector<16xf32>
        %parallel_loop3A_312 = arith.mulf %parallel_loop3A_311, %parallel_loop3A_310 : vector<16xf32>
        %parallel_loop3A_313 = arith.addf %parallel_loop3A_307, %parallel_loop3A_312 : vector<16xf32>
        %parallel_loop3A_314 = arith.index_cast %parallel_loop3A_112 : i32 to index
        %parallel_loop3A_315 = arith.constant 368 : index
        %parallel_loop3A_316 = tpu.vector_load %arg14[%parallel_loop3A_314, %parallel_loop3A_315] {strides = array<i32>} : memref<40x512xf32, #tpu.memory_space<vmem>>, vector<16xf32>,
        %parallel_loop3A_317 = vector.broadcast %parallel_loop3A_130 : f32 to vector<16xf32>
        %parallel_loop3A_318 = arith.mulf %parallel_loop3A_317, %parallel_loop3A_316 : vector<16xf32>
        %parallel_loop3A_319 = arith.addf %parallel_loop3A_313, %parallel_loop3A_318 : vector<16xf32>
        %parallel_loop3A_320 = arith.index_cast %parallel_loop3A_112 : i32 to index
        %parallel_loop3A_321 = arith.constant 432 : index
        %parallel_loop3A_322 = tpu.vector_load %arg14[%parallel_loop3A_320, %parallel_loop3A_321] {strides = array<i32>} : memref<40x512xf32, #tpu.memory_space<vmem>>, vector<16xf32>,
        %parallel_loop3A_323 = vector.broadcast %parallel_loop3A_132 : f32 to vector<16xf32>
        %parallel_loop3A_324 = arith.mulf %parallel_loop3A_323, %parallel_loop3A_322 : vector<16xf32>
        %parallel_loop3A_325 = arith.addf %parallel_loop3A_319, %parallel_loop3A_324 : vector<16xf32>
        %parallel_loop3A_326 = arith.index_cast %parallel_loop3A_112 : i32 to index
        %parallel_loop3A_327 = arith.constant 496 : index
        %parallel_loop3A_328 = tpu.vector_load %arg14[%parallel_loop3A_326, %parallel_loop3A_327] {strides = array<i32>} : memref<40x512xf32, #tpu.memory_space<vmem>>, vector<16xf32>,
        %parallel_loop3A_329 = vector.broadcast %parallel_loop3A_134 : f32 to vector<16xf32>
        %parallel_loop3A_330 = arith.mulf %parallel_loop3A_329, %parallel_loop3A_328 : vector<16xf32>
        %parallel_loop3A_331 = arith.addf %parallel_loop3A_325, %parallel_loop3A_330 : vector<16xf32>
        %parallel_loop3A_332 = arith.index_cast %parallel_loop3A_112 : i32 to index
        %parallel_loop3A_333 = arith.constant 48 : index
        %parallel_loop3A_334 = tpu.vector_load %arg16[%parallel_loop3A_332, %parallel_loop3A_333] {strides = array<i32>} : memref<40x64xf32, #tpu.memory_space<vmem>>, vector<16xf32>,
        tpu.vector_store %arg16[%parallel_loop3A_332, %parallel_loop3A_333], %parallel_loop3A_331 {strides = array<i32>} : memref<40x64xf32, #tpu.memory_space<vmem>>, vector<16xf32>,
      } {sc.loop_unroll_factor = 2 : i64, sc.parallel_access}
      %dma_start3A_74 = arith.constant 0 : i32
      %dma_start3A_75 = tpu.memref_slice %arg10[%mul3A_39, %dma_start3A_74] : memref<250x40xi32, #tpu.memory_space<vmem>> -> memref<1x40xi32, #tpu.memory_space<vmem>>
      %dma_start3A_76 = tpu.memref_squeeze %dma_start3A_75 : memref<1x40xi32, #tpu.memory_space<vmem>> -> memref<40xi32, #tpu.memory_space<vmem>>
      %dma_start3A_77 = arith.constant 0 : i32
      %dma_start3A_78 = arith.constant 0 : i32
      %dma_start3A_79 = tpu.memref_slice %arg18[%dma_start3A_77, %dma_start3A_78] : memref<10240x64xf32, #tpu.memory_space<vmem_shared>> -> memref<10240x64xf32, #tpu.memory_space<vmem_shared>>
      tpu.enqueue_indirect_dma source(%arg16 : memref<40x64xf32, #tpu.memory_space<vmem>>) target(%dma_start3A_79 : memref<10240x64xf32, #tpu.memory_space<vmem_shared>>) offsets(%dma_start3A_76 : memref<40xi32, #tpu.memory_space<vmem>>) semaphore(%arg23 : memref<!tpu.dma_semaphore, #tpu.memory_space<semaphore_mem>>) {add = true}
      %lt3A = arith.constant 124 : i32
      %lt3A_80 = arith.cmpi slt, %scan3A_37, %lt3A : i32
      %convert_element_type3A_81 = arith.extui %lt3A_80 : i1 to i32
      %cond3A_82 = arith.constant 0 : i32
      %cond3A_83 = arith.cmpi ne, %convert_element_type3A_81, %cond3A_82 : i32
      scf.if %cond3A_83 {
        %add3A_112 = arith.constant 2 : i32
        %add3A_113 = arith.addi %mul3A_39, %add3A_112 : i32
        %mul3A_114 = arith.constant 40 : i32
        %mul3A_115 = arith.muli %add3A_113, %mul3A_114 : i32
        %dma_start3A_116 = arith.constant 0 : i32
        %dma_start3A_117 = tpu.memref_slice %arg5[%squeeze3A, %add3A, %dma_start3A_116, %mul3A_115] : memref<4x32x16x10240xf32, #tpu.memory_space<hbm>> -> memref<1x1x16x40xf32, #tpu.memory_space<hbm>>
        %dma_start3A_118 = tpu.memref_squeeze %dma_start3A_117 : memref<1x1x16x40xf32, #tpu.memory_space<hbm>> -> memref<16x40xf32, #tpu.memory_space<hbm>>
        %dma_start3A_119 = arith.constant 0 : i32
        %dma_start3A_120 = tpu.memref_slice %arg5[%squeeze3A, %add3A, %dma_start3A_119, %mul3A_115] : memref<4x32x16x10240xf32, #tpu.memory_space<hbm>> -> memref<1x1x16x40xf32, #tpu.memory_space<hbm>>
        %dma_start3A_121 = tpu.memref_squeeze %dma_start3A_120 : memref<1x1x16x40xf32, #tpu.memory_space<hbm>> -> memref<16x40xf32, #tpu.memory_space<hbm>>
        tpu.enqueue_dma source(%dma_start3A_121 : memref<16x40xf32, #tpu.memory_space<hbm>>) target(%arg12 : memref<16x40xf32, #tpu.memory_space<vmem>>) target_semaphore(%arg21 : memref<!tpu.dma_semaphore, #tpu.memory_space<semaphore_mem>>)
        %dma_start3A_122 = arith.constant 0 : i32
        %dma_start3A_123 = tpu.memref_slice %arg9[%add3A_113, %dma_start3A_122] : memref<250x40xi32, #tpu.memory_space<vmem>> -> memref<1x40xi32, #tpu.memory_space<vmem>>
        %dma_start3A_124 = tpu.memref_squeeze %dma_start3A_123 : memref<1x40xi32, #tpu.memory_space<vmem>> -> memref<40xi32, #tpu.memory_space<vmem>>
        %dma_start3A_125 = arith.constant 0 : i32
        %dma_start3A_126 = arith.constant 0 : i32
        %dma_start3A_127 = tpu.memref_slice %arg2[%dma_start3A_125, %dma_start3A_126] : memref<10000x512xf32, #tpu.memory_space<hbm>> -> memref<10000x512xf32, #tpu.memory_space<hbm>>
        tpu.enqueue_indirect_dma source(%dma_start3A_127 : memref<10000x512xf32, #tpu.memory_space<hbm>>) target(%arg14 : memref<40x512xf32, #tpu.memory_space<vmem>>) offsets(%dma_start3A_124 : memref<40xi32, #tpu.memory_space<vmem>>) semaphore(%arg19 : memref<!tpu.dma_semaphore, #tpu.memory_space<semaphore_mem>>)
      } else {
      }
      %mul3A_84 = arith.constant 40 : i32
      %mul3A_85 = arith.muli %add3A_41, %mul3A_84 : i32
      %dma_wait3A_86 = arith.constant 0 : i32
      %dma_wait3A_87 = tpu.memref_slice %arg5[%squeeze3A, %add3A, %dma_wait3A_86, %mul3A_85] : memref<4x32x16x10240xf32, #tpu.memory_space<hbm>> -> memref<1x1x16x40xf32, #tpu.memory_space<hbm>>
      %dma_wait3A_88 = tpu.memref_squeeze %dma_wait3A_87 : memref<1x1x16x40xf32, #tpu.memory_space<hbm>> -> memref<16x40xf32, #tpu.memory_space<hbm>>
      %dma_wait3A_89 = arith.constant 0 : i32
      %dma_wait3A_90 = tpu.memref_slice %arg5[%squeeze3A, %add3A, %dma_wait3A_89, %mul3A_85] : memref<4x32x16x10240xf32, #tpu.memory_space<hbm>> -> memref<1x1x16x40xf32, #tpu.memory_space<hbm>>
      %dma_wait3A_91 = tpu.memref_squeeze %dma_wait3A_90 : memref<1x1x16x40xf32, #tpu.memory_space<hbm>> -> memref<16x40xf32, #tpu.memory_space<hbm>>
      tpu.wait_dma2 semaphore(%arg22 : memref<!tpu.dma_semaphore, #tpu.memory_space<semaphore_mem>>) src(%dma_wait3A_91 : memref<16x40xf32, #tpu.memory_space<hbm>>) dst(%arg13 : memref<16x40xf32, #tpu.memory_space<vmem>>)
      %dma_wait3A_92 = arith.constant 0 : i32
      %dma_wait3A_93 = tpu.memref_slice %arg9[%add3A_41, %dma_wait3A_92] : memref<250x40xi32, #tpu.memory_space<vmem>> -> memref<1x40xi32, #tpu.memory_space<vmem>>
      %dma_wait3A_94 = tpu.memref_squeeze %dma_wait3A_93 : memref<1x40xi32, #tpu.memory_space<vmem>> -> memref<40xi32, #tpu.memory_space<vmem>>
      %dma_wait3A_95 = arith.constant 0 : i32
      %dma_wait3A_96 = arith.constant 0 : i32
      %dma_wait3A_97 = tpu.memref_slice %arg2[%dma_wait3A_95, %dma_wait3A_96] : memref<10000x512xf32, #tpu.memory_space<hbm>> -> memref<10000x512xf32, #tpu.memory_space<hbm>>
      tpu.wait_indirect_dma semaphore(%arg20 : memref<!tpu.dma_semaphore, #tpu.memory_space<semaphore_mem>>) src(%dma_wait3A_97 : memref<10000x512xf32, #tpu.memory_space<hbm>>) dst(%arg15 : memref<40x512xf32, #tpu.memory_space<vmem>>)
      %gt3A_98 = arith.constant 0 : i32
      %gt3A_99 = arith.cmpi sgt, %scan3A_37, %gt3A_98 : i32
      %convert_element_type3A_100 = arith.extui %gt3A_99 : i1 to i32
      %cond3A_101 = arith.constant 0 : i32
      %cond3A_102 = arith.cmpi ne, %convert_element_type3A_100, %cond3A_101 : i32
      scf.if %cond3A_102 {
        %dma_wait3A_112 = arith.constant 0 : i32
        %dma_wait3A_113 = arith.constant 0 : i32
        %dma_wait3A_114 = tpu.memref_slice %arg10[%dma_wait3A_112, %dma_wait3A_113] : memref<250x40xi32, #tpu.memory_space<vmem>> -> memref<1x40xi32, #tpu.memory_space<vmem>>
        %dma_wait3A_115 = tpu.memref_squeeze %dma_wait3A_114 : memref<1x40xi32, #tpu.memory_space<vmem>> -> memref<40xi32, #tpu.memory_space<vmem>>
        %dma_wait3A_116 = arith.constant 0 : i32
        %dma_wait3A_117 = arith.constant 0 : i32
        %dma_wait3A_118 = tpu.memref_slice %arg18[%dma_wait3A_116, %dma_wait3A_117] : memref<10240x64xf32, #tpu.memory_space<vmem_shared>> -> memref<10240x64xf32, #tpu.memory_space<vmem_shared>>
        tpu.wait_indirect_dma semaphore(%arg24 : memref<!tpu.dma_semaphore, #tpu.memory_space<semaphore_mem>>) src(%arg17 : memref<40x64xf32, #tpu.memory_space<vmem>>) dst(%dma_wait3A_118 : memref<10240x64xf32, #tpu.memory_space<vmem_shared>>)
      } else {
      }
      %parallel_loop3A_103 = arith.constant 0 : i32
      %parallel_loop3A_104 = arith.constant 40 : i32
      %parallel_loop3A_105 = arith.constant 1 : i32
      scf.for %parallel_loop3A_112 = %parallel_loop3A_103 to %parallel_loop3A_104 step %parallel_loop3A_105  : i32 {
        %parallel_loop3A_113 = arith.constant 0 : i32
        %parallel_loop3A_114 = vector.broadcast %parallel_loop3A_113 : i32 to vector<16xi32>
        %parallel_loop3A_115 = arith.muli %iota3A, %parallel_loop3A_114 : vector<16xi32>
        %parallel_loop3A_116 = vector.broadcast %parallel_loop3A_112 : i32 to vector<16xi32>
        %parallel_loop3A_117 = arith.addi %parallel_loop3A_115, %parallel_loop3A_116 : vector<16xi32>
        %parallel_loop3A_118 = tpu.vector_load_idx %arg13[%iota3A, %parallel_loop3A_117] : memref<16x40xf32, #tpu.memory_space<vmem>>[vector<16xi32>, vector<16xi32>], vector<16xf32>,
        %parallel_loop3A_119 = vector.extract_strided_slice %parallel_loop3A_118 {offsets = [0], sizes = [1], strides = [1]} : vector<16xf32> to vector<1xf32>
        %parallel_loop3A_120 = vector.extract %parallel_loop3A_119[0] : f32 from vector<1xf32>
        %parallel_loop3A_121 = vector.extract_strided_slice %parallel_loop3A_118 {offsets = [1], sizes = [1], strides = [1]} : vector<16xf32> to vector<1xf32>
        %parallel_loop3A_122 = vector.extract %parallel_loop3A_121[0] : f32 from vector<1xf32>
        %parallel_loop3A_123 = vector.extract_strided_slice %parallel_loop3A_118 {offsets = [2], sizes = [1], strides = [1]} : vector<16xf32> to vector<1xf32>
        %parallel_loop3A_124 = vector.extract %parallel_loop3A_123[0] : f32 from vector<1xf32>
        %parallel_loop3A_125 = vector.extract_strided_slice %parallel_loop3A_118 {offsets = [3], sizes = [1], strides = [1]} : vector<16xf32> to vector<1xf32>
        %parallel_loop3A_126 = vector.extract %parallel_loop3A_125[0] : f32 from vector<1xf32>
        %parallel_loop3A_127 = vector.extract_strided_slice %parallel_loop3A_118 {offsets = [4], sizes = [1], strides = [1]} : vector<16xf32> to vector<1xf32>
        %parallel_loop3A_128 = vector.extract %parallel_loop3A_127[0] : f32 from vector<1xf32>
        %parallel_loop3A_129 = vector.extract_strided_slice %parallel_loop3A_118 {offsets = [5], sizes = [1], strides = [1]} : vector<16xf32> to vector<1xf32>
        %parallel_loop3A_130 = vector.extract %parallel_loop3A_129[0] : f32 from vector<1xf32>
        %parallel_loop3A_131 = vector.extract_strided_slice %parallel_loop3A_118 {offsets = [6], sizes = [1], strides = [1]} : vector<16xf32> to vector<1xf32>
        %parallel_loop3A_132 = vector.extract %parallel_loop3A_131[0] : f32 from vector<1xf32>
        %parallel_loop3A_133 = vector.extract_strided_slice %parallel_loop3A_118 {offsets = [7], sizes = [1], strides = [1]} : vector<16xf32> to vector<1xf32>
        %parallel_loop3A_134 = vector.extract %parallel_loop3A_133[0] : f32 from vector<1xf32>
        %parallel_loop3A_135 = arith.index_cast %parallel_loop3A_112 : i32 to index
        %parallel_loop3A_136 = arith.constant 0 : index
        %parallel_loop3A_137 = tpu.vector_load %arg15[%parallel_loop3A_135, %parallel_loop3A_136] {strides = array<i32>} : memref<40x512xf32, #tpu.memory_space<vmem>>, vector<16xf32>,
        %parallel_loop3A_138 = vector.broadcast %parallel_loop3A_120 : f32 to vector<16xf32>
        %parallel_loop3A_139 = arith.mulf %parallel_loop3A_138, %parallel_loop3A_137 : vector<16xf32>
        %parallel_loop3A_140 = arith.index_cast %parallel_loop3A_112 : i32 to index
        %parallel_loop3A_141 = arith.constant 64 : index
        %parallel_loop3A_142 = tpu.vector_load %arg15[%parallel_loop3A_140, %parallel_loop3A_141] {strides = array<i32>} : memref<40x512xf32, #tpu.memory_space<vmem>>, vector<16xf32>,
        %parallel_loop3A_143 = vector.broadcast %parallel_loop3A_122 : f32 to vector<16xf32>
        %parallel_loop3A_144 = arith.mulf %parallel_loop3A_143, %parallel_loop3A_142 : vector<16xf32>
        %parallel_loop3A_145 = arith.addf %parallel_loop3A_139, %parallel_loop3A_144 : vector<16xf32>
        %parallel_loop3A_146 = arith.index_cast %parallel_loop3A_112 : i32 to index
        %parallel_loop3A_147 = arith.constant 128 : index
        %parallel_loop3A_148 = tpu.vector_load %arg15[%parallel_loop3A_146, %parallel_loop3A_147] {strides = array<i32>} : memref<40x512xf32, #tpu.memory_space<vmem>>, vector<16xf32>,
        %parallel_loop3A_149 = vector.broadcast %parallel_loop3A_124 : f32 to vector<16xf32>
        %parallel_loop3A_150 = arith.mulf %parallel_loop3A_149, %parallel_loop3A_148 : vector<16xf32>
        %parallel_loop3A_151 = arith.addf %parallel_loop3A_145, %parallel_loop3A_150 : vector<16xf32>
        %parallel_loop3A_152 = arith.index_cast %parallel_loop3A_112 : i32 to index
        %parallel_loop3A_153 = arith.constant 192 : index
        %parallel_loop3A_154 = tpu.vector_load %arg15[%parallel_loop3A_152, %parallel_loop3A_153] {strides = array<i32>} : memref<40x512xf32, #tpu.memory_space<vmem>>, vector<16xf32>,
        %parallel_loop3A_155 = vector.broadcast %parallel_loop3A_126 : f32 to vector<16xf32>
        %parallel_loop3A_156 = arith.mulf %parallel_loop3A_155, %parallel_loop3A_154 : vector<16xf32>
        %parallel_loop3A_157 = arith.addf %parallel_loop3A_151, %parallel_loop3A_156 : vector<16xf32>
        %parallel_loop3A_158 = arith.index_cast %parallel_loop3A_112 : i32 to index
        %parallel_loop3A_159 = arith.constant 256 : index
        %parallel_loop3A_160 = tpu.vector_load %arg15[%parallel_loop3A_158, %parallel_loop3A_159] {strides = array<i32>} : memref<40x512xf32, #tpu.memory_space<vmem>>, vector<16xf32>,
        %parallel_loop3A_161 = vector.broadcast %parallel_loop3A_128 : f32 to vector<16xf32>
        %parallel_loop3A_162 = arith.mulf %parallel_loop3A_161, %parallel_loop3A_160 : vector<16xf32>
        %parallel_loop3A_163 = arith.addf %parallel_loop3A_157, %parallel_loop3A_162 : vector<16xf32>
        %parallel_loop3A_164 = arith.index_cast %parallel_loop3A_112 : i32 to index
        %parallel_loop3A_165 = arith.constant 320 : index
        %parallel_loop3A_166 = tpu.vector_load %arg15[%parallel_loop3A_164, %parallel_loop3A_165] {strides = array<i32>} : memref<40x512xf32, #tpu.memory_space<vmem>>, vector<16xf32>,
        %parallel_loop3A_167 = vector.broadcast %parallel_loop3A_130 : f32 to vector<16xf32>
        %parallel_loop3A_168 = arith.mulf %parallel_loop3A_167, %parallel_loop3A_166 : vector<16xf32>
        %parallel_loop3A_169 = arith.addf %parallel_loop3A_163, %parallel_loop3A_168 : vector<16xf32>
        %parallel_loop3A_170 = arith.index_cast %parallel_loop3A_112 : i32 to index
        %parallel_loop3A_171 = arith.constant 384 : index
        %parallel_loop3A_172 = tpu.vector_load %arg15[%parallel_loop3A_170, %parallel_loop3A_171] {strides = array<i32>} : memref<40x512xf32, #tpu.memory_space<vmem>>, vector<16xf32>,
        %parallel_loop3A_173 = vector.broadcast %parallel_loop3A_132 : f32 to vector<16xf32>
        %parallel_loop3A_174 = arith.mulf %parallel_loop3A_173, %parallel_loop3A_172 : vector<16xf32>
        %parallel_loop3A_175 = arith.addf %parallel_loop3A_169, %parallel_loop3A_174 : vector<16xf32>
        %parallel_loop3A_176 = arith.index_cast %parallel_loop3A_112 : i32 to index
        %parallel_loop3A_177 = arith.constant 448 : index
        %parallel_loop3A_178 = tpu.vector_load %arg15[%parallel_loop3A_176, %parallel_loop3A_177] {strides = array<i32>} : memref<40x512xf32, #tpu.memory_space<vmem>>, vector<16xf32>,
        %parallel_loop3A_179 = vector.broadcast %parallel_loop3A_134 : f32 to vector<16xf32>
        %parallel_loop3A_180 = arith.mulf %parallel_loop3A_179, %parallel_loop3A_178 : vector<16xf32>
        %parallel_loop3A_181 = arith.addf %parallel_loop3A_175, %parallel_loop3A_180 : vector<16xf32>
        %parallel_loop3A_182 = arith.index_cast %parallel_loop3A_112 : i32 to index
        %parallel_loop3A_183 = arith.constant 0 : index
        %parallel_loop3A_184 = tpu.vector_load %arg17[%parallel_loop3A_182, %parallel_loop3A_183] {strides = array<i32>} : memref<40x64xf32, #tpu.memory_space<vmem>>, vector<16xf32>,
        tpu.vector_store %arg17[%parallel_loop3A_182, %parallel_loop3A_183], %parallel_loop3A_181 {strides = array<i32>} : memref<40x64xf32, #tpu.memory_space<vmem>>, vector<16xf32>,
        %parallel_loop3A_185 = arith.index_cast %parallel_loop3A_112 : i32 to index
        %parallel_loop3A_186 = arith.constant 16 : index
        %parallel_loop3A_187 = tpu.vector_load %arg15[%parallel_loop3A_185, %parallel_loop3A_186] {strides = array<i32>} : memref<40x512xf32, #tpu.memory_space<vmem>>, vector<16xf32>,
        %parallel_loop3A_188 = vector.broadcast %parallel_loop3A_120 : f32 to vector<16xf32>
        %parallel_loop3A_189 = arith.mulf %parallel_loop3A_188, %parallel_loop3A_187 : vector<16xf32>
        %parallel_loop3A_190 = arith.index_cast %parallel_loop3A_112 : i32 to index
        %parallel_loop3A_191 = arith.constant 80 : index
        %parallel_loop3A_192 = tpu.vector_load %arg15[%parallel_loop3A_190, %parallel_loop3A_191] {strides = array<i32>} : memref<40x512xf32, #tpu.memory_space<vmem>>, vector<16xf32>,
        %parallel_loop3A_193 = vector.broadcast %parallel_loop3A_122 : f32 to vector<16xf32>
        %parallel_loop3A_194 = arith.mulf %parallel_loop3A_193, %parallel_loop3A_192 : vector<16xf32>
        %parallel_loop3A_195 = arith.addf %parallel_loop3A_189, %parallel_loop3A_194 : vector<16xf32>
        %parallel_loop3A_196 = arith.index_cast %parallel_loop3A_112 : i32 to index
        %parallel_loop3A_197 = arith.constant 144 : index
        %parallel_loop3A_198 = tpu.vector_load %arg15[%parallel_loop3A_196, %parallel_loop3A_197] {strides = array<i32>} : memref<40x512xf32, #tpu.memory_space<vmem>>, vector<16xf32>,
        %parallel_loop3A_199 = vector.broadcast %parallel_loop3A_124 : f32 to vector<16xf32>
        %parallel_loop3A_200 = arith.mulf %parallel_loop3A_199, %parallel_loop3A_198 : vector<16xf32>
        %parallel_loop3A_201 = arith.addf %parallel_loop3A_195, %parallel_loop3A_200 : vector<16xf32>
        %parallel_loop3A_202 = arith.index_cast %parallel_loop3A_112 : i32 to index
        %parallel_loop3A_203 = arith.constant 208 : index
        %parallel_loop3A_204 = tpu.vector_load %arg15[%parallel_loop3A_202, %parallel_loop3A_203] {strides = array<i32>} : memref<40x512xf32, #tpu.memory_space<vmem>>, vector<16xf32>,
        %parallel_loop3A_205 = vector.broadcast %parallel_loop3A_126 : f32 to vector<16xf32>
        %parallel_loop3A_206 = arith.mulf %parallel_loop3A_205, %parallel_loop3A_204 : vector<16xf32>
        %parallel_loop3A_207 = arith.addf %parallel_loop3A_201, %parallel_loop3A_206 : vector<16xf32>
        %parallel_loop3A_208 = arith.index_cast %parallel_loop3A_112 : i32 to index
        %parallel_loop3A_209 = arith.constant 272 : index
        %parallel_loop3A_210 = tpu.vector_load %arg15[%parallel_loop3A_208, %parallel_loop3A_209] {strides = array<i32>} : memref<40x512xf32, #tpu.memory_space<vmem>>, vector<16xf32>,
        %parallel_loop3A_211 = vector.broadcast %parallel_loop3A_128 : f32 to vector<16xf32>
        %parallel_loop3A_212 = arith.mulf %parallel_loop3A_211, %parallel_loop3A_210 : vector<16xf32>
        %parallel_loop3A_213 = arith.addf %parallel_loop3A_207, %parallel_loop3A_212 : vector<16xf32>
        %parallel_loop3A_214 = arith.index_cast %parallel_loop3A_112 : i32 to index
        %parallel_loop3A_215 = arith.constant 336 : index
        %parallel_loop3A_216 = tpu.vector_load %arg15[%parallel_loop3A_214, %parallel_loop3A_215] {strides = array<i32>} : memref<40x512xf32, #tpu.memory_space<vmem>>, vector<16xf32>,
        %parallel_loop3A_217 = vector.broadcast %parallel_loop3A_130 : f32 to vector<16xf32>
        %parallel_loop3A_218 = arith.mulf %parallel_loop3A_217, %parallel_loop3A_216 : vector<16xf32>
        %parallel_loop3A_219 = arith.addf %parallel_loop3A_213, %parallel_loop3A_218 : vector<16xf32>
        %parallel_loop3A_220 = arith.index_cast %parallel_loop3A_112 : i32 to index
        %parallel_loop3A_221 = arith.constant 400 : index
        %parallel_loop3A_222 = tpu.vector_load %arg15[%parallel_loop3A_220, %parallel_loop3A_221] {strides = array<i32>} : memref<40x512xf32, #tpu.memory_space<vmem>>, vector<16xf32>,
        %parallel_loop3A_223 = vector.broadcast %parallel_loop3A_132 : f32 to vector<16xf32>
        %parallel_loop3A_224 = arith.mulf %parallel_loop3A_223, %parallel_loop3A_222 : vector<16xf32>
        %parallel_loop3A_225 = arith.addf %parallel_loop3A_219, %parallel_loop3A_224 : vector<16xf32>
        %parallel_loop3A_226 = arith.index_cast %parallel_loop3A_112 : i32 to index
        %parallel_loop3A_227 = arith.constant 464 : index
        %parallel_loop3A_228 = tpu.vector_load %arg15[%parallel_loop3A_226, %parallel_loop3A_227] {strides = array<i32>} : memref<40x512xf32, #tpu.memory_space<vmem>>, vector<16xf32>,
        %parallel_loop3A_229 = vector.broadcast %parallel_loop3A_134 : f32 to vector<16xf32>
        %parallel_loop3A_230 = arith.mulf %parallel_loop3A_229, %parallel_loop3A_228 : vector<16xf32>
        %parallel_loop3A_231 = arith.addf %parallel_loop3A_225, %parallel_loop3A_230 : vector<16xf32>
        %parallel_loop3A_232 = arith.index_cast %parallel_loop3A_112 : i32 to index
        %parallel_loop3A_233 = arith.constant 16 : index
        %parallel_loop3A_234 = tpu.vector_load %arg17[%parallel_loop3A_232, %parallel_loop3A_233] {strides = array<i32>} : memref<40x64xf32, #tpu.memory_space<vmem>>, vector<16xf32>,
        tpu.vector_store %arg17[%parallel_loop3A_232, %parallel_loop3A_233], %parallel_loop3A_231 {strides = array<i32>} : memref<40x64xf32, #tpu.memory_space<vmem>>, vector<16xf32>,
        %parallel_loop3A_235 = arith.index_cast %parallel_loop3A_112 : i32 to index
        %parallel_loop3A_236 = arith.constant 32 : index
        %parallel_loop3A_237 = tpu.vector_load %arg15[%parallel_loop3A_235, %parallel_loop3A_236] {strides = array<i32>} : memref<40x512xf32, #tpu.memory_space<vmem>>, vector<16xf32>,
        %parallel_loop3A_238 = vector.broadcast %parallel_loop3A_120 : f32 to vector<16xf32>
        %parallel_loop3A_239 = arith.mulf %parallel_loop3A_238, %parallel_loop3A_237 : vector<16xf32>
        %parallel_loop3A_240 = arith.index_cast %parallel_loop3A_112 : i32 to index
        %parallel_loop3A_241 = arith.constant 96 : index
        %parallel_loop3A_242 = tpu.vector_load %arg15[%parallel_loop3A_240, %parallel_loop3A_241] {strides = array<i32>} : memref<40x512xf32, #tpu.memory_space<vmem>>, vector<16xf32>,
        %parallel_loop3A_243 = vector.broadcast %parallel_loop3A_122 : f32 to vector<16xf32>
        %parallel_loop3A_244 = arith.mulf %parallel_loop3A_243, %parallel_loop3A_242 : vector<16xf32>
        %parallel_loop3A_245 = arith.addf %parallel_loop3A_239, %parallel_loop3A_244 : vector<16xf32>
        %parallel_loop3A_246 = arith.index_cast %parallel_loop3A_112 : i32 to index
        %parallel_loop3A_247 = arith.constant 160 : index
        %parallel_loop3A_248 = tpu.vector_load %arg15[%parallel_loop3A_246, %parallel_loop3A_247] {strides = array<i32>} : memref<40x512xf32, #tpu.memory_space<vmem>>, vector<16xf32>,
        %parallel_loop3A_249 = vector.broadcast %parallel_loop3A_124 : f32 to vector<16xf32>
        %parallel_loop3A_250 = arith.mulf %parallel_loop3A_249, %parallel_loop3A_248 : vector<16xf32>
        %parallel_loop3A_251 = arith.addf %parallel_loop3A_245, %parallel_loop3A_250 : vector<16xf32>
        %parallel_loop3A_252 = arith.index_cast %parallel_loop3A_112 : i32 to index
        %parallel_loop3A_253 = arith.constant 224 : index
        %parallel_loop3A_254 = tpu.vector_load %arg15[%parallel_loop3A_252, %parallel_loop3A_253] {strides = array<i32>} : memref<40x512xf32, #tpu.memory_space<vmem>>, vector<16xf32>,
        %parallel_loop3A_255 = vector.broadcast %parallel_loop3A_126 : f32 to vector<16xf32>
        %parallel_loop3A_256 = arith.mulf %parallel_loop3A_255, %parallel_loop3A_254 : vector<16xf32>
        %parallel_loop3A_257 = arith.addf %parallel_loop3A_251, %parallel_loop3A_256 : vector<16xf32>
        %parallel_loop3A_258 = arith.index_cast %parallel_loop3A_112 : i32 to index
        %parallel_loop3A_259 = arith.constant 288 : index
        %parallel_loop3A_260 = tpu.vector_load %arg15[%parallel_loop3A_258, %parallel_loop3A_259] {strides = array<i32>} : memref<40x512xf32, #tpu.memory_space<vmem>>, vector<16xf32>,
        %parallel_loop3A_261 = vector.broadcast %parallel_loop3A_128 : f32 to vector<16xf32>
        %parallel_loop3A_262 = arith.mulf %parallel_loop3A_261, %parallel_loop3A_260 : vector<16xf32>
        %parallel_loop3A_263 = arith.addf %parallel_loop3A_257, %parallel_loop3A_262 : vector<16xf32>
        %parallel_loop3A_264 = arith.index_cast %parallel_loop3A_112 : i32 to index
        %parallel_loop3A_265 = arith.constant 352 : index
        %parallel_loop3A_266 = tpu.vector_load %arg15[%parallel_loop3A_264, %parallel_loop3A_265] {strides = array<i32>} : memref<40x512xf32, #tpu.memory_space<vmem>>, vector<16xf32>,
        %parallel_loop3A_267 = vector.broadcast %parallel_loop3A_130 : f32 to vector<16xf32>
        %parallel_loop3A_268 = arith.mulf %parallel_loop3A_267, %parallel_loop3A_266 : vector<16xf32>
        %parallel_loop3A_269 = arith.addf %parallel_loop3A_263, %parallel_loop3A_268 : vector<16xf32>
        %parallel_loop3A_270 = arith.index_cast %parallel_loop3A_112 : i32 to index
        %parallel_loop3A_271 = arith.constant 416 : index
        %parallel_loop3A_272 = tpu.vector_load %arg15[%parallel_loop3A_270, %parallel_loop3A_271] {strides = array<i32>} : memref<40x512xf32, #tpu.memory_space<vmem>>, vector<16xf32>,
        %parallel_loop3A_273 = vector.broadcast %parallel_loop3A_132 : f32 to vector<16xf32>
        %parallel_loop3A_274 = arith.mulf %parallel_loop3A_273, %parallel_loop3A_272 : vector<16xf32>
        %parallel_loop3A_275 = arith.addf %parallel_loop3A_269, %parallel_loop3A_274 : vector<16xf32>
        %parallel_loop3A_276 = arith.index_cast %parallel_loop3A_112 : i32 to index
        %parallel_loop3A_277 = arith.constant 480 : index
        %parallel_loop3A_278 = tpu.vector_load %arg15[%parallel_loop3A_276, %parallel_loop3A_277] {strides = array<i32>} : memref<40x512xf32, #tpu.memory_space<vmem>>, vector<16xf32>,
        %parallel_loop3A_279 = vector.broadcast %parallel_loop3A_134 : f32 to vector<16xf32>
        %parallel_loop3A_280 = arith.mulf %parallel_loop3A_279, %parallel_loop3A_278 : vector<16xf32>
        %parallel_loop3A_281 = arith.addf %parallel_loop3A_275, %parallel_loop3A_280 : vector<16xf32>
        %parallel_loop3A_282 = arith.index_cast %parallel_loop3A_112 : i32 to index
        %parallel_loop3A_283 = arith.constant 32 : index
        %parallel_loop3A_284 = tpu.vector_load %arg17[%parallel_loop3A_282, %parallel_loop3A_283] {strides = array<i32>} : memref<40x64xf32, #tpu.memory_space<vmem>>, vector<16xf32>,
        tpu.vector_store %arg17[%parallel_loop3A_282, %parallel_loop3A_283], %parallel_loop3A_281 {strides = array<i32>} : memref<40x64xf32, #tpu.memory_space<vmem>>, vector<16xf32>,
        %parallel_loop3A_285 = arith.index_cast %parallel_loop3A_112 : i32 to index
        %parallel_loop3A_286 = arith.constant 48 : index
        %parallel_loop3A_287 = tpu.vector_load %arg15[%parallel_loop3A_285, %parallel_loop3A_286] {strides = array<i32>} : memref<40x512xf32, #tpu.memory_space<vmem>>, vector<16xf32>,
        %parallel_loop3A_288 = vector.broadcast %parallel_loop3A_120 : f32 to vector<16xf32>
        %parallel_loop3A_289 = arith.mulf %parallel_loop3A_288, %parallel_loop3A_287 : vector<16xf32>
        %parallel_loop3A_290 = arith.index_cast %parallel_loop3A_112 : i32 to index
        %parallel_loop3A_291 = arith.constant 112 : index
        %parallel_loop3A_292 = tpu.vector_load %arg15[%parallel_loop3A_290, %parallel_loop3A_291] {strides = array<i32>} : memref<40x512xf32, #tpu.memory_space<vmem>>, vector<16xf32>,
        %parallel_loop3A_293 = vector.broadcast %parallel_loop3A_122 : f32 to vector<16xf32>
        %parallel_loop3A_294 = arith.mulf %parallel_loop3A_293, %parallel_loop3A_292 : vector<16xf32>
        %parallel_loop3A_295 = arith.addf %parallel_loop3A_289, %parallel_loop3A_294 : vector<16xf32>
        %parallel_loop3A_296 = arith.index_cast %parallel_loop3A_112 : i32 to index
        %parallel_loop3A_297 = arith.constant 176 : index
        %parallel_loop3A_298 = tpu.vector_load %arg15[%parallel_loop3A_296, %parallel_loop3A_297] {strides = array<i32>} : memref<40x512xf32, #tpu.memory_space<vmem>>, vector<16xf32>,
        %parallel_loop3A_299 = vector.broadcast %parallel_loop3A_124 : f32 to vector<16xf32>
        %parallel_loop3A_300 = arith.mulf %parallel_loop3A_299, %parallel_loop3A_298 : vector<16xf32>
        %parallel_loop3A_301 = arith.addf %parallel_loop3A_295, %parallel_loop3A_300 : vector<16xf32>
        %parallel_loop3A_302 = arith.index_cast %parallel_loop3A_112 : i32 to index
        %parallel_loop3A_303 = arith.constant 240 : index
        %parallel_loop3A_304 = tpu.vector_load %arg15[%parallel_loop3A_302, %parallel_loop3A_303] {strides = array<i32>} : memref<40x512xf32, #tpu.memory_space<vmem>>, vector<16xf32>,
        %parallel_loop3A_305 = vector.broadcast %parallel_loop3A_126 : f32 to vector<16xf32>
        %parallel_loop3A_306 = arith.mulf %parallel_loop3A_305, %parallel_loop3A_304 : vector<16xf32>
        %parallel_loop3A_307 = arith.addf %parallel_loop3A_301, %parallel_loop3A_306 : vector<16xf32>
        %parallel_loop3A_308 = arith.index_cast %parallel_loop3A_112 : i32 to index
        %parallel_loop3A_309 = arith.constant 304 : index
        %parallel_loop3A_310 = tpu.vector_load %arg15[%parallel_loop3A_308, %parallel_loop3A_309] {strides = array<i32>} : memref<40x512xf32, #tpu.memory_space<vmem>>, vector<16xf32>,
        %parallel_loop3A_311 = vector.broadcast %parallel_loop3A_128 : f32 to vector<16xf32>
        %parallel_loop3A_312 = arith.mulf %parallel_loop3A_311, %parallel_loop3A_310 : vector<16xf32>
        %parallel_loop3A_313 = arith.addf %parallel_loop3A_307, %parallel_loop3A_312 : vector<16xf32>
        %parallel_loop3A_314 = arith.index_cast %parallel_loop3A_112 : i32 to index
        %parallel_loop3A_315 = arith.constant 368 : index
        %parallel_loop3A_316 = tpu.vector_load %arg15[%parallel_loop3A_314, %parallel_loop3A_315] {strides = array<i32>} : memref<40x512xf32, #tpu.memory_space<vmem>>, vector<16xf32>,
        %parallel_loop3A_317 = vector.broadcast %parallel_loop3A_130 : f32 to vector<16xf32>
        %parallel_loop3A_318 = arith.mulf %parallel_loop3A_317, %parallel_loop3A_316 : vector<16xf32>
        %parallel_loop3A_319 = arith.addf %parallel_loop3A_313, %parallel_loop3A_318 : vector<16xf32>
        %parallel_loop3A_320 = arith.index_cast %parallel_loop3A_112 : i32 to index
        %parallel_loop3A_321 = arith.constant 432 : index
        %parallel_loop3A_322 = tpu.vector_load %arg15[%parallel_loop3A_320, %parallel_loop3A_321] {strides = array<i32>} : memref<40x512xf32, #tpu.memory_space<vmem>>, vector<16xf32>,
        %parallel_loop3A_323 = vector.broadcast %parallel_loop3A_132 : f32 to vector<16xf32>
        %parallel_loop3A_324 = arith.mulf %parallel_loop3A_323, %parallel_loop3A_322 : vector<16xf32>
        %parallel_loop3A_325 = arith.addf %parallel_loop3A_319, %parallel_loop3A_324 : vector<16xf32>
        %parallel_loop3A_326 = arith.index_cast %parallel_loop3A_112 : i32 to index
        %parallel_loop3A_327 = arith.constant 496 : index
        %parallel_loop3A_328 = tpu.vector_load %arg15[%parallel_loop3A_326, %parallel_loop3A_327] {strides = array<i32>} : memref<40x512xf32, #tpu.memory_space<vmem>>, vector<16xf32>,
        %parallel_loop3A_329 = vector.broadcast %parallel_loop3A_134 : f32 to vector<16xf32>
        %parallel_loop3A_330 = arith.mulf %parallel_loop3A_329, %parallel_loop3A_328 : vector<16xf32>
        %parallel_loop3A_331 = arith.addf %parallel_loop3A_325, %parallel_loop3A_330 : vector<16xf32>
        %parallel_loop3A_332 = arith.index_cast %parallel_loop3A_112 : i32 to index
        %parallel_loop3A_333 = arith.constant 48 : index
        %parallel_loop3A_334 = tpu.vector_load %arg17[%parallel_loop3A_332, %parallel_loop3A_333] {strides = array<i32>} : memref<40x64xf32, #tpu.memory_space<vmem>>, vector<16xf32>,
        tpu.vector_store %arg17[%parallel_loop3A_332, %parallel_loop3A_333], %parallel_loop3A_331 {strides = array<i32>} : memref<40x64xf32, #tpu.memory_space<vmem>>, vector<16xf32>,
      } {sc.loop_unroll_factor = 2 : i64, sc.parallel_access}
      %dma_start3A_106 = arith.constant 0 : i32
      %dma_start3A_107 = tpu.memref_slice %arg10[%add3A_41, %dma_start3A_106] : memref<250x40xi32, #tpu.memory_space<vmem>> -> memref<1x40xi32, #tpu.memory_space<vmem>>
      %dma_start3A_108 = tpu.memref_squeeze %dma_start3A_107 : memref<1x40xi32, #tpu.memory_space<vmem>> -> memref<40xi32, #tpu.memory_space<vmem>>
      %dma_start3A_109 = arith.constant 0 : i32
      %dma_start3A_110 = arith.constant 0 : i32
      %dma_start3A_111 = tpu.memref_slice %arg18[%dma_start3A_109, %dma_start3A_110] : memref<10240x64xf32, #tpu.memory_space<vmem_shared>> -> memref<10240x64xf32, #tpu.memory_space<vmem_shared>>
      tpu.enqueue_indirect_dma source(%arg17 : memref<40x64xf32, #tpu.memory_space<vmem>>) target(%dma_start3A_111 : memref<10240x64xf32, #tpu.memory_space<vmem_shared>>) offsets(%dma_start3A_108 : memref<40xi32, #tpu.memory_space<vmem>>) semaphore(%arg24 : memref<!tpu.dma_semaphore, #tpu.memory_space<semaphore_mem>>) {add = true}
    }
    %scan3A_22 = arith.constant 125 : i32
    %dma_wait3A = arith.constant 0 : i32
    %dma_wait3A_23 = arith.constant 0 : i32
    %dma_wait3A_24 = tpu.memref_slice %arg10[%dma_wait3A, %dma_wait3A_23] : memref<250x40xi32, #tpu.memory_space<vmem>> -> memref<1x40xi32, #tpu.memory_space<vmem>>
    %dma_wait3A_25 = tpu.memref_squeeze %dma_wait3A_24 : memref<1x40xi32, #tpu.memory_space<vmem>> -> memref<40xi32, #tpu.memory_space<vmem>>
    %dma_wait3A_26 = arith.constant 0 : i32
    %dma_wait3A_27 = arith.constant 0 : i32
    %dma_wait3A_28 = tpu.memref_slice %arg18[%dma_wait3A_26, %dma_wait3A_27] : memref<10240x64xf32, #tpu.memory_space<vmem_shared>> -> memref<10240x64xf32, #tpu.memory_space<vmem_shared>>
    tpu.wait_indirect_dma semaphore(%arg23 : memref<!tpu.dma_semaphore, #tpu.memory_space<semaphore_mem>>) src(%arg16 : memref<40x64xf32, #tpu.memory_space<vmem>>) dst(%dma_wait3A_28 : memref<10240x64xf32, #tpu.memory_space<vmem_shared>>)
    %dma_wait3A_29 = arith.constant 0 : i32
    %dma_wait3A_30 = arith.constant 0 : i32
    %dma_wait3A_31 = tpu.memref_slice %arg10[%dma_wait3A_29, %dma_wait3A_30] : memref<250x40xi32, #tpu.memory_space<vmem>> -> memref<1x40xi32, #tpu.memory_space<vmem>>
    %dma_wait3A_32 = tpu.memref_squeeze %dma_wait3A_31 : memref<1x40xi32, #tpu.memory_space<vmem>> -> memref<40xi32, #tpu.memory_space<vmem>>
    %dma_wait3A_33 = arith.constant 0 : i32
    %dma_wait3A_34 = arith.constant 0 : i32
    %dma_wait3A_35 = tpu.memref_slice %arg18[%dma_wait3A_33, %dma_wait3A_34] : memref<10240x64xf32, #tpu.memory_space<vmem_shared>> -> memref<10240x64xf32, #tpu.memory_space<vmem_shared>>
    tpu.wait_indirect_dma semaphore(%arg24 : memref<!tpu.dma_semaphore, #tpu.memory_space<semaphore_mem>>) src(%arg17 : memref<40x64xf32, #tpu.memory_space<vmem>>) dst(%dma_wait3A_35 : memref<10240x64xf32, #tpu.memory_space<vmem_shared>>)
    %barrier3A_36 = arith.constant 0 : index
    tpu.barrier barrier_id(%barrier3A_36)
    "tpu.region"() ({
      %run_scoped3A = tpu.sem_alloc : memref<!tpu.dma_semaphore, #tpu.memory_space<semaphore_mem>>
      %dma_start3A_37 = arith.constant 0 : i32
      %dma_start3A_38 = tpu.memref_slice %arg8[%arg0, %mul3A_2, %dma_start3A_37] : memref<2x10240x64xf32, #tpu.memory_space<hbm>> -> memref<1x640x64xf32, #tpu.memory_space<hbm>>
      %dma_start3A_39 = tpu.memref_squeeze %dma_start3A_38 : memref<1x640x64xf32, #tpu.memory_space<hbm>> -> memref<640x64xf32, #tpu.memory_space<hbm>>
      %dma_start3A_40 = arith.constant 0 : i32
      %dma_start3A_41 = tpu.memref_slice %arg18[%mul3A_2, %dma_start3A_40] : memref<10240x64xf32, #tpu.memory_space<vmem_shared>> -> memref<640x64xf32, #tpu.memory_space<vmem_shared>>
      tpu.enqueue_dma source(%dma_start3A_41 : memref<640x64xf32, #tpu.memory_space<vmem_shared>>) target(%dma_start3A_39 : memref<640x64xf32, #tpu.memory_space<hbm>>) target_semaphore(%run_scoped3A : memref<!tpu.dma_semaphore, #tpu.memory_space<semaphore_mem>>)
      %dma_wait3A_42 = arith.constant 0 : i32
      %dma_wait3A_43 = tpu.memref_slice %arg8[%arg0, %mul3A_2, %dma_wait3A_42] : memref<2x10240x64xf32, #tpu.memory_space<hbm>> -> memref<1x640x64xf32, #tpu.memory_space<hbm>>
      %dma_wait3A_44 = tpu.memref_squeeze %dma_wait3A_43 : memref<1x640x64xf32, #tpu.memory_space<hbm>> -> memref<640x64xf32, #tpu.memory_space<hbm>>
      %dma_wait3A_45 = arith.constant 0 : i32
      %dma_wait3A_46 = tpu.memref_slice %arg18[%mul3A_2, %dma_wait3A_45] : memref<10240x64xf32, #tpu.memory_space<vmem_shared>> -> memref<640x64xf32, #tpu.memory_space<vmem_shared>>
      tpu.wait_dma2 semaphore(%run_scoped3A : memref<!tpu.dma_semaphore, #tpu.memory_space<semaphore_mem>>) src(%dma_wait3A_46 : memref<640x64xf32, #tpu.memory_space<vmem_shared>>) dst(%dma_wait3A_44 : memref<640x64xf32, #tpu.memory_space<hbm>>)
      tpu.yield
    }) : () -> ()
    return
  }
}

module attributes {stable_mosaic.version = 14 : i64} {
  func.func @_tc_alpha_body(%arg0: i32, %arg1: memref<1x3x1280xf32, #tpu.memory_space<vmem>>, %arg2: memref<4x16x3xf32, #tpu.memory_space<vmem>>, %arg3: memref<4x16x1xf32, #tpu.memory_space<vmem>>, %arg4: memref<4x8x16xf32, #tpu.memory_space<vmem>>, %arg5: memref<4x8x1xf32, #tpu.memory_space<vmem>>, %arg6: memref<4x1x16x1280xf32, #tpu.memory_space<vmem>>) attributes {dimension_semantics = [#tpu.dimension_semantics<arbitrary>], iteration_bounds = array<i64: 256>, scalar_prefetch = 0 : i64, scratch_operands = 0 : i64, tpu.core_type = #tpu.core_type<tc>, window_params = [{transform_indices = @transform_0, window_bounds = array<i64: 1, 3, 1280>}, {pipeline_mode = #tpu.pipeline_mode<synchronous>, transform_indices = @transform_1, window_bounds = array<i64: 4, 16, 3>}, {pipeline_mode = #tpu.pipeline_mode<synchronous>, transform_indices = @transform_2, window_bounds = array<i64: 4, 16, 1>}, {pipeline_mode = #tpu.pipeline_mode<synchronous>, transform_indices = @transform_3, window_bounds = array<i64: 4, 8, 16>}, {pipeline_mode = #tpu.pipeline_mode<synchronous>, transform_indices = @transform_4, window_bounds = array<i64: 4, 8, 1>}, {transform_indices = @transform_5, window_bounds = array<i64: 4, 1, 16, 1280>}]} {
    %get3A = arith.constant 0 : index
    %get3A_0 = arith.constant 0 : index
    %get3A_1 = arith.constant 0 : index
    %get3A_2 = vector.load %arg1[%get3A, %get3A_0, %get3A_1] : memref<1x3x1280xf32, #tpu.memory_space<vmem>>, vector<1x3x1280xf32>
    %get3A_3 = vector.shape_cast %get3A_2 : vector<1x3x1280xf32> to vector<3x1280xf32>
    %get3A_4 = arith.constant 0 : index
    %get3A_5 = arith.constant 0 : index
    %get3A_6 = arith.constant 0 : index
    %get3A_7 = vector.load %arg2[%get3A_4, %get3A_5, %get3A_6] : memref<4x16x3xf32, #tpu.memory_space<vmem>>, vector<1x16x3xf32>
    %get3A_8 = vector.shape_cast %get3A_7 : vector<1x16x3xf32> to vector<16x3xf32>
    %dot_general3A = arith.constant dense<0.000000e+00> : vector<16x1280xf32>
    %dot_general3A_9 = tpu.matmul %get3A_8, %get3A_3, %dot_general3A {dimension_numbers = #tpu.dot_dimension_numbers<[1], [0], [0], [1], [0, 0, 1, 1], [], []>, transpose_lhs_hint = false} : vector<16x3xf32>, vector<3x1280xf32>, vector<16x1280xf32> -> vector<16x1280xf32>
    %get3A_10 = arith.constant 0 : index
    %get3A_11 = arith.constant 0 : index
    %get3A_12 = arith.constant 0 : index
    %get3A_13 = vector.load %arg3[%get3A_10, %get3A_11, %get3A_12] : memref<4x16x1xf32, #tpu.memory_space<vmem>>, vector<1x16x1xf32>
    %get3A_14 = vector.shape_cast %get3A_13 : vector<1x16x1xf32> to vector<16x1xf32>
    %add3A = vector.broadcast %get3A_14 : vector<16x1xf32> to vector<16x1280xf32>
    %add3A_15 = arith.addf %dot_general3A_9, %add3A : vector<16x1280xf32>
    %tanh3A = math.tanh %add3A_15 : vector<16x1280xf32>
    %get3A_16 = arith.constant 0 : index
    %get3A_17 = arith.constant 0 : index
    %get3A_18 = arith.constant 0 : index
    %get3A_19 = vector.load %arg4[%get3A_16, %get3A_17, %get3A_18] : memref<4x8x16xf32, #tpu.memory_space<vmem>>, vector<1x8x16xf32>
    %get3A_20 = vector.shape_cast %get3A_19 : vector<1x8x16xf32> to vector<8x16xf32>
    %dot_general3A_21 = arith.constant dense<0.000000e+00> : vector<8x1280xf32>
    %dot_general3A_22 = tpu.matmul %get3A_20, %tanh3A, %dot_general3A_21 {dimension_numbers = #tpu.dot_dimension_numbers<[1], [0], [0], [1], [0, 0, 1, 1], [], []>, transpose_lhs_hint = false} : vector<8x16xf32>, vector<16x1280xf32>, vector<8x1280xf32> -> vector<8x1280xf32>
    %get3A_23 = arith.constant 0 : index
    %get3A_24 = arith.constant 0 : index
    %get3A_25 = arith.constant 0 : index
    %get3A_26 = vector.load %arg5[%get3A_23, %get3A_24, %get3A_25] : memref<4x8x1xf32, #tpu.memory_space<vmem>>, vector<1x8x1xf32>
    %get3A_27 = vector.shape_cast %get3A_26 : vector<1x8x1xf32> to vector<8x1xf32>
    %add3A_28 = vector.broadcast %get3A_27 : vector<8x1xf32> to vector<8x1280xf32>
    %add3A_29 = arith.addf %dot_general3A_22, %add3A_28 : vector<8x1280xf32>
    %reduce_max3A = arith.constant dense<0xFF800000> : vector<1280xf32>
    %reduce_max3A_30 = vector.multi_reduction <maximumf>, %add3A_29, %reduce_max3A [0] : vector<8x1280xf32> to vector<1280xf32>
    %broadcast_in_dim3A = vector.shape_cast %reduce_max3A_30 : vector<1280xf32> to vector<1x1280xf32>
    %sub3A = vector.broadcast %broadcast_in_dim3A : vector<1x1280xf32> to vector<8x1280xf32>
    %sub3A_31 = arith.subf %add3A_29, %sub3A : vector<8x1280xf32>
    %exp3A = math.exp %sub3A_31 : vector<8x1280xf32>
    %reduce_sum3A = arith.constant dense<0.000000e+00> : vector<1280xf32>
    %reduce_sum3A_32 = vector.multi_reduction <add>, %exp3A, %reduce_sum3A [0] : vector<8x1280xf32> to vector<1280xf32>
    %broadcast_in_dim3A_33 = vector.shape_cast %reduce_sum3A_32 : vector<1280xf32> to vector<1x1280xf32>
    %div3A = vector.broadcast %broadcast_in_dim3A_33 : vector<1x1280xf32> to vector<8x1280xf32>
    %div3A_34 = arith.divf %exp3A, %div3A : vector<8x1280xf32>
    %broadcast_in_dim3A_35 = arith.constant 0.000000e+00 : f32
    %broadcast_in_dim3A_36 = vector.broadcast %broadcast_in_dim3A_35 : f32 to vector<8x1280xf32>
    %concatenate3A = tpu.concatenate %div3A_34, %broadcast_in_dim3A_36 in 0 : vector<8x1280xf32>, vector<8x1280xf32> -> vector<16x1280xf32>
    %swap3A = arith.constant 0 : index
    %swap3A_37 = arith.constant 0 : index
    %swap3A_38 = arith.constant 0 : index
    %swap3A_39 = arith.constant 0 : index
    %swap3A_40 = vector.load %arg6[%swap3A, %swap3A_37, %swap3A_38, %swap3A_39] : memref<4x1x16x1280xf32, #tpu.memory_space<vmem>>, vector<1x1x16x1280xf32>
    %swap3A_41 = vector.shape_cast %swap3A_40 : vector<1x1x16x1280xf32> to vector<16x1280xf32>
    %swap3A_42 = vector.shape_cast %concatenate3A : vector<16x1280xf32> to vector<1x1x16x1280xf32>
    tpu.vector_store %arg6[%swap3A, %swap3A_37, %swap3A_38, %swap3A_39], %swap3A_42 {strides = array<i32>} : memref<4x1x16x1280xf32, #tpu.memory_space<vmem>>, vector<1x1x16x1280xf32>,
    %get3A_43 = arith.constant 1 : index
    %get3A_44 = arith.constant 0 : index
    %get3A_45 = arith.constant 0 : index
    %get3A_46 = vector.load %arg2[%get3A_43, %get3A_44, %get3A_45] : memref<4x16x3xf32, #tpu.memory_space<vmem>>, vector<1x16x3xf32>
    %get3A_47 = vector.shape_cast %get3A_46 : vector<1x16x3xf32> to vector<16x3xf32>
    %dot_general3A_48 = arith.constant dense<0.000000e+00> : vector<16x1280xf32>
    %dot_general3A_49 = tpu.matmul %get3A_47, %get3A_3, %dot_general3A_48 {dimension_numbers = #tpu.dot_dimension_numbers<[1], [0], [0], [1], [0, 0, 1, 1], [], []>, transpose_lhs_hint = false} : vector<16x3xf32>, vector<3x1280xf32>, vector<16x1280xf32> -> vector<16x1280xf32>
    %get3A_50 = arith.constant 1 : index
    %get3A_51 = arith.constant 0 : index
    %get3A_52 = arith.constant 0 : index
    %get3A_53 = vector.load %arg3[%get3A_50, %get3A_51, %get3A_52] : memref<4x16x1xf32, #tpu.memory_space<vmem>>, vector<1x16x1xf32>
    %get3A_54 = vector.shape_cast %get3A_53 : vector<1x16x1xf32> to vector<16x1xf32>
    %add3A_55 = vector.broadcast %get3A_54 : vector<16x1xf32> to vector<16x1280xf32>
    %add3A_56 = arith.addf %dot_general3A_49, %add3A_55 : vector<16x1280xf32>
    %tanh3A_57 = math.tanh %add3A_56 : vector<16x1280xf32>
    %get3A_58 = arith.constant 1 : index
    %get3A_59 = arith.constant 0 : index
    %get3A_60 = arith.constant 0 : index
    %get3A_61 = vector.load %arg4[%get3A_58, %get3A_59, %get3A_60] : memref<4x8x16xf32, #tpu.memory_space<vmem>>, vector<1x8x16xf32>
    %get3A_62 = vector.shape_cast %get3A_61 : vector<1x8x16xf32> to vector<8x16xf32>
    %dot_general3A_63 = arith.constant dense<0.000000e+00> : vector<8x1280xf32>
    %dot_general3A_64 = tpu.matmul %get3A_62, %tanh3A_57, %dot_general3A_63 {dimension_numbers = #tpu.dot_dimension_numbers<[1], [0], [0], [1], [0, 0, 1, 1], [], []>, transpose_lhs_hint = false} : vector<8x16xf32>, vector<16x1280xf32>, vector<8x1280xf32> -> vector<8x1280xf32>
    %get3A_65 = arith.constant 1 : index
    %get3A_66 = arith.constant 0 : index
    %get3A_67 = arith.constant 0 : index
    %get3A_68 = vector.load %arg5[%get3A_65, %get3A_66, %get3A_67] : memref<4x8x1xf32, #tpu.memory_space<vmem>>, vector<1x8x1xf32>
    %get3A_69 = vector.shape_cast %get3A_68 : vector<1x8x1xf32> to vector<8x1xf32>
    %add3A_70 = vector.broadcast %get3A_69 : vector<8x1xf32> to vector<8x1280xf32>
    %add3A_71 = arith.addf %dot_general3A_64, %add3A_70 : vector<8x1280xf32>
    %reduce_max3A_72 = arith.constant dense<0xFF800000> : vector<1280xf32>
    %reduce_max3A_73 = vector.multi_reduction <maximumf>, %add3A_71, %reduce_max3A_72 [0] : vector<8x1280xf32> to vector<1280xf32>
    %broadcast_in_dim3A_74 = vector.shape_cast %reduce_max3A_73 : vector<1280xf32> to vector<1x1280xf32>
    %sub3A_75 = vector.broadcast %broadcast_in_dim3A_74 : vector<1x1280xf32> to vector<8x1280xf32>
    %sub3A_76 = arith.subf %add3A_71, %sub3A_75 : vector<8x1280xf32>
    %exp3A_77 = math.exp %sub3A_76 : vector<8x1280xf32>
    %reduce_sum3A_78 = arith.constant dense<0.000000e+00> : vector<1280xf32>
    %reduce_sum3A_79 = vector.multi_reduction <add>, %exp3A_77, %reduce_sum3A_78 [0] : vector<8x1280xf32> to vector<1280xf32>
    %broadcast_in_dim3A_80 = vector.shape_cast %reduce_sum3A_79 : vector<1280xf32> to vector<1x1280xf32>
    %div3A_81 = vector.broadcast %broadcast_in_dim3A_80 : vector<1x1280xf32> to vector<8x1280xf32>
    %div3A_82 = arith.divf %exp3A_77, %div3A_81 : vector<8x1280xf32>
    %broadcast_in_dim3A_83 = arith.constant 0.000000e+00 : f32
    %broadcast_in_dim3A_84 = vector.broadcast %broadcast_in_dim3A_83 : f32 to vector<8x1280xf32>
    %concatenate3A_85 = tpu.concatenate %div3A_82, %broadcast_in_dim3A_84 in 0 : vector<8x1280xf32>, vector<8x1280xf32> -> vector<16x1280xf32>
    %swap3A_86 = arith.constant 1 : index
    %swap3A_87 = arith.constant 0 : index
    %swap3A_88 = arith.constant 0 : index
    %swap3A_89 = arith.constant 0 : index
    %swap3A_90 = vector.load %arg6[%swap3A_86, %swap3A_87, %swap3A_88, %swap3A_89] : memref<4x1x16x1280xf32, #tpu.memory_space<vmem>>, vector<1x1x16x1280xf32>
    %swap3A_91 = vector.shape_cast %swap3A_90 : vector<1x1x16x1280xf32> to vector<16x1280xf32>
    %swap3A_92 = vector.shape_cast %concatenate3A_85 : vector<16x1280xf32> to vector<1x1x16x1280xf32>
    tpu.vector_store %arg6[%swap3A_86, %swap3A_87, %swap3A_88, %swap3A_89], %swap3A_92 {strides = array<i32>} : memref<4x1x16x1280xf32, #tpu.memory_space<vmem>>, vector<1x1x16x1280xf32>,
    %get3A_93 = arith.constant 2 : index
    %get3A_94 = arith.constant 0 : index
    %get3A_95 = arith.constant 0 : index
    %get3A_96 = vector.load %arg2[%get3A_93, %get3A_94, %get3A_95] : memref<4x16x3xf32, #tpu.memory_space<vmem>>, vector<1x16x3xf32>
    %get3A_97 = vector.shape_cast %get3A_96 : vector<1x16x3xf32> to vector<16x3xf32>
    %dot_general3A_98 = arith.constant dense<0.000000e+00> : vector<16x1280xf32>
    %dot_general3A_99 = tpu.matmul %get3A_97, %get3A_3, %dot_general3A_98 {dimension_numbers = #tpu.dot_dimension_numbers<[1], [0], [0], [1], [0, 0, 1, 1], [], []>, transpose_lhs_hint = false} : vector<16x3xf32>, vector<3x1280xf32>, vector<16x1280xf32> -> vector<16x1280xf32>
    %get3A_100 = arith.constant 2 : index
    %get3A_101 = arith.constant 0 : index
    %get3A_102 = arith.constant 0 : index
    %get3A_103 = vector.load %arg3[%get3A_100, %get3A_101, %get3A_102] : memref<4x16x1xf32, #tpu.memory_space<vmem>>, vector<1x16x1xf32>
    %get3A_104 = vector.shape_cast %get3A_103 : vector<1x16x1xf32> to vector<16x1xf32>
    %add3A_105 = vector.broadcast %get3A_104 : vector<16x1xf32> to vector<16x1280xf32>
    %add3A_106 = arith.addf %dot_general3A_99, %add3A_105 : vector<16x1280xf32>
    %tanh3A_107 = math.tanh %add3A_106 : vector<16x1280xf32>
    %get3A_108 = arith.constant 2 : index
    %get3A_109 = arith.constant 0 : index
    %get3A_110 = arith.constant 0 : index
    %get3A_111 = vector.load %arg4[%get3A_108, %get3A_109, %get3A_110] : memref<4x8x16xf32, #tpu.memory_space<vmem>>, vector<1x8x16xf32>
    %get3A_112 = vector.shape_cast %get3A_111 : vector<1x8x16xf32> to vector<8x16xf32>
    %dot_general3A_113 = arith.constant dense<0.000000e+00> : vector<8x1280xf32>
    %dot_general3A_114 = tpu.matmul %get3A_112, %tanh3A_107, %dot_general3A_113 {dimension_numbers = #tpu.dot_dimension_numbers<[1], [0], [0], [1], [0, 0, 1, 1], [], []>, transpose_lhs_hint = false} : vector<8x16xf32>, vector<16x1280xf32>, vector<8x1280xf32> -> vector<8x1280xf32>
    %get3A_115 = arith.constant 2 : index
    %get3A_116 = arith.constant 0 : index
    %get3A_117 = arith.constant 0 : index
    %get3A_118 = vector.load %arg5[%get3A_115, %get3A_116, %get3A_117] : memref<4x8x1xf32, #tpu.memory_space<vmem>>, vector<1x8x1xf32>
    %get3A_119 = vector.shape_cast %get3A_118 : vector<1x8x1xf32> to vector<8x1xf32>
    %add3A_120 = vector.broadcast %get3A_119 : vector<8x1xf32> to vector<8x1280xf32>
    %add3A_121 = arith.addf %dot_general3A_114, %add3A_120 : vector<8x1280xf32>
    %reduce_max3A_122 = arith.constant dense<0xFF800000> : vector<1280xf32>
    %reduce_max3A_123 = vector.multi_reduction <maximumf>, %add3A_121, %reduce_max3A_122 [0] : vector<8x1280xf32> to vector<1280xf32>
    %broadcast_in_dim3A_124 = vector.shape_cast %reduce_max3A_123 : vector<1280xf32> to vector<1x1280xf32>
    %sub3A_125 = vector.broadcast %broadcast_in_dim3A_124 : vector<1x1280xf32> to vector<8x1280xf32>
    %sub3A_126 = arith.subf %add3A_121, %sub3A_125 : vector<8x1280xf32>
    %exp3A_127 = math.exp %sub3A_126 : vector<8x1280xf32>
    %reduce_sum3A_128 = arith.constant dense<0.000000e+00> : vector<1280xf32>
    %reduce_sum3A_129 = vector.multi_reduction <add>, %exp3A_127, %reduce_sum3A_128 [0] : vector<8x1280xf32> to vector<1280xf32>
    %broadcast_in_dim3A_130 = vector.shape_cast %reduce_sum3A_129 : vector<1280xf32> to vector<1x1280xf32>
    %div3A_131 = vector.broadcast %broadcast_in_dim3A_130 : vector<1x1280xf32> to vector<8x1280xf32>
    %div3A_132 = arith.divf %exp3A_127, %div3A_131 : vector<8x1280xf32>
    %broadcast_in_dim3A_133 = arith.constant 0.000000e+00 : f32
    %broadcast_in_dim3A_134 = vector.broadcast %broadcast_in_dim3A_133 : f32 to vector<8x1280xf32>
    %concatenate3A_135 = tpu.concatenate %div3A_132, %broadcast_in_dim3A_134 in 0 : vector<8x1280xf32>, vector<8x1280xf32> -> vector<16x1280xf32>
    %swap3A_136 = arith.constant 2 : index
    %swap3A_137 = arith.constant 0 : index
    %swap3A_138 = arith.constant 0 : index
    %swap3A_139 = arith.constant 0 : index
    %swap3A_140 = vector.load %arg6[%swap3A_136, %swap3A_137, %swap3A_138, %swap3A_139] : memref<4x1x16x1280xf32, #tpu.memory_space<vmem>>, vector<1x1x16x1280xf32>
    %swap3A_141 = vector.shape_cast %swap3A_140 : vector<1x1x16x1280xf32> to vector<16x1280xf32>
    %swap3A_142 = vector.shape_cast %concatenate3A_135 : vector<16x1280xf32> to vector<1x1x16x1280xf32>
    tpu.vector_store %arg6[%swap3A_136, %swap3A_137, %swap3A_138, %swap3A_139], %swap3A_142 {strides = array<i32>} : memref<4x1x16x1280xf32, #tpu.memory_space<vmem>>, vector<1x1x16x1280xf32>,
    %get3A_143 = arith.constant 3 : index
    %get3A_144 = arith.constant 0 : index
    %get3A_145 = arith.constant 0 : index
    %get3A_146 = vector.load %arg2[%get3A_143, %get3A_144, %get3A_145] : memref<4x16x3xf32, #tpu.memory_space<vmem>>, vector<1x16x3xf32>
    %get3A_147 = vector.shape_cast %get3A_146 : vector<1x16x3xf32> to vector<16x3xf32>
    %dot_general3A_148 = arith.constant dense<0.000000e+00> : vector<16x1280xf32>
    %dot_general3A_149 = tpu.matmul %get3A_147, %get3A_3, %dot_general3A_148 {dimension_numbers = #tpu.dot_dimension_numbers<[1], [0], [0], [1], [0, 0, 1, 1], [], []>, transpose_lhs_hint = false} : vector<16x3xf32>, vector<3x1280xf32>, vector<16x1280xf32> -> vector<16x1280xf32>
    %get3A_150 = arith.constant 3 : index
    %get3A_151 = arith.constant 0 : index
    %get3A_152 = arith.constant 0 : index
    %get3A_153 = vector.load %arg3[%get3A_150, %get3A_151, %get3A_152] : memref<4x16x1xf32, #tpu.memory_space<vmem>>, vector<1x16x1xf32>
    %get3A_154 = vector.shape_cast %get3A_153 : vector<1x16x1xf32> to vector<16x1xf32>
    %add3A_155 = vector.broadcast %get3A_154 : vector<16x1xf32> to vector<16x1280xf32>
    %add3A_156 = arith.addf %dot_general3A_149, %add3A_155 : vector<16x1280xf32>
    %tanh3A_157 = math.tanh %add3A_156 : vector<16x1280xf32>
    %get3A_158 = arith.constant 3 : index
    %get3A_159 = arith.constant 0 : index
    %get3A_160 = arith.constant 0 : index
    %get3A_161 = vector.load %arg4[%get3A_158, %get3A_159, %get3A_160] : memref<4x8x16xf32, #tpu.memory_space<vmem>>, vector<1x8x16xf32>
    %get3A_162 = vector.shape_cast %get3A_161 : vector<1x8x16xf32> to vector<8x16xf32>
    %dot_general3A_163 = arith.constant dense<0.000000e+00> : vector<8x1280xf32>
    %dot_general3A_164 = tpu.matmul %get3A_162, %tanh3A_157, %dot_general3A_163 {dimension_numbers = #tpu.dot_dimension_numbers<[1], [0], [0], [1], [0, 0, 1, 1], [], []>, transpose_lhs_hint = false} : vector<8x16xf32>, vector<16x1280xf32>, vector<8x1280xf32> -> vector<8x1280xf32>
    %get3A_165 = arith.constant 3 : index
    %get3A_166 = arith.constant 0 : index
    %get3A_167 = arith.constant 0 : index
    %get3A_168 = vector.load %arg5[%get3A_165, %get3A_166, %get3A_167] : memref<4x8x1xf32, #tpu.memory_space<vmem>>, vector<1x8x1xf32>
    %get3A_169 = vector.shape_cast %get3A_168 : vector<1x8x1xf32> to vector<8x1xf32>
    %add3A_170 = vector.broadcast %get3A_169 : vector<8x1xf32> to vector<8x1280xf32>
    %add3A_171 = arith.addf %dot_general3A_164, %add3A_170 : vector<8x1280xf32>
    %reduce_max3A_172 = arith.constant dense<0xFF800000> : vector<1280xf32>
    %reduce_max3A_173 = vector.multi_reduction <maximumf>, %add3A_171, %reduce_max3A_172 [0] : vector<8x1280xf32> to vector<1280xf32>
    %broadcast_in_dim3A_174 = vector.shape_cast %reduce_max3A_173 : vector<1280xf32> to vector<1x1280xf32>
    %sub3A_175 = vector.broadcast %broadcast_in_dim3A_174 : vector<1x1280xf32> to vector<8x1280xf32>
    %sub3A_176 = arith.subf %add3A_171, %sub3A_175 : vector<8x1280xf32>
    %exp3A_177 = math.exp %sub3A_176 : vector<8x1280xf32>
    %reduce_sum3A_178 = arith.constant dense<0.000000e+00> : vector<1280xf32>
    %reduce_sum3A_179 = vector.multi_reduction <add>, %exp3A_177, %reduce_sum3A_178 [0] : vector<8x1280xf32> to vector<1280xf32>
    %broadcast_in_dim3A_180 = vector.shape_cast %reduce_sum3A_179 : vector<1280xf32> to vector<1x1280xf32>
    %div3A_181 = vector.broadcast %broadcast_in_dim3A_180 : vector<1x1280xf32> to vector<8x1280xf32>
    %div3A_182 = arith.divf %exp3A_177, %div3A_181 : vector<8x1280xf32>
    %broadcast_in_dim3A_183 = arith.constant 0.000000e+00 : f32
    %broadcast_in_dim3A_184 = vector.broadcast %broadcast_in_dim3A_183 : f32 to vector<8x1280xf32>
    %concatenate3A_185 = tpu.concatenate %div3A_182, %broadcast_in_dim3A_184 in 0 : vector<8x1280xf32>, vector<8x1280xf32> -> vector<16x1280xf32>
    %swap3A_186 = arith.constant 3 : index
    %swap3A_187 = arith.constant 0 : index
    %swap3A_188 = arith.constant 0 : index
    %swap3A_189 = arith.constant 0 : index
    %swap3A_190 = vector.load %arg6[%swap3A_186, %swap3A_187, %swap3A_188, %swap3A_189] : memref<4x1x16x1280xf32, #tpu.memory_space<vmem>>, vector<1x1x16x1280xf32>
    %swap3A_191 = vector.shape_cast %swap3A_190 : vector<1x1x16x1280xf32> to vector<16x1280xf32>
    %swap3A_192 = vector.shape_cast %concatenate3A_185 : vector<16x1280xf32> to vector<1x1x16x1280xf32>
    tpu.vector_store %arg6[%swap3A_186, %swap3A_187, %swap3A_188, %swap3A_189], %swap3A_192 {strides = array<i32>} : memref<4x1x16x1280xf32, #tpu.memory_space<vmem>>, vector<1x1x16x1280xf32>,
    return
  }
  func.func @transform_0(%arg0: i32) -> (i32, i32, i32) {
    %jit3A = arith.constant 8 : i32
    %div3A = arith.divsi %arg0, %jit3A : i32
    %sign3A = arith.constant 0 : i32
    %sign3A_0 = arith.cmpi sgt, %arg0, %sign3A : i32
    %sign3A_1 = arith.extui %sign3A_0 : i1 to i32
    %sign3A_2 = arith.constant 0 : i32
    %sign3A_3 = arith.cmpi slt, %arg0, %sign3A_2 : i32
    %sign3A_4 = arith.extui %sign3A_3 : i1 to i32
    %sign3A_5 = arith.subi %sign3A_1, %sign3A_4 : i32
    %sign3A_6 = arith.constant 0 : i32
    %sign3A_7 = arith.cmpi sgt, %jit3A, %sign3A_6 : i32
    %sign3A_8 = arith.extui %sign3A_7 : i1 to i32
    %sign3A_9 = arith.constant 0 : i32
    %sign3A_10 = arith.cmpi slt, %jit3A, %sign3A_9 : i32
    %sign3A_11 = arith.extui %sign3A_10 : i1 to i32
    %sign3A_12 = arith.subi %sign3A_8, %sign3A_11 : i32
    %ne3A = arith.cmpi ne, %sign3A_5, %sign3A_12 : i32
    %rem3A = arith.remsi %arg0, %jit3A : i32
    %ne3A_13 = arith.constant 0 : i32
    %ne3A_14 = arith.cmpi ne, %rem3A, %ne3A_13 : i32
    %and3A = arith.andi %ne3A, %ne3A_14 : i1
    %sub3A = arith.constant 1 : i32
    %sub3A_15 = arith.subi %div3A, %sub3A : i32
    %select_n3A = arith.select %and3A, %sub3A_15, %div3A : i32
    %jit3A_16 = arith.constant 8 : i32
    %eq3A = arith.constant 0 : i32
    %eq3A_17 = arith.cmpi eq, %jit3A_16, %eq3A : i32
    %jit3A_18 = arith.constant 1 : i32
    %select_n3A_19 = arith.select %eq3A_17, %jit3A_18, %jit3A_16 : i32
    %rem3A_20 = arith.remsi %arg0, %select_n3A_19 : i32
    %ne3A_21 = arith.constant 0 : i32
    %ne3A_22 = arith.cmpi ne, %rem3A_20, %ne3A_21 : i32
    %lt3A = arith.constant 0 : i32
    %lt3A_23 = arith.cmpi slt, %rem3A_20, %lt3A : i32
    %lt3A_24 = arith.constant 0 : i32
    %lt3A_25 = arith.cmpi slt, %select_n3A_19, %lt3A_24 : i32
    %ne3A_26 = arith.xori %lt3A_23, %lt3A_25 : i1
    %and3A_27 = arith.andi %ne3A_26, %ne3A_22 : i1
    %add3A = arith.addi %rem3A_20, %select_n3A_19 : i32
    %select_n3A_28 = arith.select %and3A_27, %add3A, %rem3A_20 : i32
    %c0_i32 = arith.constant 0 : i32
    %c0_i32_29 = arith.constant 0 : i32
    return %select_n3A, %c0_i32, %select_n3A_28 : i32, i32, i32
  }
  func.func @transform_1(%arg0: i32) -> (i32, i32, i32) {
    %c0_i32 = arith.constant 0 : i32
    %c0_i32_0 = arith.constant 0 : i32
    %c0_i32_1 = arith.constant 0 : i32
    %c0_i32_2 = arith.constant 0 : i32
    return %c0_i32, %c0_i32_0, %c0_i32_1 : i32, i32, i32
  }
  func.func @transform_2(%arg0: i32) -> (i32, i32, i32) {
    %c0_i32 = arith.constant 0 : i32
    %c0_i32_0 = arith.constant 0 : i32
    %c0_i32_1 = arith.constant 0 : i32
    %c0_i32_2 = arith.constant 0 : i32
    return %c0_i32, %c0_i32_0, %c0_i32_1 : i32, i32, i32
  }
  func.func @transform_3(%arg0: i32) -> (i32, i32, i32) {
    %c0_i32 = arith.constant 0 : i32
    %c0_i32_0 = arith.constant 0 : i32
    %c0_i32_1 = arith.constant 0 : i32
    %c0_i32_2 = arith.constant 0 : i32
    return %c0_i32, %c0_i32_0, %c0_i32_1 : i32, i32, i32
  }
  func.func @transform_4(%arg0: i32) -> (i32, i32, i32) {
    %c0_i32 = arith.constant 0 : i32
    %c0_i32_0 = arith.constant 0 : i32
    %c0_i32_1 = arith.constant 0 : i32
    %c0_i32_2 = arith.constant 0 : i32
    return %c0_i32, %c0_i32_0, %c0_i32_1 : i32, i32, i32
  }
  func.func @transform_5(%arg0: i32) -> (i32, i32, i32, i32) {
    %jit3A = arith.constant 8 : i32
    %div3A = arith.divsi %arg0, %jit3A : i32
    %sign3A = arith.constant 0 : i32
    %sign3A_0 = arith.cmpi sgt, %arg0, %sign3A : i32
    %sign3A_1 = arith.extui %sign3A_0 : i1 to i32
    %sign3A_2 = arith.constant 0 : i32
    %sign3A_3 = arith.cmpi slt, %arg0, %sign3A_2 : i32
    %sign3A_4 = arith.extui %sign3A_3 : i1 to i32
    %sign3A_5 = arith.subi %sign3A_1, %sign3A_4 : i32
    %sign3A_6 = arith.constant 0 : i32
    %sign3A_7 = arith.cmpi sgt, %jit3A, %sign3A_6 : i32
    %sign3A_8 = arith.extui %sign3A_7 : i1 to i32
    %sign3A_9 = arith.constant 0 : i32
    %sign3A_10 = arith.cmpi slt, %jit3A, %sign3A_9 : i32
    %sign3A_11 = arith.extui %sign3A_10 : i1 to i32
    %sign3A_12 = arith.subi %sign3A_8, %sign3A_11 : i32
    %ne3A = arith.cmpi ne, %sign3A_5, %sign3A_12 : i32
    %rem3A = arith.remsi %arg0, %jit3A : i32
    %ne3A_13 = arith.constant 0 : i32
    %ne3A_14 = arith.cmpi ne, %rem3A, %ne3A_13 : i32
    %and3A = arith.andi %ne3A, %ne3A_14 : i1
    %sub3A = arith.constant 1 : i32
    %sub3A_15 = arith.subi %div3A, %sub3A : i32
    %select_n3A = arith.select %and3A, %sub3A_15, %div3A : i32
    %jit3A_16 = arith.constant 8 : i32
    %eq3A = arith.constant 0 : i32
    %eq3A_17 = arith.cmpi eq, %jit3A_16, %eq3A : i32
    %jit3A_18 = arith.constant 1 : i32
    %select_n3A_19 = arith.select %eq3A_17, %jit3A_18, %jit3A_16 : i32
    %rem3A_20 = arith.remsi %arg0, %select_n3A_19 : i32
    %ne3A_21 = arith.constant 0 : i32
    %ne3A_22 = arith.cmpi ne, %rem3A_20, %ne3A_21 : i32
    %lt3A = arith.constant 0 : i32
    %lt3A_23 = arith.cmpi slt, %rem3A_20, %lt3A : i32
    %lt3A_24 = arith.constant 0 : i32
    %lt3A_25 = arith.cmpi slt, %select_n3A_19, %lt3A_24 : i32
    %ne3A_26 = arith.xori %lt3A_23, %lt3A_25 : i1
    %and3A_27 = arith.andi %ne3A_26, %ne3A_22 : i1
    %add3A = arith.addi %rem3A_20, %select_n3A_19 : i32
    %select_n3A_28 = arith.select %and3A_27, %add3A, %rem3A_20 : i32
    %c0_i32 = arith.constant 0 : i32
    %c0_i32_29 = arith.constant 0 : i32
    %c0_i32_30 = arith.constant 0 : i32
    return %c0_i32, %select_n3A, %c0_i32_29, %select_n3A_28 : i32, i32, i32, i32
  }
}

module attributes {stable_mosaic.version = 14 : i64} {
  func.func @_tc_mm_body(%arg0: i32, %arg1: memref<400x320xf32, #tpu.memory_space<vmem>>, %arg2: memref<320x512xf32, #tpu.memory_space<vmem>>, %arg3: memref<400x512xf32, #tpu.memory_space<vmem>>) attributes {dimension_semantics = [#tpu.dimension_semantics<arbitrary>], iteration_bounds = array<i64: 25>, scalar_prefetch = 0 : i64, scratch_operands = 0 : i64, tpu.core_type = #tpu.core_type<tc>, window_params = [{transform_indices = @transform_0, window_bounds = array<i64: 400, 320>}, {pipeline_mode = #tpu.pipeline_mode<synchronous>, transform_indices = @transform_1, window_bounds = array<i64: 320, 512>}, {transform_indices = @transform_2, window_bounds = array<i64: 400, 512>}]} {
    %get3A = arith.constant 0 : index
    %get3A_0 = arith.constant 0 : index
    %get3A_1 = vector.load %arg1[%get3A, %get3A_0] : memref<400x320xf32, #tpu.memory_space<vmem>>, vector<400x320xf32>
    %get3A_2 = arith.constant 0 : index
    %get3A_3 = arith.constant 0 : index
    %get3A_4 = vector.load %arg2[%get3A_2, %get3A_3] : memref<320x512xf32, #tpu.memory_space<vmem>>, vector<320x512xf32>
    %dot_general3A = arith.constant dense<0.000000e+00> : vector<400x512xf32>
    %dot_general3A_5 = tpu.matmul %get3A_1, %get3A_4, %dot_general3A {dimension_numbers = #tpu.dot_dimension_numbers<[1], [0], [0], [1], [0, 0, 1, 1], [], []>, transpose_lhs_hint = false} : vector<400x320xf32>, vector<320x512xf32>, vector<400x512xf32> -> vector<400x512xf32>
    %swap3A = arith.constant 0 : index
    %swap3A_6 = arith.constant 0 : index
    %swap3A_7 = vector.load %arg3[%swap3A, %swap3A_6] : memref<400x512xf32, #tpu.memory_space<vmem>>, vector<400x512xf32>
    tpu.vector_store %arg3[%swap3A, %swap3A_6], %dot_general3A_5 {strides = array<i32>} : memref<400x512xf32, #tpu.memory_space<vmem>>, vector<400x512xf32>,
    return
  }
  func.func @transform_0(%arg0: i32) -> (i32, i32) {
    %c0_i32 = arith.constant 0 : i32
    %c0_i32_0 = arith.constant 0 : i32
    return %arg0, %c0_i32 : i32, i32
  }
  func.func @transform_1(%arg0: i32) -> (i32, i32) {
    %c0_i32 = arith.constant 0 : i32
    %c0_i32_0 = arith.constant 0 : i32
    %c0_i32_1 = arith.constant 0 : i32
    return %c0_i32, %c0_i32_0 : i32, i32
  }
  func.func @transform_2(%arg0: i32) -> (i32, i32) {
    %c0_i32 = arith.constant 0 : i32
    %c0_i32_0 = arith.constant 0 : i32
    return %arg0, %c0_i32 : i32, i32
  }
}

module attributes {stable_mosaic.version = 14 : i64} {
  func.func @_tc_act_body(%arg0: i32, %arg1: memref<2x400x64xf32, #tpu.memory_space<vmem>>, %arg2: memref<2x400x1xf32, #tpu.memory_space<vmem>>, %arg3: memref<1x64xf32, #tpu.memory_space<vmem>>, %arg4: memref<400x64xf32, #tpu.memory_space<vmem>>) attributes {dimension_semantics = [#tpu.dimension_semantics<arbitrary>], iteration_bounds = array<i64: 25>, scalar_prefetch = 0 : i64, scratch_operands = 0 : i64, tpu.core_type = #tpu.core_type<tc>, window_params = [{transform_indices = @transform_0, window_bounds = array<i64: 2, 400, 64>}, {transform_indices = @transform_1, window_bounds = array<i64: 2, 400, 1>}, {pipeline_mode = #tpu.pipeline_mode<synchronous>, transform_indices = @transform_2, window_bounds = array<i64: 1, 64>}, {transform_indices = @transform_3, window_bounds = array<i64: 400, 64>}]} {
    %get3A = arith.constant 0 : index
    %get3A_0 = arith.constant 0 : index
    %get3A_1 = arith.constant 0 : index
    %get3A_2 = vector.load %arg1[%get3A, %get3A_0, %get3A_1] : memref<2x400x64xf32, #tpu.memory_space<vmem>>, vector<1x400x64xf32>
    %get3A_3 = vector.shape_cast %get3A_2 : vector<1x400x64xf32> to vector<400x64xf32>
    %get3A_4 = arith.constant 1 : index
    %get3A_5 = arith.constant 0 : index
    %get3A_6 = arith.constant 0 : index
    %get3A_7 = vector.load %arg1[%get3A_4, %get3A_5, %get3A_6] : memref<2x400x64xf32, #tpu.memory_space<vmem>>, vector<1x400x64xf32>
    %get3A_8 = vector.shape_cast %get3A_7 : vector<1x400x64xf32> to vector<400x64xf32>
    %add3A = arith.addf %get3A_3, %get3A_8 : vector<400x64xf32>
    %get3A_9 = arith.constant 0 : index
    %get3A_10 = arith.constant 0 : index
    %get3A_11 = arith.constant 0 : index
    %get3A_12 = vector.load %arg2[%get3A_9, %get3A_10, %get3A_11] : memref<2x400x1xf32, #tpu.memory_space<vmem>>, vector<1x400x1xf32>
    %get3A_13 = vector.shape_cast %get3A_12 : vector<1x400x1xf32> to vector<400x1xf32>
    %get3A_14 = arith.constant 1 : index
    %get3A_15 = arith.constant 0 : index
    %get3A_16 = arith.constant 0 : index
    %get3A_17 = vector.load %arg2[%get3A_14, %get3A_15, %get3A_16] : memref<2x400x1xf32, #tpu.memory_space<vmem>>, vector<1x400x1xf32>
    %get3A_18 = vector.shape_cast %get3A_17 : vector<1x400x1xf32> to vector<400x1xf32>
    %add3A_19 = arith.addf %get3A_13, %get3A_18 : vector<400x1xf32>
    %max3A = arith.constant 1.000000e+00 : f32
    %max3A_20 = vector.broadcast %max3A : f32 to vector<400x1xf32>
    %max3A_21 = arith.maximumf %add3A_19, %max3A_20 : vector<400x1xf32>
    %div3A = vector.broadcast %max3A_21 : vector<400x1xf32> to vector<400x64xf32>
    %div3A_22 = arith.divf %add3A, %div3A : vector<400x64xf32>
    %get3A_23 = arith.constant 0 : index
    %get3A_24 = arith.constant 0 : index
    %get3A_25 = vector.load %arg3[%get3A_23, %get3A_24] : memref<1x64xf32, #tpu.memory_space<vmem>>, vector<1x64xf32>
    %add3A_26 = vector.broadcast %get3A_25 : vector<1x64xf32> to vector<400x64xf32>
    %add3A_27 = arith.addf %div3A_22, %add3A_26 : vector<400x64xf32>
    %ge3A = arith.constant 0.000000e+00 : f32
    %ge3A_28 = vector.broadcast %ge3A : f32 to vector<400x64xf32>
    %ge3A_29 = arith.cmpf oge, %add3A_27, %ge3A_28 : vector<400x64xf32>
    %mul3A = arith.constant 0.00999999977 : f32
    %mul3A_30 = vector.broadcast %mul3A : f32 to vector<400x64xf32>
    %mul3A_31 = arith.mulf %mul3A_30, %add3A_27 : vector<400x64xf32>
    %select_n3A = arith.select %ge3A_29, %add3A_27, %mul3A_31 : vector<400x64xi1>, vector<400x64xf32>
    %swap3A = arith.constant 0 : index
    %swap3A_32 = arith.constant 0 : index
    %swap3A_33 = vector.load %arg4[%swap3A, %swap3A_32] : memref<400x64xf32, #tpu.memory_space<vmem>>, vector<400x64xf32>
    tpu.vector_store %arg4[%swap3A, %swap3A_32], %select_n3A {strides = array<i32>} : memref<400x64xf32, #tpu.memory_space<vmem>>, vector<400x64xf32>,
    return
  }
  func.func @transform_0(%arg0: i32) -> (i32, i32, i32) {
    %c0_i32 = arith.constant 0 : i32
    %c0_i32_0 = arith.constant 0 : i32
    %c0_i32_1 = arith.constant 0 : i32
    return %c0_i32, %arg0, %c0_i32_0 : i32, i32, i32
  }
  func.func @transform_1(%arg0: i32) -> (i32, i32, i32) {
    %c0_i32 = arith.constant 0 : i32
    %c0_i32_0 = arith.constant 0 : i32
    %c0_i32_1 = arith.constant 0 : i32
    return %c0_i32, %arg0, %c0_i32_0 : i32, i32, i32
  }
  func.func @transform_2(%arg0: i32) -> (i32, i32) {
    %c0_i32 = arith.constant 0 : i32
    %c0_i32_0 = arith.constant 0 : i32
    %c0_i32_1 = arith.constant 0 : i32
    return %c0_i32, %c0_i32_0 : i32, i32
  }
  func.func @transform_3(%arg0: i32) -> (i32, i32) {
    %c0_i32 = arith.constant 0 : i32
    %c0_i32_0 = arith.constant 0 : i32
    return %arg0, %c0_i32 : i32, i32
  }
}

module attributes {stable_mosaic.version = 14 : i64} {
  func.func @_tc_pool_body(%arg0: i32, %arg1: memref<400x64xf32, #tpu.memory_space<vmem>>, %arg2: memref<64x16xf32, #tpu.memory_space<vmem>>, %arg3: memref<1x16xf32, #tpu.memory_space<vmem>>, %arg4: memref<16x8xf32, #tpu.memory_space<vmem>>, %arg5: memref<1x8xf32, #tpu.memory_space<vmem>>, %arg6: memref<8x1xf32, #tpu.memory_space<vmem>>, %arg7: memref<1x1xf32, #tpu.memory_space<vmem>>, %arg8: memref<1x1xf32, #tpu.memory_space<vmem>>, %arg9: memref<1x64xf32, #tpu.memory_space<vmem>>) attributes {dimension_semantics = [#tpu.dimension_semantics<arbitrary>], iteration_bounds = array<i64: 25>, scalar_prefetch = 0 : i64, scratch_operands = 1 : i64, tpu.core_type = #tpu.core_type<tc>, window_params = [{transform_indices = @transform_0, window_bounds = array<i64: 400, 64>}, {pipeline_mode = #tpu.pipeline_mode<synchronous>, transform_indices = @transform_1, window_bounds = array<i64: 64, 16>}, {pipeline_mode = #tpu.pipeline_mode<synchronous>, transform_indices = @transform_2, window_bounds = array<i64: 1, 16>}, {pipeline_mode = #tpu.pipeline_mode<synchronous>, transform_indices = @transform_3, window_bounds = array<i64: 16, 8>}, {pipeline_mode = #tpu.pipeline_mode<synchronous>, transform_indices = @transform_4, window_bounds = array<i64: 1, 8>}, {pipeline_mode = #tpu.pipeline_mode<synchronous>, transform_indices = @transform_5, window_bounds = array<i64: 8, 1>}, {pipeline_mode = #tpu.pipeline_mode<synchronous>, transform_indices = @transform_6, window_bounds = array<i64: 1, 1>}, {pipeline_mode = #tpu.pipeline_mode<synchronous>, transform_indices = @transform_7, window_bounds = array<i64: 1, 1>}]} {
    %eq3A = arith.constant 0 : i32
    %eq3A_0 = arith.cmpi eq, %arg0, %eq3A : i32
    %convert_element_type3A = arith.extui %eq3A_0 : i1 to i32
    %cond3A = arith.constant 0 : i32
    %cond3A_1 = arith.cmpi ne, %convert_element_type3A, %cond3A : i32
    scf.if %cond3A_1 {
      %broadcast_in_dim3A_15 = arith.constant 0.000000e+00 : f32
      %broadcast_in_dim3A_16 = vector.broadcast %broadcast_in_dim3A_15 : f32 to vector<1x64xf32>
      %swap3A_17 = arith.constant 0 : index
      %swap3A_18 = arith.constant 0 : index
      %swap3A_19 = vector.load %arg9[%swap3A_17, %swap3A_18] : memref<1x64xf32, #tpu.memory_space<vmem>>, vector<1x64xf32>
      tpu.vector_store %arg9[%swap3A_17, %swap3A_18], %broadcast_in_dim3A_16 {strides = array<i32>} : memref<1x64xf32, #tpu.memory_space<vmem>>, vector<1x64xf32>,
    } else {
    }
    %get3A = arith.constant 0 : index
    %get3A_2 = arith.constant 0 : index
    %get3A_3 = vector.load %arg9[%get3A, %get3A_2] : memref<1x64xf32, #tpu.memory_space<vmem>>, vector<1x64xf32>
    %get3A_4 = arith.constant 0 : index
    %get3A_5 = arith.constant 0 : index
    %get3A_6 = vector.load %arg1[%get3A_4, %get3A_5] : memref<400x64xf32, #tpu.memory_space<vmem>>, vector<400x64xf32>
    %reduce_sum3A = arith.constant dense<0.000000e+00> : vector<64xf32>
    %reduce_sum3A_7 = vector.multi_reduction <add>, %get3A_6, %reduce_sum3A [0] : vector<400x64xf32> to vector<64xf32>
    %broadcast_in_dim3A = vector.shape_cast %reduce_sum3A_7 : vector<64xf32> to vector<1x64xf32>
    %add3A = arith.addf %get3A_3, %broadcast_in_dim3A : vector<1x64xf32>
    %swap3A = arith.constant 0 : index
    %swap3A_8 = arith.constant 0 : index
    %swap3A_9 = vector.load %arg9[%swap3A, %swap3A_8] : memref<1x64xf32, #tpu.memory_space<vmem>>, vector<1x64xf32>
    tpu.vector_store %arg9[%swap3A, %swap3A_8], %add3A {strides = array<i32>} : memref<1x64xf32, #tpu.memory_space<vmem>>, vector<1x64xf32>,
    %eq3A_10 = arith.constant 24 : i32
    %eq3A_11 = arith.cmpi eq, %arg0, %eq3A_10 : i32
    %convert_element_type3A_12 = arith.extui %eq3A_11 : i1 to i32
    %cond3A_13 = arith.constant 0 : i32
    %cond3A_14 = arith.cmpi ne, %convert_element_type3A_12, %cond3A_13 : i32
    scf.if %cond3A_14 {
      %get3A_15 = arith.constant 0 : index
      %get3A_16 = arith.constant 0 : index
      %get3A_17 = vector.load %arg9[%get3A_15, %get3A_16] : memref<1x64xf32, #tpu.memory_space<vmem>>, vector<1x64xf32>
      %mul3A = arith.constant 9.99999974E-5 : f32
      %mul3A_18 = vector.broadcast %mul3A : f32 to vector<1x64xf32>
      %mul3A_19 = arith.mulf %get3A_17, %mul3A_18 : vector<1x64xf32>
      %get3A_20 = arith.constant 0 : index
      %get3A_21 = arith.constant 0 : index
      %get3A_22 = vector.load %arg2[%get3A_20, %get3A_21] : memref<64x16xf32, #tpu.memory_space<vmem>>, vector<64x16xf32>
      %dot_general3A = arith.constant dense<0.000000e+00> : vector<1x16xf32>
      %dot_general3A_23 = tpu.matmul %mul3A_19, %get3A_22, %dot_general3A {dimension_numbers = #tpu.dot_dimension_numbers<[1], [0], [0], [1], [0, 0, 1, 1], [], []>, transpose_lhs_hint = false} : vector<1x64xf32>, vector<64x16xf32>, vector<1x16xf32> -> vector<1x16xf32>
      %get3A_24 = arith.constant 0 : index
      %get3A_25 = arith.constant 0 : index
      %get3A_26 = vector.load %arg3[%get3A_24, %get3A_25] : memref<1x16xf32, #tpu.memory_space<vmem>>, vector<1x16xf32>
      %add3A_27 = arith.addf %dot_general3A_23, %get3A_26 : vector<1x16xf32>
      %ge3A = arith.constant 0.000000e+00 : f32
      %ge3A_28 = vector.broadcast %ge3A : f32 to vector<1x16xf32>
      %ge3A_29 = arith.cmpf oge, %add3A_27, %ge3A_28 : vector<1x16xf32>
      %mul3A_30 = arith.constant 0.00999999977 : f32
      %mul3A_31 = vector.broadcast %mul3A_30 : f32 to vector<1x16xf32>
      %mul3A_32 = arith.mulf %mul3A_31, %add3A_27 : vector<1x16xf32>
      %select_n3A = arith.select %ge3A_29, %add3A_27, %mul3A_32 : vector<1x16xi1>, vector<1x16xf32>
      %get3A_33 = arith.constant 0 : index
      %get3A_34 = arith.constant 0 : index
      %get3A_35 = vector.load %arg4[%get3A_33, %get3A_34] : memref<16x8xf32, #tpu.memory_space<vmem>>, vector<16x8xf32>
      %dot_general3A_36 = arith.constant dense<0.000000e+00> : vector<1x8xf32>
      %dot_general3A_37 = tpu.matmul %select_n3A, %get3A_35, %dot_general3A_36 {dimension_numbers = #tpu.dot_dimension_numbers<[1], [0], [0], [1], [0, 0, 1, 1], [], []>, transpose_lhs_hint = false} : vector<1x16xf32>, vector<16x8xf32>, vector<1x8xf32> -> vector<1x8xf32>
      %get3A_38 = arith.constant 0 : index
      %get3A_39 = arith.constant 0 : index
      %get3A_40 = vector.load %arg5[%get3A_38, %get3A_39] : memref<1x8xf32, #tpu.memory_space<vmem>>, vector<1x8xf32>
      %add3A_41 = arith.addf %dot_general3A_37, %get3A_40 : vector<1x8xf32>
      %ge3A_42 = arith.constant 0.000000e+00 : f32
      %ge3A_43 = vector.broadcast %ge3A_42 : f32 to vector<1x8xf32>
      %ge3A_44 = arith.cmpf oge, %add3A_41, %ge3A_43 : vector<1x8xf32>
      %mul3A_45 = arith.constant 0.00999999977 : f32
      %mul3A_46 = vector.broadcast %mul3A_45 : f32 to vector<1x8xf32>
      %mul3A_47 = arith.mulf %mul3A_46, %add3A_41 : vector<1x8xf32>
      %select_n3A_48 = arith.select %ge3A_44, %add3A_41, %mul3A_47 : vector<1x8xi1>, vector<1x8xf32>
      %get3A_49 = arith.constant 0 : index
      %get3A_50 = arith.constant 0 : index
      %get3A_51 = vector.load %arg6[%get3A_49, %get3A_50] : memref<8x1xf32, #tpu.memory_space<vmem>>, vector<8x1xf32>
      %dot_general3A_52 = arith.constant dense<0.000000e+00> : vector<1x1xf32>
      %dot_general3A_53 = tpu.matmul %select_n3A_48, %get3A_51, %dot_general3A_52 {dimension_numbers = #tpu.dot_dimension_numbers<[1], [0], [0], [1], [0, 0, 1, 1], [], []>, transpose_lhs_hint = false} : vector<1x8xf32>, vector<8x1xf32>, vector<1x1xf32> -> vector<1x1xf32>
      %get3A_54 = arith.constant 0 : index
      %get3A_55 = arith.constant 0 : index
      %get3A_56 = vector.load %arg7[%get3A_54, %get3A_55] : memref<1x1xf32, #tpu.memory_space<vmem>>, vector<1x1xf32>
      %add3A_57 = arith.addf %dot_general3A_53, %get3A_56 : vector<1x1xf32>
      %swap3A_58 = arith.constant 0 : index
      %swap3A_59 = arith.constant 0 : index
      %swap3A_60 = vector.load %arg8[%swap3A_58, %swap3A_59] : memref<1x1xf32, #tpu.memory_space<vmem>>, vector<1x1xf32>
      tpu.vector_store %arg8[%swap3A_58, %swap3A_59], %add3A_57 {strides = array<i32>} : memref<1x1xf32, #tpu.memory_space<vmem>>, vector<1x1xf32>,
    } else {
    }
    return
  }
  func.func @transform_0(%arg0: i32) -> (i32, i32) {
    %c0_i32 = arith.constant 0 : i32
    %c0_i32_0 = arith.constant 0 : i32
    return %arg0, %c0_i32 : i32, i32
  }
  func.func @transform_1(%arg0: i32) -> (i32, i32) {
    %c0_i32 = arith.constant 0 : i32
    %c0_i32_0 = arith.constant 0 : i32
    %c0_i32_1 = arith.constant 0 : i32
    return %c0_i32, %c0_i32_0 : i32, i32
  }
  func.func @transform_2(%arg0: i32) -> (i32, i32) {
    %c0_i32 = arith.constant 0 : i32
    %c0_i32_0 = arith.constant 0 : i32
    %c0_i32_1 = arith.constant 0 : i32
    return %c0_i32, %c0_i32_0 : i32, i32
  }
  func.func @transform_3(%arg0: i32) -> (i32, i32) {
    %c0_i32 = arith.constant 0 : i32
    %c0_i32_0 = arith.constant 0 : i32
    %c0_i32_1 = arith.constant 0 : i32
    return %c0_i32, %c0_i32_0 : i32, i32
  }
  func.func @transform_4(%arg0: i32) -> (i32, i32) {
    %c0_i32 = arith.constant 0 : i32
    %c0_i32_0 = arith.constant 0 : i32
    %c0_i32_1 = arith.constant 0 : i32
    return %c0_i32, %c0_i32_0 : i32, i32
  }
  func.func @transform_5(%arg0: i32) -> (i32, i32) {
    %c0_i32 = arith.constant 0 : i32
    %c0_i32_0 = arith.constant 0 : i32
    %c0_i32_1 = arith.constant 0 : i32
    return %c0_i32, %c0_i32_0 : i32, i32
  }
  func.func @transform_6(%arg0: i32) -> (i32, i32) {
    %c0_i32 = arith.constant 0 : i32
    %c0_i32_0 = arith.constant 0 : i32
    %c0_i32_1 = arith.constant 0 : i32
    return %c0_i32, %c0_i32_0 : i32, i32
  }
  func.func @transform_7(%arg0: i32) -> (i32, i32) {
    %c0_i32 = arith.constant 0 : i32
    %c0_i32_0 = arith.constant 0 : i32
    %c0_i32_1 = arith.constant 0 : i32
    return %c0_i32, %c0_i32_0 : i32, i32
  }
}

</mosaic_0001>

<sc_bundles>
// kernel: closed_call.35.cloned.1.call-start
scs
__scs_entry_jumppad:
0x0: {  	(pc) =	sbr.rel $0x88, $3  }
0x1: {  	(tag) =	ssettag $0x0;
	lr =	simm.s32 $0x1  }
0x2: {  	[smem:$0x3F81] =	sst lr;
	_ =	strace $0xD0000000  }
0x3: {  	_ = 	snop  }
0x4: {  	_ = 	snop  }
0x5: {  	_ = 	snop  }
0x6: {  	_ = 	snop  }
0x7: {  	_ = 	snop  }
__scs_overlays_trampoline_lowered:
0x8: {  	[smem:$0x3F90] =	sst s0  }
0x9: {  	[smem:$0x3F91] =	sst s1  }
0xa: {  	[smem:$0x3F92] =	sst s2  }
0xb: {  	[smem:$0x3F93] =	sst s3  }
0xc: {  	[smem:$0x3F94] =	sst s4  }
0xd: {  	[smem:$0x3F95] =	sst s5  }
0xe: {  	[smem:$0x3F96] =	sst s6  }
0xf: {  	[smem:$0x3F97] =	sst s7  }
0x10: {  	[smem:$0x3F98] =	sst s8  }
0x11: {  	[smem:$0x3F99] =	sst s9;
	s0 =	simm.s32 @!p0 $0x0  }
0x12: {  	s1 =	sld [smem:$0x3F7F];
	s0 =	simm.s32 @p0 $0x1  }
0x13: {  	[smem:$0x3F9A] =	sst s0;
	s0 =	simm.s32 @!p1 $0x0  }
0x14: {  	s2 =	sld [smem:$0x3F7E];
	s0 =	simm.s32 @p1 $0x1  }
0x15: {  	[smem:$0x3F9B] =	sst s0;
	s0 =	simm.s32 @!p2 $0x0  }
0x16: {  	s3 =	sld [smem:$0x3FDB];
	s0 =	simm.s32 @p2 $0x1  }
0x17: {  	s4 =	simm.s32 $0x1BF5;
	[smem:$0x3F9D] =	sst s0  }
0x18: {  	s0 =	sld [smem:$0x3F80];
	_ =	swait.ge [sflag:s4], $0x0  }
0x19: {  	s7 =	sld [smem:$0x3F81]  }
0x1a: {  	s8 =	sadd.s32 $0xFFFFE003, lr  }
0x1b: {  	s9 =	sadd.s32 $0xFFFFFEF7, lr;
	s5 =	simm.s32 $0xFFFFFFFF;
	p2 =	slt.u32 s8, $0xFFFFF086  }
0x1c: {  	p1 =	slt.u32 s9, $0xF7A;
	s5 =	simm.s32 @!p2 $0x0  }
0x1d: {  	s5 =	simm.s32 @p1 $0x1;
	p0 =	seq.s32 s7, s2  }
0x1e: {  	s7 =	smul.u32 @!p0 $0xF7A, s2;
	p2 =	seq.s32 @!p0 s5, $0x0  }
0x1f: {  	s9 =	smul.u32 $0xF7A, s1;
	s8 =	simm.s32 @!p0 $0x1BF5;
	p2 =	por !p2, p0  }
0x20: {  	[sflag:s8] =	ssyncset.s32 @!p0 $0xFFFFF086;
	s6 =	sadd.s32 @!p0 s3, s7;
	s7 =	simm.s32 @!p0 $0x108  }
0x21: {  	s3 =	sadd.s32 s3, s9;
	s6 =	sadd.s32 @!p0 $0x88, s6;
	s7 =	simm.s32 @p2 $0x1082  }
0x22: {  	[simem:s7], [sflag:s8] =	dma.local @!p0 [hbm:s6], $0xF7A  }
0x23: {  	s9 =	sor.u32 $0xD0000000, s2;
	s6 =	simm.s32 $0x108;
	_ =	swait.ge @!p0 [sflag:s8], $0x0  }
0x24: {  	s3 =	sadd.s32 $0x88, s3;
	s6 =	simm.s32 @!p1 $0x1082;
	[sflag:s4] =	ssyncset.s32 $0xFFFFF086  }
0x25: {  	[simem:s6], [sflag:s4] =	dma.local [hbm:s3], $0xF7A  }
0x26: {  	[smem:$0x3F81] =	sst s1;
	(tag) =	ssettag s2;
	_ =	strace s9  }
0x27: {  	s1 =	sld [smem:$0x3F91]  }
0x28: {  	s2 =	sld [smem:$0x3F92]  }
0x29: {  	s4 =	sld [smem:$0x3F94]  }
0x2a: {  	p0 =	seq.s32 s5, $0x0;
	s5 =	sld [smem:$0x3F95]  }
0x2b: {  	s6 =	sld [smem:$0x3F96]  }
0x2c: {  	s7 =	sld [smem:$0x3F97]  }
0x2d: {  	s3 =	simm.s32 $0x108;
	s8 =	sld [smem:$0x3F98]  }
0x2e: {  	s3 =	simm.s32 @!p0 $0x1082;
	s9 =	sld [smem:$0x3F99]  }
0x2f: {  	lr =	sadd.s32 s0, s3;
	s0 =	sld [smem:$0x3F90]  }
0x30: {  	s3 =	sld [smem:$0x3F93]  }
0x31: {  	[smem:$0x3F9C] =	sst s10  }
0x32: {  	s10 =	sld [smem:$0x3F9A];
	_ =	sdelay $0x3  }
0x33: {  	p0 =	seq.s32 s10, $0x1;
	s10 =	sld [smem:$0x3F9C];
	_ =	sdelay $0x3  }
0x34: {  	[smem:$0x3F9C] =	sst s10  }
0x35: {  	s10 =	sld [smem:$0x3F9B];
	_ =	sdelay $0x3  }
0x36: {  	p1 =	seq.s32 s10, $0x1;
	s10 =	sld [smem:$0x3F9C];
	_ =	sdelay $0x3  }
0x37: {  	[smem:$0x3F9C] =	sst s10  }
0x38: {  	s10 =	sld [smem:$0x3F9D]  }
0x39: {  	_ = 	snop;
	(pc) =	sbr.ind lr, $3  }
0x3a: {  	_ = 	snop  }
0x3b: {  	_ = 	snop  }
0x3c: {  	p2 =	seq.s32 s10, $0x1;
	s10 =	sld [smem:$0x3F9C]  }
0x3d: {  	_ =	shalt  }
0x3e: {  	_ =	shalt  }
0x3f: {  	_ =	shalt  }
0x40: {  	_ =	shalt  }
0x41: {  	_ =	shalt  }
0x42: {  	_ =	shalt  }
0x43: {  	_ =	shalt  }
0x44: {  	_ =	shalt  }
0x45: {  	_ =	shalt  }
0x46: {  	_ =	shalt  }
0x47: {  	_ =	shalt  }
0x48: {  	_ =	shalt  }
0x49: {  	_ =	shalt  }
0x4a: {  	_ =	shalt  }
0x4b: {  	_ =	shalt  }
0x4c: {  	_ =	shalt  }
0x4d: {  	_ =	shalt  }
0x4e: {  	_ =	shalt  }
0x4f: {  	_ =	shalt  }
0x50: {  	_ =	shalt  }
0x51: {  	_ =	shalt  }
0x52: {  	_ =	shalt  }
0x53: {  	_ =	shalt  }
0x54: {  	_ =	shalt  }
0x55: {  	_ =	shalt  }
0x56: {  	_ =	shalt  }
0x57: {  	_ =	shalt  }
0x58: {  	_ =	shalt  }
0x59: {  	_ =	shalt  }
0x5a: {  	_ =	shalt  }
0x5b: {  	_ =	shalt  }
0x5c: {  	_ =	shalt  }
0x5d: {  	_ =	shalt  }
0x5e: {  	_ =	shalt  }
0x5f: {  	_ =	shalt  }
0x60: {  	_ =	shalt  }
0x61: {  	_ =	shalt  }
0x62: {  	_ =	shalt  }
0x63: {  	_ =	shalt  }
0x64: {  	_ =	shalt  }
0x65: {  	_ =	shalt  }
0x66: {  	_ =	shalt  }
0x67: {  	_ =	shalt  }
0x68: {  	_ =	shalt  }
0x69: {  	_ =	shalt  }
0x6a: {  	_ =	shalt  }
0x6b: {  	_ =	shalt  }
0x6c: {  	_ =	shalt  }
0x6d: {  	_ =	shalt  }
0x6e: {  	_ =	shalt  }
0x6f: {  	_ =	shalt  }
0x70: {  	_ =	shalt  }
0x71: {  	_ =	shalt  }
0x72: {  	_ =	shalt  }
0x73: {  	_ =	shalt  }
0x74: {  	_ =	shalt  }
0x75: {  	_ =	shalt  }
0x76: {  	_ =	shalt  }
0x77: {  	_ =	shalt  }
0x78: {  	_ =	shalt  }
0x79: {  	_ =	shalt  }
0x7a: {  	_ =	shalt  }
0x7b: {  	_ =	shalt  }
0x7c: {  	_ =	shalt  }
0x7d: {  	_ =	shalt  }
0x7e: {  	_ =	shalt  }
0x7f: {  	_ =	shalt  }
0x80: {  	_ =	shalt  }
0x81: {  	_ =	shalt  }
0x82: {  	_ =	shalt  }
0x83: {  	_ =	shalt  }
0x84: {  	_ =	shalt  }
0x85: {  	_ =	shalt  }
0x86: {  	_ =	shalt  }
0x87: {  	_ =	shalt  }
.Lfunc_end0:
.L_simem_size_0:
called_computation.1_lowered:
.L_overlay_start_0:
0x88: {  	s2 =	sld [smem:$0x3FD9]  }
0x89: {  	s3 =	sld [smem:$0x3FFE];
	_ =	sdelay $0x1  }
0x8a: {  	s1 =	srdreg.scid  }
0x8b: {  	s0 =	sand.u32 $0x1, s1  }
0x8c: {  	s16 =	sshll.u32 s0, $0xA;
	s2 =	sadd.s32 s3, s2  }
0x8d: {  	s2 =	sadd.s32 s2, s16  }
0x8e: {  	[smem:$0x3FA8] =	sst s2  }
0x8f: {  	_ = 	snop  }
0x90: {  	(tm) =	ssettm $0x1  }
0x91: {  	s17 =	sld [smem:$0x3FFB];
	_ =	sdelay $0x3  }
0x92: {  	_ =	strace s17  }
0x93: {  	s2 =	sld [smem:$0x3FFC];
	_ =	sdelay $0x3  }
0x94: {  	_ =	strace s2  }
0x95: {  	s2 =	sld [smem:$0x3FFD];
	_ =	sdelay $0x3  }
0x96: {  	_ =	strace s2  }
0x97: {  	_ =	strace $0x8FFFFFFF  }
0x98: {  	s18 =	sld [smem:$0x3FDB];
	_ =	sdelay $0x1  }
0x99: {  	s19 =	simm.s32 $_scs_section_size  }
0x9a: {  	s4 =	simm.s32 $_size__tile_overlayer_lowered;
	s5 =	simm.s32 $_tile_overlayer_lowered  }
0x9b: {  	s22 =	simm.s32 $0x1BFF;
	s21 =	sshll.u32 s5, $0x1;
	s2 =	sadd.s32 s19, s18  }
0x9c: {  	s6 =	simm.s32 $0x0;
	s20 =	sshll.u32 s4, $0x1;
	s4 =	sadd.s32 s21, s2  }
0x9d: {  	[timem:s6], [sflag:s22] =	dma.local [hbm:s4], s20  }
0x9e: {  	_ =	swait.ge [sflag:s22], s20  }
0x9f: {  	s3 =	ssub.s32 $0x0, s20;
	[sflag:s22] =	ssyncset.done $0x0  }
0xa0: {  	[sflag:s22] =	ssyncadd.s32 s3;
	_ =	sdelay $0x1  }
0xa1: {  	s23 =	simm.s32 $0x1B8B  }
0xa2: {  	_ =	swait.ge [sflag:s23], $0x1  }
0xa3: {  	[sflag:s23] =	ssyncset.done $0x0  }
0xa4: {  	s25 =	simm.s32 $0x1B8E;
	s24 =	sld [smem:$0x3FFE];
	[sflag:s23] =	ssyncadd.s32 $0xFFFFFFFF  }
0xa5: {  	s26 =	simm.s32 $execute0_lowered;
	[smem:$0x3FD2] =	sst s25  }
0xa6: {  	s4 =	sshll.u32 s26, $0x1;
	_ =	strace $0x8000004C;
	[dreg:$0x1] =	wrdreg $0xFFFFFFFF  }
0xa7: {  	s28 =	simm.s32 $_size_execute0_lowered;
	s2 =	sadd.s32 s2, s4;
	[dreg:$0x0] =	wrdreg $0x0  }
0xa8: {  	s4 =	sshll.u32 s28, $0x1;
	[dreg:$0x2] =	wrdreg s2  }
0xa9: {  	[dreg:$0x3] =	wrdreg s4  }
0xaa: {  	[dreg:$0x4] =	wrdreg $0xC0  }
0xab: {  	_ =	task [dreg:s6], $0x5FFFF  }
0xac: {  	[dreg:$0x1] =	wrdreg $0xFFFFFFFF  }
0xad: {  	[dreg:$0x0] =	wrdreg $0x60  }
0xae: {  	[dreg:$0x2] =	wrdreg s24  }
0xaf: {  	[dreg:$0x3] =	wrdreg $0x107300  }
0xb0: {  	[dreg:$0x4] =	wrdreg $0x9  }
0xb1: {  	_ =	task.clear_ibuf [dreg:s6], $0x5FFFF;
	_ =	strace $0x9000004C  }
0xb2: {  	s29 =	simm.s32 $0x9;
	_ =	strace $0x8000004E  }
0xb3: {  	_ =	swait.ge [sflag:s29], $0x1  }
0xb4: {  	[sflag:s29] =	ssyncadd.s32 $0xFFFFFFFF  }
0xb5: {  	_ =	strace $0x9000004E  }
0xb6: {  	_ =	sfence  }
0xb7: {  	s30 =	sld [smem:$0x0];
	_ =	sdelay $0x2  }
0xb8: {  	s31 =	sshll.u32 s1, $0xD;
	s1 =	sshrl.u32 s1, $0x2  }
0xb9: {  	s3 =	sand.u32 $0x4000, s31;
	s1 =	sadd.s32 s1, s30  }
0xba: {  	s0 =	sor.u32 s3, s0;
	s1 =	sshll.u32 s1, $0x11  }
0xbb: {  	s0 =	sor.u32 s1, s0  }
0xbc: {  	s0 =	sadd.s32 $0x8F2B, s0  }
0xbd: {  	[sflag:s0] =	ssyncadd.remote.s32 $0x1  }
0xbe: {  	_ =	sfence.sel $0xFFFF  }
0xbf: {  	[dreg:$0x0] =	wrdreg $0xFFFFFFFF;
	(pc) =	sbr.abs _section_cstart, $3  }
0xc0: {  	[dreg:$0x1] =	wrdreg $0xFFFFFFFF  }
0xc1: {  	_ =	task.clear_ibuf [dreg:s6], $0x2FFFF;
	_ =	strace $0x9FFFFFFF  }
0xc2: {  	(tm) =	ssettm $0x7FFFFFFF  }
0xc3: {  	_ =	shalt  }
tec
execute0_lowered:
.L_overlay_start_1:
0x0: {  	(tag) =	ssettag $0x1  }
0x1: {  	s0 =	srdreg.scid;
	s6 =	rddreg [dreg:$0x0]  }
0x2: {  	s11 =	stileid.u32;
	s2 =	rddreg [dreg:$0x1];
	s3 =	simm.s32 $0x0  }
0x3: {  	s14 =	simm.s32 $0x7;
	s18 =	simm.s32 $0x28;
	s19 =	simm.s32 $0x2800  }
0x4: {  	s20 =	simm.s32 $0x4E30;
	s22 =	simm.s32 $0x50B0;
	s28 =	simm.s32 $0x4  }
0x5: {  	s29 =	simm.s32 $0x2;
	s30 =	simm.s32 $0xFD30;
	s0 =	sand.u32 $0x1, s0  }
0x6: {  	s7 =	smul.u32 $0xA000, s11;
	[smem:$0x7FF] =	sst s3;
	s4 =	sadd.s32 $0x704800, s6  }
0x7: {  	s10 =	sadd.s32 $0x7400, s6;
	s12 =	sadd.s32 $0x7600, s6;
	s31 =	sshll.u32 s11, $0x6  }
0x8: {  	s1 =	sshll.u32 s0, $0x4;
	s8 =	smul.u32 $0xA0000, s0;
	_ =	strace $0x8000004D  }
0x9: {  	s0 =	ssub.s32 $0x2, s0;
	[dreg:$0x3] =	wrdreg s10;
	s1 =	sor.u32 s11, s1  }
0xa: {  	[dreg:$0x4] =	wrdreg s12;
	s15 =	sor.u32 $0x1C07, s31;
	s5 =	smul.u32 $0x4E2, s1  }
0xb: {  	s23 =	sshrl.u32 s0, $0x1;
	s8 =	sadd.s32 s7, s8;
	s1 =	smul.u32 $0x28000, s1  }
0xc: {  	s0 =	ssub.s32 s0, s23;
	s7 =	sadd.s32 s7, s2;
	s8 =	sshrl.u32 s8, $0x3  }
0xd: {  	s0 =	smax.u32 s0, $0x1;
	s9 =	sadd.s32 s5, s6;
	[dreg:$0x7] =	wrdreg s1  }
0xe: {  	s5 =	sadd.s32 $0x484800, s6;
	[dreg:$0x9] =	wrdreg s0;
	s24 =	sadd.s32 $0x1A0000, s9  }
0xf: {  	s6 =	sadd.s32 s8, s6;
	s25 =	sadd.s32 $0x1A9E00, s9;
	[dreg:$0x5] =	wrdreg s24  }
0x10: {  	s23 =	simm.s32 $0xA330;
	s26 =	sadd.s32 $0x8A00, s6;
	[dreg:$0x6] =	wrdreg s25  }
0x11: {  	v0 =	vlaneseq.u32;
	s16 =	sshrl.u32 s7, $0x3;
	s0 =	simm.s32 $0x0;
	[dreg:$0x8] =	wrdreg s26  }
0x12: {  	v0 =	vmul.u32 $0x28, v0;
	s24 =	simm.s32 $0x3;
	s25 =	simm.s32 $0x1;
	s26 =	simm.s32 $0xF330  }
.LBB2_1:
0x13: {  	s1 =	rddreg [dreg:$0x3];
	s6 =	simm.s32 $0x4E20  }
0x14: {  	[tilespmem:s6], [sflag:$0x7] =	stream.linear.gather [hbm4b:s1+s3], $0x10, $0x38;
	[tilespmem:$0x1A730] =	vst v63  }
0x15: {  	_ =	swait.ge [sflag:s14], $0x10  }
0x16: {  	[sflag:s14] =	ssyncset.done $0x0  }
0x17: {  	[sflag:s14] =	ssyncadd.s32 $0xFFFFFFF0  }
0x18: {  	v1 =	vld [tilespmem:$0x4E20];
	_ =	sdelay $0x4  }
0x19: {  	(v2sf) =	vpush v1, $0x0;
	_ =	sdelay $0xe  }
0x1a: {  	s12 =	rddreg [dreg:$0x4];
	s11 =	spop (v2sf)  }
0x1b: {  	[spmem:s16], [sflag:s15] =	dma.local [hbm:s12], $0x1400  }
0x1c: {  	_ =	swait.ge [sflag:s14], $0x1400  }
0x1d: {  	[sflag:s14] =	ssyncset.done $0x0  }
0x1e: {  	s13 =	rddreg [dreg:$0x5];
	[sflag:s14] =	ssyncadd.s32 $0xFFFFEC00  }
0x1f: {  	[tilespmem:s3], [sflag:$0x7] =	stream.linear.gather [hbm4b:s13+s3], $0x2710, $0x38;
	[tilespmem:$0x1A730] =	vst v63  }
0x20: {  	_ =	swait.ge [sflag:s14], $0x2710  }
0x21: {  	[sflag:s14] =	ssyncset.done $0x0  }
0x22: {  	s7 =	simm.s32 $0x2710;
	s17 =	rddreg [dreg:$0x6];
	[sflag:s14] =	ssyncadd.s32 $0xFFFFD8F0  }
0x23: {  	[tilespmem:s7], [sflag:$0x7] =	stream.linear.gather [hbm4b:s17+s3], $0x2710, $0x38;
	[tilespmem:$0x1A730] =	vst v63  }
0x24: {  	s6 =	smul.u32 $0x500000, s11;
	_ =	swait.ge [sflag:s14], $0x2710  }
0x25: {  	s21 =	rddreg [dreg:$0x7]  }
0x26: {  	s13 =	sadd.s32 s21, s6  }
0x27: {  	[sflag:s14] =	ssyncset.done $0x0;
	s6 =	sshrl.u32 s13, $0x3  }
0x28: {  	[sflag:s14] =	ssyncadd.s32 $0xFFFFD8F0;
	s6 =	sadd.s32 s5, s6  }
0x29: {  	[tilespmem:s20], [sflag:$0x3] =	stream.strided.gather [hbm4b:s6+s18], $0x280, s19, s18, $0x38;
	[tilespmem:$0x1A730] =	vst v63  }
0x2a: {  	s31 =	simm.s32 $0x5330  }
0x2b: {  	[tilespmem:s31], [sflag:$0x1] =	stream.indirect.gather [hbm4b:s4+s18], $0x200, s3, s18, $0xb8;
	[tilespmem:$0x1A730] =	vst v63  }
0x2c: {  	s17 =	simm.s32 $0x0;
	[bflag:$0x0] =	sbarrier.arrive $0xFFFF  }
.LBB2_2:
0x2d: {  	s6 =	smul.u32 $0x50, s17;
	_ =	sdelay $0x1  }
0x2e: {  	s21 =	sadd.s32 $0x28, s6  }
0x2f: {  	s7 =	sor.u32 s13, s21  }
0x30: {  	s7 =	sshrl.u32 s7, $0x3  }
0x31: {  	s7 =	sadd.s32 s5, s7  }
0x32: {  	[tilespmem:s22], [sflag:$0x4] =	stream.strided.gather [hbm4b:s7+s18], $0x280, s19, s18, $0x38;
	[tilespmem:$0x1A730] =	vst v63  }
0x33: {  	_ = 	snop  }
0x34: {  	[tilespmem:s23], [sflag:$0x2] =	stream.indirect.gather [hbm4b:s4+s18], $0x200, s21, s18, $0xb8;
	[tilespmem:$0x1A730] =	vst v63  }
0x35: {  	_ =	swait.ge [sflag:s24], $0x280  }
0x36: {  	s10 =	simm.s32 $0x1;
	[sflag:s24] =	ssyncset.done $0x0  }
0x37: {  	v1 =	vmov s10;
	[sflag:s24] =	ssyncadd.s32 $0xFFFFFD80  }
0x38: {  	v1 =	vand.u32 $0x3F, v1;
	_ =	swait.ge [sflag:s25], $0x5000  }
0x39: {  	p0 =	seq.s32 s17, $0x0;
	v1 =	vadd.s32 v0, v1;
	[sflag:s25] =	ssyncset.done $0x0  }
0x3a: {  	s7 =	simm.s32 @!p0 $0x5;
	[sflag:s25] =	ssyncadd.s32 $0xFFFFB000  }
0x3b: {  	_ =	swait.ge @!p0 [sflag:s7], $0xA00  }
0x3c: {  	[sflag:s7] =	ssyncset.done @!p0 $0x0  }
0x3d: {  	[sflag:s7] =	ssyncadd.s32 @!p0 $0xFFFFF600  }
0x3e: {  	s8 =	simm.s32 $0x5530;
	v1 =	vld.idx.msk [tilespmem:v1+s20+$0x0], $0xffff  }
0x3f: {  	v2 =	vld [tilespmem:s8+$0x0]  }
0x40: {  	v3 =	vld [tilespmem:s8+$0x40];
	_ =	sdelay $0x1  }
0x41: {  	v4 =	vld [tilespmem:s8+$0x80]  }
0x42: {  	v32 =	vbroadcast v1, $0x0;
	v33 =	vbroadcast v1, $0x1  }
0x43: {  	s11 =	simm.s32 $0x0;
	v5 =	vld [tilespmem:s8+$0xC0];
	v30 =	vbroadcast v1, $0x2  }
0x44: {  	v6 =	vmov s11;
	v2 =	vmul.f32 v2, v32;
	v3 =	vmul.f32 v3, v33  }
0x45: {  	v6 =	vand.u32 $0x3E, v6;
	v7 =	vld [tilespmem:s8+$0x100]  }
0x46: {  	v31 =	vbroadcast v1, $0x3;
	v2 =	vadd.f32 v3, v2;
	v3 =	vmul.f32 v4, v30  }
0x47: {  	v4 =	vadd.s32 v0, v6;
	v6 =	vld [tilespmem:s8+$0x140]  }
0x48: {  	v29 =	vbroadcast v1, $0x4;
	v2 =	vadd.f32 v3, v2;
	v3 =	vmul.f32 v5, v31  }
0x49: {  	v5 =	vld [tilespmem:s8+$0x180]  }
0x4a: {  	v27 =	vbroadcast v1, $0x5;
	v2 =	vadd.f32 v3, v2;
	v3 =	vmul.f32 v7, v29  }
0x4b: {  	v7 =	vld [tilespmem:s8+$0x1C0]  }
0x4c: {  	v26 =	vbroadcast v1, $0x6;
	v2 =	vadd.f32 v3, v2;
	v3 =	vmul.f32 v6, v27  }
0x4d: {  	v8 =	vld.idx.msk [tilespmem:v4+s20+$0x0], $0xffff  }
0x4e: {  	v28 =	vbroadcast v1, $0x7;
	v1 =	vld [tilespmem:s8+$0xFFFFFE40];
	v2 =	vadd.f32 v3, v2;
	v3 =	vmul.f32 v5, v26  }
0x4f: {  	v4 =	vld [tilespmem:s8+$0xFFFFFE00]  }
0x50: {  	v2 =	vadd.f32 v3, v2;
	v3 =	vmul.f32 v7, v28  }
0x51: {  	v7 =	vld [tilespmem:s8+$0xFFFFFE80]  }
0x52: {  	v25 =	vbroadcast v8, $0x0;
	v24 =	vbroadcast v8, $0x1;
	v2 =	vadd.f32 v3, v2  }
0x53: {  	s7 =	simm.s32 $0xF370;
	v6 =	vbroadcast v8, $0x2;
	v3 =	vld [tilespmem:s8+$0xFFFFFEC0]  }
0x54: {  	v9 =	vld [tilespmem:s8+$0xFFFFFF00];
	v4 =	vmul.f32 v4, v25;
	v1 =	vmul.f32 v1, v24;
	[tilespmem:s7+$0x0] =	vst v2  }
0x55: {  	v10 =	vld [tilespmem:s8+$0x10]  }
0x56: {  	v5 =	vbroadcast v8, $0x3;
	v1 =	vadd.f32 v1, v4;
	v2 =	vmul.f32 v7, v6;
	v7 =	vld [tilespmem:s8+$0x50]  }
0x57: {  	v11 =	vld [tilespmem:s8+$0xFFFFFF40]  }
0x58: {  	v4 =	vbroadcast v8, $0x4;
	v12 =	vld [tilespmem:s8+$0x90];
	v3 =	vmul.f32 v3, v5;
	v1 =	vadd.f32 v2, v1  }
0x59: {  	v13 =	vld [tilespmem:s8+$0xFFFFFF80]  }
0x5a: {  	v14 =	vld [tilespmem:s8+$0xD0];
	v9 =	vmul.f32 v9, v4;
	v2 =	vbroadcast v8, $0x5;
	v1 =	vadd.f32 v3, v1  }
0x5b: {  	v15 =	vld [tilespmem:s8+$0xFFFFFFC0];
	v10 =	vmul.f32 v10, v32;
	v7 =	vmul.f32 v7, v33  }
0x5c: {  	v16 =	vld [tilespmem:s8+$0x110];
	v3 =	vbroadcast v8, $0x6;
	v11 =	vmul.f32 v11, v2;
	v9 =	vadd.f32 v9, v1  }
0x5d: {  	v7 =	vadd.f32 v7, v10;
	v10 =	vmul.f32 v12, v30  }
0x5e: {  	v1 =	vbroadcast v8, $0x7;
	v12 =	vmul.f32 v13, v3;
	v8 =	vadd.f32 v11, v9;
	v9 =	vld [tilespmem:s8+$0x150]  }
0x5f: {  	v7 =	vadd.f32 v10, v7;
	v10 =	vmul.f32 v14, v31  }
0x60: {  	v11 =	vmul.f32 v15, v1;
	v8 =	vadd.f32 v12, v8;
	v12 =	vld [tilespmem:s8+$0x190]  }
0x61: {  	v7 =	vadd.f32 v10, v7;
	v10 =	vmul.f32 v16, v29  }
0x62: {  	v8 =	vadd.f32 v11, v8;
	v11 =	vld [tilespmem:s8+$0x1D0]  }
0x63: {  	v7 =	vadd.f32 v10, v7;
	v9 =	vmul.f32 v9, v27  }
0x64: {  	[tilespmem:s7+$0xFFFFFFC0] =	vst v8  }
0x65: {  	v8 =	vld [tilespmem:s8+$0xFFFFFE10];
	v7 =	vadd.f32 v9, v7;
	v9 =	vmul.f32 v12, v26  }
0x66: {  	v10 =	vld [tilespmem:s8+$0xFFFFFE50]  }
0x67: {  	v7 =	vadd.f32 v9, v7;
	v9 =	vmul.f32 v11, v28  }
0x68: {  	v11 =	vld [tilespmem:s8+$0xFFFFFE90]  }
0x69: {  	v7 =	vadd.f32 v9, v7  }
0x6a: {  	v9 =	vld [tilespmem:s8+$0xFFFFFED0]  }
0x6b: {  	v12 =	vld [tilespmem:s8+$0xFFFFFF10];
	v8 =	vmul.f32 v8, v25;
	v10 =	vmul.f32 v10, v24;
	[tilespmem:s7+$0x10] =	vst v7  }
0x6c: {  	v7 =	vld [tilespmem:s8+$0x20]  }
0x6d: {  	v11 =	vmul.f32 v11, v6;
	v8 =	vadd.f32 v10, v8;
	v10 =	vld [tilespmem:s8+$0x60]  }
0x6e: {  	v13 =	vld [tilespmem:s8+$0xFFFFFF50]  }
0x6f: {  	v9 =	vmul.f32 v9, v5;
	v8 =	vadd.f32 v11, v8;
	v11 =	vld [tilespmem:s8+$0xA0]  }
0x70: {  	v14 =	vld [tilespmem:s8+$0xFFFFFF90]  }
0x71: {  	v12 =	vmul.f32 v12, v4;
	v8 =	vadd.f32 v9, v8;
	v9 =	vld [tilespmem:s8+$0xE0]  }
0x72: {  	v15 =	vld [tilespmem:s8+$0xFFFFFFD0];
	v7 =	vmul.f32 v7, v32;
	v10 =	vmul.f32 v10, v33  }
0x73: {  	v13 =	vmul.f32 v13, v2;
	v8 =	vadd.f32 v12, v8;
	v12 =	vld [tilespmem:s8+$0x120]  }
0x74: {  	v7 =	vadd.f32 v10, v7;
	v10 =	vmul.f32 v11, v30  }
0x75: {  	v14 =	vmul.f32 v14, v3;
	v8 =	vadd.f32 v13, v8;
	v13 =	vld [tilespmem:s8+$0x160]  }
0x76: {  	s12 =	simm.s32 $0x3;
	v7 =	vadd.f32 v10, v7;
	v9 =	vmul.f32 v9, v31  }
0x77: {  	v10 =	vmul.f32 v15, v1;
	v15 =	vmov s12;
	v8 =	vadd.f32 v14, v8;
	v14 =	vld [tilespmem:s8+$0x1A0]  }
0x78: {  	v15 =	vand.u32 $0x3F, v15;
	v7 =	vadd.f32 v9, v7;
	v9 =	vmul.f32 v12, v29  }
0x79: {  	v12 =	vadd.s32 v0, v15;
	v8 =	vadd.f32 v10, v8;
	v10 =	vld [tilespmem:s8+$0x1E0]  }
0x7a: {  	s12 =	simm.s32 $0x5930;
	v7 =	vadd.f32 v9, v7;
	v9 =	vmul.f32 v13, v27  }
0x7b: {  	v20 =	vld [tilespmem:s12+$0x180]  }
0x7c: {  	v21 =	vld [tilespmem:s12+$0x1C0];
	[tilespmem:s7+$0xFFFFFFD0] =	vst v8;
	v7 =	vadd.f32 v9, v7;
	v8 =	vmul.f32 v14, v26  }
0x7d: {  	s9 =	simm.s32 $0x2;
	v22 =	vld [tilespmem:s12+$0xFFFFFE00]  }
0x7e: {  	v16 =	vmov s9;
	v12 =	vld.idx.msk [tilespmem:v12+s20+$0x0], $0xffff;
	v7 =	vadd.f32 v8, v7;
	v8 =	vmul.f32 v10, v28  }
0x7f: {  	v11 =	vand.u32 $0x3E, v16;
	v9 =	vld [tilespmem:s12+$0x0]  }
0x80: {  	v11 =	vadd.s32 v0, v11;
	v7 =	vadd.f32 v8, v7;
	v8 =	vld [tilespmem:s12+$0x40]  }
0x81: {  	v43 =	vld [tilespmem:s12+$0xFFFFFE80]  }
0x82: {  	v10 =	vld [tilespmem:s12+$0x80]  }
0x83: {  	v44 =	vld [tilespmem:s12+$0xFFFFFEC0];
	v17 =	vbroadcast v12, $0x0;
	v16 =	vbroadcast v12, $0x1  }
0x84: {  	[tilespmem:s7+$0x20] =	vst v7;
	v15 =	vbroadcast v12, $0x2;
	v7 =	vld [tilespmem:s12+$0xC0]  }
0x85: {  	v23 =	vld.idx.msk [tilespmem:v11+s20+$0x0], $0xffff;
	v9 =	vmul.f32 v9, v17;
	v8 =	vmul.f32 v8, v16  }
0x86: {  	v11 =	vld [tilespmem:s12+$0x100]  }
0x87: {  	v46 =	vld [tilespmem:s12+$0xFFFFFF00];
	v14 =	vbroadcast v12, $0x3;
	v8 =	vadd.f32 v8, v9;
	v9 =	vmul.f32 v10, v15  }
0x88: {  	v10 =	vld [tilespmem:s12+$0x140]  }
0x89: {  	v47 =	vld [tilespmem:s12+$0xFFFFFF40];
	v13 =	vbroadcast v12, $0x4;
	v7 =	vmul.f32 v7, v14;
	v8 =	vadd.f32 v9, v8  }
0x8a: {  	v50 =	vld [tilespmem:s12+$0xFFFFFF80]  }
0x8b: {  	v52 =	vld [tilespmem:s12+$0xFFFFFFC0];
	v7 =	vadd.f32 v7, v8;
	v8 =	vmul.f32 v11, v13;
	v11 =	vbroadcast v12, $0x5  }
0x8c: {  	v18 =	vld [tilespmem:s8+$0xFFFFFE20]  }
0x8d: {  	v19 =	vld [tilespmem:s8+$0xFFFFFE60];
	v9 =	vbroadcast v12, $0x6;
	v7 =	vadd.f32 v8, v7;
	v8 =	vmul.f32 v10, v11  }
0x8e: {  	v34 =	vld [tilespmem:s8+$0xFFFFFEA0]  }
0x8f: {  	v63 =	vld [tilespmem:s8+$0xFFFFFEE0];
	v12 =	vbroadcast v12, $0x7;
	v7 =	vadd.f32 v8, v7;
	v8 =	vmul.f32 v20, v9  }
0x90: {  	v20 =	vld [tilespmem:s12+$0xFFFFFE40]  }
0x91: {  	v53 =	vld [tilespmem:s8+$0xFFFFFF20];
	v21 =	vmul.f32 v21, v12;
	v7 =	vadd.f32 v8, v7  }
0x92: {  	v59 =	vld [tilespmem:s8+$0xFFFFFF60];
	v8 =	vbroadcast v23, $0x0  }
0x93: {  	v35 =	vld [tilespmem:s8+$0x30];
	v10 =	vbroadcast v23, $0x1;
	v7 =	vadd.f32 v21, v7  }
0x94: {  	s11 =	simm.s32 $0xF3F0;
	v36 =	vld [tilespmem:s8+$0x70];
	v45 =	vmul.f32 v22, v8  }
0x95: {  	v37 =	vld [tilespmem:s8+$0xB0];
	v21 =	vbroadcast v23, $0x2;
	v20 =	vmul.f32 v20, v10;
	[tilespmem:s11+$0x0] =	vst v7  }
0x96: {  	v7 =	vld [tilespmem:s12+$0x10]  }
0x97: {  	v22 =	vbroadcast v23, $0x3;
	v43 =	vmul.f32 v43, v21;
	v45 =	vadd.f32 v20, v45;
	v48 =	vld [tilespmem:s12+$0x50]  }
0x98: {  	v49 =	vmul.f32 v18, v25;
	v38 =	vld [tilespmem:s8+$0xF0]  }
0x99: {  	v44 =	vmul.f32 v44, v22;
	v20 =	vbroadcast v23, $0x4;
	v61 =	vld [tilespmem:s12+$0x90];
	v43 =	vadd.f32 v43, v45  }
0x9a: {  	v51 =	vmul.f32 v19, v24;
	v19 =	vbroadcast v23, $0x5;
	v39 =	vld [tilespmem:s8+$0x130]  }
0x9b: {  	s1 =	simm.s32 $0x4;
	v18 =	vbroadcast v23, $0x6;
	v62 =	vld [tilespmem:s12+$0xD0];
	v46 =	vmul.f32 v46, v20;
	v43 =	vadd.f32 v44, v43  }
0x9c: {  	v54 =	vmov s1;
	v40 =	vld [tilespmem:s8+$0x170];
	v7 =	vmul.f32 v7, v17;
	v48 =	vmul.f32 v48, v16  }
0x9d: {  	v34 =	vmul.f32 v34, v6;
	v47 =	vmul.f32 v47, v19;
	v57 =	vld [tilespmem:s12+$0x110];
	v43 =	vadd.f32 v46, v43  }
0x9e: {  	v41 =	vld [tilespmem:s8+$0x1B0];
	v50 =	vmul.f32 v50, v18;
	v45 =	vmul.f32 v61, v15;
	v48 =	vadd.f32 v48, v7  }
0x9f: {  	v58 =	vld [tilespmem:s12+$0x150];
	v7 =	vbroadcast v23, $0x7;
	v23 =	vand.u32 $0x3E, v54;
	v43 =	vadd.f32 v47, v43  }
0xa0: {  	v42 =	vld [tilespmem:s8+$0x1F0];
	v44 =	vmul.f32 v62, v14;
	v23 =	vadd.s32 v0, v23;
	v45 =	vadd.f32 v45, v48  }
0xa1: {  	v49 =	vadd.f32 v51, v49;
	v60 =	vld [tilespmem:s12+$0x190];
	v52 =	vmul.f32 v52, v7;
	v43 =	vadd.f32 v50, v43  }
0xa2: {  	v32 =	vmul.f32 v35, v32;
	v61 =	vld [tilespmem:s8+$0xFFFFFFA0];
	v46 =	vmul.f32 v57, v13;
	v44 =	vadd.f32 v44, v45  }
0xa3: {  	v33 =	vmul.f32 v36, v33;
	v62 =	vmul.f32 v63, v5;
	v63 =	vld [tilespmem:s12+$0x1D0];
	v43 =	vadd.f32 v52, v43  }
0xa4: {  	v34 =	vadd.f32 v34, v49;
	v47 =	vmul.f32 v58, v11;
	v44 =	vadd.f32 v46, v44;
	v46 =	vld [tilespmem:s8+$0xFFFFFFE0]  }
0xa5: {  	v30 =	vmul.f32 v37, v30;
	v32 =	vadd.f32 v33, v32;
	v23 =	vld.idx.msk [tilespmem:v23+s20+$0x0], $0xffff;
	[tilespmem:s11+$0xFFFFFFC0] =	vst v43  }
0xa6: {  	v54 =	vmul.f32 v60, v9;
	v52 =	vmul.f32 v53, v4;
	v44 =	vadd.f32 v47, v44;
	v53 =	vld [tilespmem:s12+$0xFFFFFE10]  }
0xa7: {  	v56 =	vmul.f32 v59, v2;
	v31 =	vmul.f32 v38, v31;
	v34 =	vadd.f32 v62, v34;
	v55 =	vld [tilespmem:s12+$0xFFFFFE50]  }
0xa8: {  	v30 =	vadd.f32 v30, v32;
	v59 =	vmul.f32 v63, v12;
	v58 =	vld [tilespmem:s12+$0xFFFFFE90];
	v57 =	vadd.f32 v54, v44  }
0xa9: {  	v34 =	vadd.f32 v52, v34;
	v60 =	vld [tilespmem:s12+$0xFFFFFED0]  }
0xaa: {  	v29 =	vmul.f32 v39, v29;
	v30 =	vadd.f32 v31, v30;
	v63 =	vld [tilespmem:s12+$0xFFFFFF10];
	v62 =	vadd.f32 v59, v57  }
0xab: {  	v61 =	vmul.f32 v61, v3;
	v49 =	vld [tilespmem:s12+$0xFFFFFF90];
	v34 =	vadd.f32 v56, v34  }
0xac: {  	v29 =	vadd.f32 v29, v30;
	v30 =	vld [tilespmem:s12+$0xFFFFFFD0];
	v48 =	vmul.f32 v53, v8;
	v35 =	vmul.f32 v55, v10;
	[tilespmem:s11+$0x10] =	vst v62  }
0xad: {  	v45 =	vmul.f32 v46, v1;
	v34 =	vadd.f32 v61, v34;
	v31 =	vld [tilespmem:s12+$0x20]  }
0xae: {  	v50 =	vmul.f32 v58, v21;
	v35 =	vadd.f32 v35, v48;
	v51 =	vld [tilespmem:s12+$0x60]  }
0xaf: {  	v27 =	vmul.f32 v40, v27;
	v46 =	vld [tilespmem:s12+$0xFFFFFF50];
	v32 =	vadd.f32 v45, v34  }
0xb0: {  	v52 =	vmul.f32 v60, v22;
	v54 =	vld [tilespmem:s12+$0xA0];
	v53 =	vadd.f32 v50, v35  }
0xb1: {  	v26 =	vmul.f32 v41, v26;
	v27 =	vadd.f32 v27, v29;
	[tilespmem:s7+$0xFFFFFFE0] =	vst v32;
	v56 =	vld [tilespmem:s12+$0xE0]  }
0xb2: {  	v55 =	vmul.f32 v63, v20;
	v29 =	vld [tilespmem:s8+$0xFFFFFE30];
	v32 =	vadd.f32 v52, v53  }
0xb3: {  	v26 =	vadd.f32 v26, v27;
	v57 =	vld [tilespmem:s8+$0xFFFFFE70];
	v27 =	vmul.f32 v31, v17;
	v31 =	vmul.f32 v51, v16  }
0xb4: {  	v28 =	vmul.f32 v42, v28;
	v58 =	vld [tilespmem:s12+$0x120];
	v38 =	vmul.f32 v46, v19;
	v32 =	vadd.f32 v55, v32  }
0xb5: {  	v60 =	vmul.f32 v30, v7;
	v30 =	vld [tilespmem:s12+$0x160];
	v27 =	vadd.f32 v31, v27;
	v31 =	vmul.f32 v54, v15  }
0xb6: {  	v28 =	vadd.f32 v28, v26;
	v59 =	vmul.f32 v49, v18;
	v26 =	vld [tilespmem:s8+$0xFFFFFEB0];
	v32 =	vadd.f32 v38, v32  }
0xb7: {  	s10 =	simm.s32 $0x5;
	v33 =	vmul.f32 v56, v14;
	v29 =	vmul.f32 v29, v25;
	v25 =	vld [tilespmem:s8+$0xFFFFFEF0];
	v27 =	vadd.f32 v31, v27  }
0xb8: {  	v61 =	vmov s10;
	v36 =	vmul.f32 v57, v24;
	v31 =	vld [tilespmem:s12+$0x1A0];
	v62 =	vadd.f32 v59, v32  }
0xb9: {  	v63 =	vand.u32 $0x3F, v61;
	v35 =	vmul.f32 v58, v13;
	v24 =	vld [tilespmem:s8+$0xFFFFFF30];
	v34 =	vadd.f32 v33, v27  }
0xba: {  	s31 =	simm.s32 $0x6;
	s9 =	simm.s32 $0xF3F0;
	[tilespmem:s7+$0x30] =	vst v28;
	s10 =	simm.s32 $0x5930;
	v32 =	vadd.s32 v0, v63;
	v33 =	vld [tilespmem:s12+$0x1E0];
	v27 =	vadd.f32 v36, v29;
	v28 =	vadd.f32 v60, v62  }
.LBB2_3:
0xbb: {  	p1 =	slt.u32 s31, $0x26;
	v29 =	vadd.f32 v35, v34;
	v30 =	vmul.f32 v30, v11;
	v26 =	vmul.f32 v26, v6;
	v34 =	vld [tilespmem:s8+$0xFFFFFF70];
	v6 =	vmovc v21  }
0xbc: {  	[tilespmem:s11+$0xFFFFFFD0] =	vst v28;
	v21 =	vmul.f32 v25, v5;
	v25 =	vld [tilespmem:s8+$0xFFFFFFB0];
	v5 =	vmov v22  }
0xbd: {  	v22 =	vld [tilespmem:s12+$0xFFFFFE20];
	v28 =	vadd.f32 v30, v29;
	v29 =	vmul.f32 v31, v9;
	v26 =	vadd.f32 v26, v27  }
0xbe: {  	v27 =	vld [tilespmem:s12+$0xFFFFFE60];
	v24 =	vmul.f32 v24, v4;
	v4 =	vmov v20  }
0xbf: {  	v20 =	vld.idx.msk [tilespmem:v32+s20+$0x0], $0xffff;
	v28 =	vadd.f32 v29, v28;
	v29 =	vmul.f32 v33, v12;
	v21 =	vadd.f32 v21, v26  }
0xc0: {  	s12 =	sadd.s32 $0x400, s12;
	v26 =	vld [tilespmem:s10+$0xFFFFFEA0];
	v30 =	vmul.f32 v34, v2;
	v2 =	vmov v19  }
0xc1: {  	v19 =	vld [tilespmem:s12+$0x0];
	v28 =	vadd.f32 v29, v28;
	v21 =	vadd.f32 v24, v21;
	v24 =	vmul.f32 v25, v3;
	v3 =	vmovc v18  }
0xc2: {  	v18 =	vld [tilespmem:s12+$0x40];
	v22 =	vmul.f32 v22, v8  }
0xc3: {  	v25 =	vld [tilespmem:s12+$0x80];
	v27 =	vmul.f32 v27, v10;
	[tilespmem:s11+$0x20] =	vst v28;
	v21 =	vadd.f32 v30, v21  }
0xc4: {  	v28 =	vld [tilespmem:s10+$0x30]  }
0xc5: {  	v29 =	vbroadcast v20, $0x0;
	v30 =	vbroadcast v20, $0x1;
	v22 =	vadd.f32 v27, v22;
	v27 =	vld [tilespmem:s10+$0x70]  }
0xc6: {  	v31 =	vbroadcast v20, $0x2;
	v26 =	vmul.f32 v26, v6;
	v24 =	vadd.f32 v24, v21;
	v32 =	vld [tilespmem:s12+$0xC0]  }
0xc7: {  	v19 =	vmul.f32 v19, v29;
	v18 =	vmul.f32 v18, v30;
	v21 =	vld [tilespmem:s10+$0xB0]  }
0xc8: {  	v26 =	vadd.f32 v26, v22;
	v33 =	vld [tilespmem:s12+$0x100]  }
0xc9: {  	v22 =	vbroadcast v20, $0x3;
	v18 =	vadd.f32 v18, v19;
	v19 =	vmul.f32 v25, v31;
	v25 =	vld [tilespmem:s10+$0xF0]  }
0xca: {  	v28 =	vmul.f32 v28, v17;
	v17 =	vmovc v29;
	v34 =	vld [tilespmem:s12+$0x140];
	v27 =	vmul.f32 v27, v16;
	v16 =	vmov v30  }
0xcb: {  	v29 =	vbroadcast v20, $0x4;
	v18 =	vadd.f32 v19, v18;
	v19 =	vmul.f32 v32, v22;
	v30 =	vld [tilespmem:s10+$0x130]  }
0xcc: {  	v32 =	vld [tilespmem:s12+$0x180];
	v27 =	vadd.f32 v27, v28;
	v21 =	vmul.f32 v21, v15;
	v15 =	vmov v31  }
0xcd: {  	v28 =	vbroadcast v20, $0x5;
	v18 =	vadd.f32 v19, v18;
	v19 =	vmul.f32 v33, v29;
	v31 =	vld [tilespmem:s10+$0x170]  }
0xce: {  	v33 =	vld [tilespmem:s12+$0x1C0];
	v21 =	vadd.f32 v21, v27;
	v25 =	vmul.f32 v25, v14;
	v14 =	vmov v22  }
0xcf: {  	v22 =	vbroadcast v20, $0x6;
	v18 =	vadd.f32 v19, v18;
	v19 =	vmul.f32 v34, v28;
	v27 =	vld [tilespmem:s10+$0x1B0]  }
0xd0: {  	v34 =	vld [tilespmem:s12+$0xFFFFFE00];
	v21 =	vadd.f32 v25, v21;
	v25 =	vmul.f32 v30, v13;
	v13 =	vmov v29  }
0xd1: {  	v20 =	vbroadcast v20, $0x7;
	v18 =	vadd.f32 v19, v18;
	v19 =	vmul.f32 v32, v22;
	v29 =	vld [tilespmem:s10+$0x1F0]  }
0xd2: {  	v30 =	vld [tilespmem:s12+$0xFFFFFE40];
	v21 =	vadd.f32 v25, v21;
	v31 =	vmul.f32 v31, v11;
	v11 =	vmov v28  }
0xd3: {  	v25 =	vbroadcast v23, $0x0;
	v28 =	vld [tilespmem:s12+$0xFFFFFE80];
	v18 =	vadd.f32 v19, v18;
	v19 =	vmul.f32 v33, v20  }
0xd4: {  	v32 =	vld [tilespmem:s12+$0xFFFFFEC0];
	v31 =	vadd.f32 v31, v21;
	v33 =	vmul.f32 v27, v9;
	v9 =	vmov v22  }
0xd5: {  	v27 =	vbroadcast v23, $0x1;
	v34 =	vmul.f32 v34, v25;
	v35 =	vld [tilespmem:s12+$0xFFFFFF00];
	v18 =	vadd.f32 v19, v18  }
0xd6: {  	s11 =	sadd.s32 $0x80, s11;
	v21 =	vbroadcast v23, $0x2;
	v36 =	vld [tilespmem:s12+$0xFFFFFF40];
	v19 =	vadd.f32 v33, v31;
	v29 =	vmul.f32 v29, v12;
	v12 =	vmovc v20  }
0xd7: {  	v22 =	vbroadcast v23, $0x3;
	v30 =	vmul.f32 v30, v27;
	v31 =	vld [tilespmem:s12+$0xFFFFFF80];
	[tilespmem:s11+$0x0] =	vst v18  }
0xd8: {  	v20 =	vbroadcast v23, $0x4;
	v28 =	vmul.f32 v28, v21;
	v33 =	vld [tilespmem:s12+$0x10];
	v29 =	vadd.f32 v29, v19  }
0xd9: {  	v19 =	vbroadcast v23, $0x5;
	v30 =	vadd.f32 v30, v34;
	v32 =	vmul.f32 v32, v22;
	v34 =	vld [tilespmem:s12+$0x50]  }
0xda: {  	v18 =	vbroadcast v23, $0x6;
	v35 =	vmul.f32 v35, v20;
	v37 =	vld [tilespmem:s12+$0xFFFFFFC0];
	[tilespmem:s9+$0x30] =	vst v29  }
0xdb: {  	v28 =	vadd.f32 v28, v30;
	v29 =	vmul.f32 v36, v19;
	v30 =	vld [tilespmem:s12+$0x90]  }
0xdc: {  	v31 =	vmul.f32 v31, v18;
	v36 =	vld [tilespmem:s10+$0xFFFFFEE0]  }
0xdd: {  	v28 =	vadd.f32 v32, v28;
	v32 =	vbroadcast v23, $0x7;
	v23 =	vld [tilespmem:s12+$0xD0]  }
0xde: {  	v33 =	vmul.f32 v33, v17;
	v34 =	vmul.f32 v34, v16;
	v38 =	vld [tilespmem:s10+$0xFFFFFF20]  }
0xdf: {  	v28 =	vadd.f32 v35, v28;
	v35 =	vmul.f32 v37, v32;
	v37 =	vld [tilespmem:s12+$0x110]  }
0xe0: {  	v39 =	vmov s31;
	v33 =	vadd.f32 v34, v33;
	v30 =	vmul.f32 v30, v15;
	v34 =	vld [tilespmem:s10+$0xFFFFFF60]  }
0xe1: {  	v39 =	vand.u32 $0x3E, v39;
	v28 =	vadd.f32 v29, v28;
	v29 =	vld [tilespmem:s12+$0x150];
	v36 =	vmul.f32 v36, v5  }
0xe2: {  	v39 =	vadd.s32 v0, v39;
	v30 =	vadd.f32 v30, v33;
	v23 =	vmul.f32 v23, v14;
	v33 =	vld [tilespmem:s10+$0xFFFFFFA0]  }
0xe3: {  	v28 =	vadd.f32 v31, v28;
	v31 =	vld [tilespmem:s12+$0x190];
	v26 =	vadd.f32 v36, v26;
	v36 =	vmul.f32 v38, v4  }
0xe4: {  	v23 =	vadd.f32 v23, v30;
	v30 =	vmul.f32 v37, v13;
	v37 =	vld [tilespmem:s10+$0xFFFFFFE0]  }
0xe5: {  	v28 =	vadd.f32 v35, v28;
	v35 =	vld [tilespmem:s12+$0x1D0];
	v26 =	vadd.f32 v36, v26;
	v34 =	vmul.f32 v34, v2  }
0xe6: {  	v30 =	vadd.f32 v30, v23;
	v29 =	vmul.f32 v29, v11;
	v36 =	vld [tilespmem:s8+$0xFFFFFFF0];
	s8 =	smov.u32 s10;
	s10 =	smov.u32 s12  }
0xe7: {  	v23 =	vld.idx.msk [tilespmem:v39+s20+$0x0], $0xffff;
	[tilespmem:s11+$0xFFFFFFC0] =	vst v28;
	v26 =	vadd.f32 v34, v26;
	v28 =	vmul.f32 v33, v3  }
0xe8: {  	v33 =	vld [tilespmem:s12+$0xFFFFFE10];
	v29 =	vadd.f32 v29, v30;
	v30 =	vmul.f32 v31, v9  }
0xe9: {  	v31 =	vld [tilespmem:s12+$0xFFFFFE50];
	v26 =	vadd.f32 v28, v26;
	v28 =	vmul.f32 v37, v7  }
0xea: {  	v34 =	vld [tilespmem:s12+$0xFFFFFE90];
	v29 =	vadd.f32 v30, v29;
	v30 =	vmul.f32 v35, v12  }
0xeb: {  	v35 =	vld [tilespmem:s12+$0xFFFFFED0];
	v26 =	vadd.f32 v28, v26;
	v28 =	vmul.f32 v36, v1;
	v1 =	vmovc v7;
	v7 =	vmov v32  }
0xec: {  	v32 =	vld [tilespmem:s12+$0xFFFFFF10];
	v29 =	vadd.f32 v30, v29  }
0xed: {  	v30 =	vmul.f32 v33, v25;
	v33 =	vld [tilespmem:s12+$0xFFFFFF50];
	[tilespmem:s9+$0xFFFFFFE0] =	vst v26;
	v24 =	vadd.f32 v28, v24  }
0xee: {  	v26 =	vmul.f32 v31, v27;
	v28 =	vld [tilespmem:s12+$0xFFFFFF90];
	[tilespmem:s11+$0x10] =	vst v29  }
0xef: {  	v29 =	vmul.f32 v34, v21;
	v31 =	vld [tilespmem:s12+$0x20];
	[tilespmem:s7+$0xFFFFFFF0] =	vst v24;
	s7 =	smov.u32 s9;
	s9 =	smov.u32 s11  }
0xf0: {  	v24 =	vadd.f32 v26, v30;
	v26 =	vmul.f32 v35, v22;
	v30 =	vld [tilespmem:s12+$0x60]  }
0xf1: {  	v32 =	vmul.f32 v32, v20;
	v34 =	vld [tilespmem:s12+$0xFFFFFFD0]  }
0xf2: {  	v24 =	vadd.f32 v29, v24;
	v29 =	vmul.f32 v33, v19;
	v33 =	vld [tilespmem:s12+$0xA0]  }
0xf3: {  	v28 =	vmul.f32 v28, v18;
	v35 =	vld [tilespmem:s8+$0xFFFFFE30]  }
0xf4: {  	v24 =	vadd.f32 v26, v24;
	v36 =	vld [tilespmem:s12+$0xE0]  }
0xf5: {  	v26 =	vmul.f32 v31, v17;
	v30 =	vmul.f32 v30, v16;
	v37 =	vld [tilespmem:s8+$0xFFFFFE70]  }
0xf6: {  	v24 =	vadd.f32 v32, v24;
	v38 =	vmul.f32 v34, v7;
	v32 =	vld [tilespmem:s12+$0x120]  }
0xf7: {  	v31 =	vadd.f32 v30, v26;
	v33 =	vmul.f32 v33, v15;
	v26 =	vld [tilespmem:s8+$0xFFFFFEB0]  }
.Ltmp0:
0xf8: {  	v24 =	vadd.f32 v29, v24;
	v30 =	vld [tilespmem:s12+$0x160];
	v29 =	vmul.f32 v35, v8;
	v8 =	vmov v25;
	(pc) =	sbr.rel @p1 .LBB2_3-.Ltmp0, $4  }
0xf9: {  	s1 =	sadd.s32 $0x1, s31;
	v33 =	vadd.f32 v33, v31;
	v34 =	vmul.f32 v36, v14;
	v25 =	vld [tilespmem:s8+$0xFFFFFEF0]  }
0xfa: {  	v35 =	vmov s1;
	v28 =	vadd.f32 v28, v24;
	v31 =	vld [tilespmem:s12+$0x1A0];
	v36 =	vmul.f32 v37, v10;
	v10 =	vmovc v27  }
0xfb: {  	v27 =	vand.u32 $0x3F, v35;
	v34 =	vadd.f32 v34, v33;
	v35 =	vmul.f32 v32, v13;
	v24 =	vld [tilespmem:s8+$0xFFFFFF30]  }
0xfc: {  	s31 =	sadd.s32 $0x2, s31;
	v32 =	vadd.s32 v0, v27;
	v28 =	vadd.f32 v38, v28;
	v33 =	vld [tilespmem:s12+$0x1E0];
	v27 =	vadd.f32 v36, v29  }
0xfd: {  	_ = 	snop  }
0xfe: {  	[tilespmem:s11+$0xFFFFFFD0] =	vst v28;
	v28 =	vld [tilespmem:s8+$0xFFFFFFB0];
	_ =	sdelay $0x4  }
0xff: {  	v29 =	vld [tilespmem:s8+$0xFFFFFF70];
	[tilespmem:$0x1FFF0] =	vst v28  }
0x100: {  	v50 =	vld [tilespmem:s12+$0xFFFFFE20]  }
0x101: {  	s1 =	sadd.s32 $0x400, s12;
	v42 =	vld.idx.msk [tilespmem:v32+s20+$0x0], $0xffff  }
0x102: {  	v36 =	vld [tilespmem:s1+$0x0]  }
0x103: {  	v37 =	vld [tilespmem:s1+$0x40]  }
0x104: {  	v30 =	vmul.f32 v30, v11;
	v38 =	vld [tilespmem:s1+$0x80]  }
0x105: {  	v34 =	vadd.f32 v35, v34;
	v39 =	vbroadcast v23, $0x1;
	v54 =	vmul.f32 v31, v9;
	v41 =	vld [tilespmem:s1+$0xFFFFFE00]  }
0x106: {  	v44 =	vld [tilespmem:s1+$0xFFFFFE40];
	v32 =	vbroadcast v42, $0x0;
	v40 =	vbroadcast v42, $0x1  }
0x107: {  	v55 =	vadd.f32 v30, v34;
	v31 =	vbroadcast v23, $0x0;
	v45 =	vld [tilespmem:s1+$0xC0];
	v30 =	vbroadcast v42, $0x2  }
0x108: {  	v46 =	vld [tilespmem:s1+$0xFFFFFE80];
	v56 =	vmul.f32 v36, v32;
	v57 =	vmul.f32 v37, v40  }
0x109: {  	v34 =	vbroadcast v23, $0x2;
	v43 =	vmul.f32 v33, v12;
	v35 =	vadd.f32 v54, v55;
	v47 =	vld [tilespmem:s1+$0x100]  }
0x10a: {  	v49 =	vld [tilespmem:s1+$0xFFFFFEC0];
	v33 =	vbroadcast v42, $0x3;
	v58 =	vmul.f32 v38, v30;
	v36 =	vadd.f32 v57, v56  }
0x10b: {  	v60 =	vadd.f32 v43, v35;
	v61 =	vld [tilespmem:s1+$0x140];
	v59 =	vmul.f32 v41, v31;
	v44 =	vmul.f32 v44, v39  }
0x10c: {  	v52 =	vld [tilespmem:s1+$0xFFFFFF00];
	v45 =	vmul.f32 v45, v33;
	v37 =	vbroadcast v42, $0x4;
	v36 =	vadd.f32 v58, v36  }
0x10d: {  	v35 =	vbroadcast v23, $0x3;
	v53 =	vld [tilespmem:s1+$0x180];
	v46 =	vmul.f32 v46, v34;
	v44 =	vadd.f32 v44, v59  }
0x10e: {  	v54 =	vld [tilespmem:s1+$0xFFFFFF40];
	v38 =	vbroadcast v42, $0x5;
	v47 =	vmul.f32 v47, v37;
	v45 =	vadd.f32 v45, v36  }
0x10f: {  	v55 =	vld [tilespmem:s1+$0x1C0];
	v49 =	vmul.f32 v49, v35;
	v44 =	vadd.f32 v46, v44;
	v36 =	vbroadcast v23, $0x4  }
0x110: {  	v63 =	vld [tilespmem:s1+$0xFFFFFF80];
	v41 =	vbroadcast v42, $0x6;
	v62 =	vmul.f32 v61, v38;
	v45 =	vadd.f32 v47, v45  }
0x111: {  	v43 =	vbroadcast v23, $0x5;
	v51 =	vld [tilespmem:s12+$0xFFFFFE60];
	v49 =	vadd.f32 v49, v44;
	v52 =	vmul.f32 v52, v36  }
0x112: {  	[tilespmem:s11+$0x20] =	vst v60;
	v60 =	vmul.f32 v53, v41;
	v42 =	vbroadcast v42, $0x7;
	v61 =	vld [tilespmem:s1+$0xFFFFFFC0];
	v45 =	vadd.f32 v62, v45  }
0x113: {  	v48 =	vld [tilespmem:s10+$0xFFFFFEA0];
	v54 =	vmul.f32 v54, v43;
	v44 =	vbroadcast v23, $0x6;
	v58 =	vadd.f32 v52, v49  }
0x114: {  	v56 =	vld [tilespmem:s10+$0x30];
	v62 =	vmul.f32 v55, v42;
	v45 =	vadd.f32 v60, v45  }
0x115: {  	v28 =	vbroadcast v23, $0x7;
	v57 =	vld [tilespmem:s10+$0x70];
	v63 =	vmul.f32 v63, v44;
	v54 =	vadd.f32 v54, v58  }
0x116: {  	v46 =	vld [tilespmem:s10+$0x170];
	v60 =	vadd.f32 v62, v45  }
0x117: {  	s31 =	sadd.s32 $0x80, s11;
	v53 =	vmul.f32 v61, v28;
	v47 =	vld [tilespmem:s10+$0x130];
	v54 =	vadd.f32 v63, v54  }
0x118: {  	v52 =	vld [tilespmem:s10+$0xB0];
	[tilespmem:s31+$0x0] =	vst v60  }
0x119: {  	v53 =	vadd.f32 v53, v54;
	v55 =	vld [tilespmem:s1+$0x10]  }
0x11a: {  	v54 =	vld [tilespmem:s1+$0x50]  }
0x11b: {  	v58 =	vld [tilespmem:s1+$0x90];
	[tilespmem:s31+$0xFFFFFFC0] =	vst v53  }
0x11c: {  	v53 =	vld [tilespmem:s1+$0xFFFFFE10]  }
0x11d: {  	v59 =	vld [tilespmem:s1+$0xFFFFFE50]  }
0x11e: {  	v60 =	vld [tilespmem:s1+$0xD0]  }
0x11f: {  	v61 =	vld [tilespmem:s1+$0xFFFFFE90];
	v55 =	vmul.f32 v55, v32;
	v54 =	vmul.f32 v54, v40  }
0x120: {  	v62 =	vld [tilespmem:s1+$0x110]  }
0x121: {  	v54 =	vadd.f32 v54, v55;
	v55 =	vmul.f32 v58, v30;
	v58 =	vld [tilespmem:s1+$0xFFFFFED0]  }
0x122: {  	v63 =	vld [tilespmem:s1+$0x150];
	v53 =	vmul.f32 v53, v31;
	v59 =	vmul.f32 v59, v39  }
0x123: {  	v54 =	vadd.f32 v55, v54;
	v55 =	vmul.f32 v60, v33;
	v60 =	vld [tilespmem:s1+$0xFFFFFF10]  }
0x124: {  	v23 =	vld [tilespmem:s1+$0x190];
	v61 =	vmul.f32 v61, v34;
	v53 =	vadd.f32 v59, v53  }
0x125: {  	v59 =	vld [tilespmem:s1+$0xFFFFFF50];
	v54 =	vadd.f32 v55, v54;
	v55 =	vmul.f32 v62, v37  }
0x126: {  	v62 =	vld [tilespmem:s1+$0x1D0];
	v53 =	vadd.f32 v61, v53;
	v58 =	vmul.f32 v58, v35  }
0x127: {  	v61 =	vld [tilespmem:s1+$0xFFFFFF90];
	v54 =	vadd.f32 v55, v54;
	v55 =	vmul.f32 v63, v38  }
0x128: {  	v49 =	vld [tilespmem:s10+$0xF0];
	v60 =	vmul.f32 v60, v36;
	v53 =	vadd.f32 v58, v53  }
0x129: {  	v23 =	vmul.f32 v23, v41;
	v54 =	vadd.f32 v55, v54;
	v55 =	vld [tilespmem:s1+$0xFFFFFFD0]  }
0x12a: {  	v45 =	vld [tilespmem:s10+$0x1B0];
	v59 =	vmul.f32 v59, v43;
	v53 =	vadd.f32 v60, v53  }
0x12b: {  	v58 =	vld [tilespmem:s10+$0xFFFFFEE0];
	v23 =	vadd.f32 v23, v54;
	v54 =	vmul.f32 v62, v42  }
0x12c: {  	v60 =	vld [tilespmem:s10+$0xFFFFFF20];
	v61 =	vmul.f32 v61, v44;
	v53 =	vadd.f32 v59, v53  }
0x12d: {  	v50 =	vmul.f32 v50, v8;
	v51 =	vmul.f32 v51, v10;
	v62 =	vld [tilespmem:s10+$0xFFFFFF60];
	v23 =	vadd.f32 v54, v23  }
0x12e: {  	v59 =	vld [tilespmem:s10+$0xFFFFFFA0];
	v55 =	vmul.f32 v55, v28;
	v53 =	vadd.f32 v61, v53  }
0x12f: {  	v50 =	vadd.f32 v51, v50;
	v54 =	vld [tilespmem:s10+$0xFFFFFFE0];
	v61 =	vmul.f32 v48, v21;
	[tilespmem:s31+$0x10] =	vst v23  }
0x130: {  	v23 =	vld [tilespmem:s1+$0x20];
	v53 =	vadd.f32 v55, v53  }
0x131: {  	v50 =	vadd.f32 v61, v50;
	v61 =	vmul.f32 v58, v22;
	v55 =	vld [tilespmem:s1+$0x60]  }
0x132: {  	v58 =	vld [tilespmem:s1+$0xA0];
	[tilespmem:s31+$0xFFFFFFD0] =	vst v53  }
0x133: {  	v51 =	vmul.f32 v60, v20;
	v50 =	vadd.f32 v61, v50;
	v53 =	vld [tilespmem:s1+$0xFFFFFE20]  }
0x134: {  	v60 =	vld [tilespmem:s1+$0xFFFFFE60]  }
0x135: {  	v61 =	vld [tilespmem:s1+$0xE0];
	v50 =	vadd.f32 v51, v50;
	v51 =	vmul.f32 v62, v19  }
0x136: {  	v62 =	vld [tilespmem:s1+$0xFFFFFEA0];
	v23 =	vmul.f32 v23, v32;
	v55 =	vmul.f32 v55, v40  }
0x137: {  	v50 =	vadd.f32 v51, v50;
	v51 =	vmul.f32 v59, v18;
	v59 =	vld [tilespmem:s1+$0x120]  }
0x138: {  	v23 =	vadd.f32 v55, v23;
	v55 =	vmul.f32 v58, v30;
	v58 =	vld [tilespmem:s1+$0xFFFFFEE0]  }
0x139: {  	v50 =	vadd.f32 v51, v50;
	v51 =	vld [tilespmem:s1+$0x160];
	v53 =	vmul.f32 v53, v31;
	v60 =	vmul.f32 v60, v39  }
0x13a: {  	v23 =	vadd.f32 v55, v23;
	v55 =	vmul.f32 v61, v33;
	v61 =	vld [tilespmem:s1+$0xFFFFFF20]  }
0x13b: {  	v63 =	vld [tilespmem:s10+$0x1F0];
	v62 =	vmul.f32 v62, v34;
	v53 =	vadd.f32 v60, v53  }
0x13c: {  	v54 =	vmul.f32 v54, v7;
	v23 =	vadd.f32 v55, v23;
	v55 =	vld [tilespmem:s1+$0xFFFFFF60]  }
0x13d: {  	v17 =	vmul.f32 v56, v17;
	v60 =	vld [tilespmem:s1+$0x1A0];
	v53 =	vadd.f32 v62, v53;
	v58 =	vmul.f32 v58, v35  }
0x13e: {  	v50 =	vadd.f32 v54, v50;
	v54 =	vmul.f32 v59, v37;
	v62 =	vmul.f32 v51, v38;
	v51 =	vld [tilespmem:s1+$0xFFFFFFA0]  }
0x13f: {  	v16 =	vmul.f32 v57, v16;
	v59 =	vld [tilespmem:s1+$0x1E0];
	v53 =	vadd.f32 v58, v53;
	v61 =	vmul.f32 v61, v36  }
0x140: {  	v57 =	vld [tilespmem:s1+$0xFFFFFFE0];
	v23 =	vadd.f32 v54, v23  }
0x141: {  	v16 =	vadd.f32 v16, v17;
	v48 =	vld [tilespmem:s8+$0xFFFFFFF0];
	[tilespmem:s9+$0xFFFFFFE0] =	vst v50;
	v17 =	vadd.f32 v61, v53;
	v55 =	vmul.f32 v55, v43  }
0x142: {  	v54 =	vld [tilespmem:s10+$0xFFFFFE30];
	v23 =	vadd.f32 v62, v23;
	v62 =	vmul.f32 v60, v41  }
0x143: {  	v6 =	vmul.f32 v26, v6;
	v26 =	vld [tilespmem:s10+$0xFFFFFF70];
	v17 =	vadd.f32 v55, v17;
	v51 =	vmul.f32 v51, v44  }
0x144: {  	v15 =	vmul.f32 v52, v15;
	v60 =	vld [tilespmem:s10+$0xFFFFFEB0];
	v61 =	vmul.f32 v59, v42;
	v23 =	vadd.f32 v62, v23  }
0x145: {  	v58 =	vmul.f32 v57, v28;
	v53 =	vld [tilespmem:s10+$0xFFFFFE70];
	v17 =	vadd.f32 v51, v17  }
0x146: {  	v15 =	vadd.f32 v15, v16;
	v62 =	vld [tilespmem:s10+$0xFFFFFEF0];
	v16 =	vadd.f32 v61, v23  }
0x147: {  	v14 =	vmul.f32 v49, v14;
	v23 =	vld [tilespmem:s10+$0xFFFFFF30];
	v17 =	vadd.f32 v58, v17  }
0x148: {  	[tilespmem:s31+$0x20] =	vst v16;
	v16 =	vld [tilespmem:s10+$0xFFFFFFB0]  }
0x149: {  	v5 =	vmul.f32 v25, v5;
	v6 =	vadd.f32 v6, v27;
	v14 =	vadd.f32 v14, v15;
	v15 =	vld [tilespmem:s1+$0x30];
	[tilespmem:s31+$0xFFFFFFE0] =	vst v17  }
0x14a: {  	v13 =	vmul.f32 v47, v13;
	v17 =	vld [tilespmem:$0x1FFF0]  }
0x14b: {  	v4 =	vmul.f32 v24, v4;
	v5 =	vadd.f32 v5, v6;
	v6 =	vld [tilespmem:s1+$0x70]  }
0x14c: {  	v11 =	vmul.f32 v46, v11;
	v13 =	vadd.f32 v13, v14;
	v14 =	vld [tilespmem:s1+$0xB0]  }
0x14d: {  	v2 =	vmul.f32 v29, v2;
	v4 =	vadd.f32 v4, v5;
	v5 =	vld [tilespmem:s1+$0xFFFFFE30]  }
0x14e: {  	v9 =	vmul.f32 v45, v9;
	v11 =	vadd.f32 v11, v13;
	v13 =	vld [tilespmem:s1+$0xFFFFFE70]  }
0x14f: {  	v2 =	vadd.f32 v2, v4;
	v4 =	vmul.f32 v63, v12;
	v12 =	vld [tilespmem:s1+$0xF0];
	v3 =	vmul.f32 v17, v3  }
0x150: {  	v9 =	vadd.f32 v9, v11;
	v11 =	vmul.f32 v15, v32;
	v6 =	vmul.f32 v6, v40;
	v15 =	vld [tilespmem:s1+$0xFFFFFEB0]  }
0x151: {  	v2 =	vadd.f32 v3, v2;
	v3 =	vmul.f32 v54, v8;
	v8 =	vmul.f32 v53, v10;
	v10 =	vld [tilespmem:s1+$0x130]  }
0x152: {  	v4 =	vadd.f32 v4, v9;
	v9 =	vmul.f32 v14, v30;
	v6 =	vadd.f32 v6, v11;
	v11 =	vld [tilespmem:s1+$0xFFFFFEF0]  }
0x153: {  	v5 =	vmul.f32 v5, v31;
	v13 =	vmul.f32 v13, v39;
	v3 =	vadd.f32 v8, v3;
	v8 =	vld [tilespmem:s1+$0x170]  }
0x154: {  	v14 =	vmul.f32 v60, v21;
	v6 =	vadd.f32 v9, v6;
	v9 =	vmul.f32 v12, v33;
	v12 =	vld [tilespmem:s1+$0xFFFFFF30]  }
0x155: {  	v21 =	vld [tilespmem:s1+$0x1B0];
	v17 =	vmul.f32 v62, v22;
	v5 =	vadd.f32 v13, v5;
	v13 =	vmul.f32 v15, v34  }
0x156: {  	v6 =	vadd.f32 v9, v6;
	v3 =	vadd.f32 v14, v3;
	v9 =	vmul.f32 v10, v37;
	v10 =	vld [tilespmem:s1+$0xFFFFFF70]  }
0x157: {  	v15 =	vld [tilespmem:s1+$0x1F0];
	v11 =	vmul.f32 v11, v35;
	v5 =	vadd.f32 v13, v5;
	v14 =	vmul.f32 v23, v20  }
0x158: {  	v3 =	vadd.f32 v17, v3;
	v6 =	vadd.f32 v9, v6;
	v8 =	vmul.f32 v8, v38;
	v9 =	vld [tilespmem:s1+$0xFFFFFFB0]  }
0x159: {  	v13 =	vmul.f32 v26, v19;
	v12 =	vmul.f32 v12, v36;
	v5 =	vadd.f32 v11, v5;
	v17 =	vld [tilespmem:s10+$0xFFFFFFF0]  }
0x15a: {  	v11 =	vld [tilespmem:s1+$0xFFFFFFF0];
	v3 =	vadd.f32 v14, v3;
	v6 =	vadd.f32 v8, v6;
	v8 =	vmul.f32 v21, v41  }
0x15b: {  	v1 =	vmul.f32 v48, v1;
	v5 =	vadd.f32 v12, v5;
	v10 =	vmul.f32 v10, v43  }
0x15c: {  	v12 =	vmul.f32 v16, v18;
	v3 =	vadd.f32 v13, v3;
	v6 =	vadd.f32 v8, v6  }
0x15d: {  	v8 =	vmul.f32 v15, v42;
	v9 =	vmul.f32 v9, v44;
	v5 =	vadd.f32 v10, v5  }
0x15e: {  	v1 =	vadd.f32 v1, v2;
	v2 =	vadd.f32 v12, v3;
	v3 =	vmul.f32 v17, v7  }
0x15f: {  	[tilespmem:s9+$0x30] =	vst v4;
	v4 =	vadd.f32 v8, v6;
	v6 =	vmul.f32 v11, v28;
	v5 =	vadd.f32 v9, v5  }
0x160: {  	[tilespmem:s7+$0xFFFFFFF0] =	vst v1;
	s1 =	smul.u32 $0x140, s17;
	v1 =	vadd.f32 v3, v2  }
0x161: {  	[tilespmem:s31+$0x30] =	vst v4;
	v2 =	vadd.f32 v6, v5  }
0x162: {  	s1 =	sshra.s32 s1, $0x2;
	[tilespmem:s9+$0xFFFFFFF0] =	vst v1  }
0x163: {  	p1 =	seq.s32 s17, $0x7C;
	s1 =	sadd.s32 $0x2710, s1;
	[tilespmem:s31+$0xFFFFFFF0] =	vst v2  }
0x164: {  	[spmem:s2] =	stream.indirect.scatter.add.f32 [tilespmem:s26], [sflag:$0x5], $0x40, s1, s18, $0xb8;
	[tilespmem:$0x1A730] =	vst v63  }
0x165: {  	s1 =	sadd.s32 @!p1 $0x50, s6  }
0x166: {  	s6 =	sor.u32 @!p1 s13, s1  }
0x167: {  	s8 =	simm.s32 @!p1 $0x2800;
	s6 =	sshrl.u32 @!p1 s6, $0x3  }
0x168: {  	s7 =	simm.s32 @!p1 $0x28;
	s9 =	simm.s32 @!p1 $0x4E30;
	s6 =	sadd.s32 @!p1 s5, s6  }
0x169: {  	[tilespmem:s9], [sflag:$0x3] =	stream.strided.gather @!p1 [hbm4b:s6+s7], $0x280, s8, s7, $0x38;
	[tilespmem:$0x1A730] =	vst v63  }
0x16a: {  	s6 =	simm.s32 @!p1 $0x5330  }
0x16b: {  	[tilespmem:s6], [sflag:$0x1] =	stream.indirect.gather @!p1 [hbm4b:s4+s7], $0x200, s1, s7, $0xb8;
	[tilespmem:$0x1A730] =	vst v63  }
0x16c: {  	_ =	swait.ge [sflag:s28], $0x280  }
0x16d: {  	s8 =	simm.s32 $0x1;
	[sflag:s28] =	ssyncset.done $0x0  }
0x16e: {  	v1 =	vmov s8;
	[sflag:s28] =	ssyncadd.s32 $0xFFFFFD80  }
0x16f: {  	v1 =	vand.u32 $0x3F, v1;
	_ =	swait.ge [sflag:s29], $0x5000  }
0x170: {  	v1 =	vadd.s32 v0, v1;
	[sflag:s29] =	ssyncset.done $0x0  }
0x171: {  	s1 =	simm.s32 @!p0 $0x6;
	[sflag:s29] =	ssyncadd.s32 $0xFFFFB000  }
0x172: {  	_ =	swait.ge @!p0 [sflag:s1], $0xA00  }
0x173: {  	[sflag:s1] =	ssyncset.done @!p0 $0x0  }
0x174: {  	[sflag:s1] =	ssyncadd.s32 @!p0 $0xFFFFF600  }
0x175: {  	s7 =	simm.s32 $0xA530;
	v1 =	vld.idx.msk [tilespmem:v1+s22+$0x0], $0xffff  }
0x176: {  	v2 =	vld [tilespmem:s7+$0x0]  }
0x177: {  	v3 =	vld [tilespmem:s7+$0x40];
	_ =	sdelay $0x1  }
0x178: {  	v4 =	vld [tilespmem:s7+$0x80]  }
0x179: {  	v32 =	vbroadcast v1, $0x0;
	v33 =	vbroadcast v1, $0x1  }
0x17a: {  	s9 =	simm.s32 $0x0;
	v5 =	vld [tilespmem:s7+$0xC0];
	v30 =	vbroadcast v1, $0x2  }
0x17b: {  	v6 =	vmov s9;
	v2 =	vmul.f32 v2, v32;
	v3 =	vmul.f32 v3, v33  }
0x17c: {  	v6 =	vand.u32 $0x3E, v6;
	v7 =	vld [tilespmem:s7+$0x100]  }
0x17d: {  	v31 =	vbroadcast v1, $0x3;
	v2 =	vadd.f32 v3, v2;
	v3 =	vmul.f32 v4, v30  }
0x17e: {  	v4 =	vadd.s32 v0, v6;
	v6 =	vld [tilespmem:s7+$0x140]  }
0x17f: {  	v29 =	vbroadcast v1, $0x4;
	v2 =	vadd.f32 v3, v2;
	v3 =	vmul.f32 v5, v31  }
0x180: {  	v5 =	vld [tilespmem:s7+$0x180]  }
0x181: {  	v27 =	vbroadcast v1, $0x5;
	v2 =	vadd.f32 v3, v2;
	v3 =	vmul.f32 v7, v29  }
0x182: {  	v7 =	vld [tilespmem:s7+$0x1C0]  }
0x183: {  	v26 =	vbroadcast v1, $0x6;
	v2 =	vadd.f32 v3, v2;
	v3 =	vmul.f32 v6, v27  }
0x184: {  	v8 =	vld.idx.msk [tilespmem:v4+s22+$0x0], $0xffff  }
0x185: {  	v28 =	vbroadcast v1, $0x7;
	v1 =	vld [tilespmem:s7+$0xFFFFFE40];
	v2 =	vadd.f32 v3, v2;
	v3 =	vmul.f32 v5, v26  }
0x186: {  	v4 =	vld [tilespmem:s7+$0xFFFFFE00]  }
0x187: {  	v2 =	vadd.f32 v3, v2;
	v3 =	vmul.f32 v7, v28  }
0x188: {  	v7 =	vld [tilespmem:s7+$0xFFFFFE80]  }
0x189: {  	v25 =	vbroadcast v8, $0x0;
	v24 =	vbroadcast v8, $0x1;
	v2 =	vadd.f32 v3, v2  }
0x18a: {  	s6 =	simm.s32 $0xFD70;
	v6 =	vbroadcast v8, $0x2;
	v3 =	vld [tilespmem:s7+$0xFFFFFEC0]  }
0x18b: {  	v9 =	vld [tilespmem:s7+$0xFFFFFF00];
	v4 =	vmul.f32 v4, v25;
	v1 =	vmul.f32 v1, v24;
	[tilespmem:s6+$0x0] =	vst v2  }
0x18c: {  	v10 =	vld [tilespmem:s7+$0x10]  }
0x18d: {  	v5 =	vbroadcast v8, $0x3;
	v1 =	vadd.f32 v1, v4;
	v2 =	vmul.f32 v7, v6;
	v7 =	vld [tilespmem:s7+$0x50]  }
0x18e: {  	v11 =	vld [tilespmem:s7+$0xFFFFFF40]  }
0x18f: {  	v4 =	vbroadcast v8, $0x4;
	v12 =	vld [tilespmem:s7+$0x90];
	v3 =	vmul.f32 v3, v5;
	v1 =	vadd.f32 v2, v1  }
0x190: {  	v13 =	vld [tilespmem:s7+$0xFFFFFF80]  }
0x191: {  	v14 =	vld [tilespmem:s7+$0xD0];
	v9 =	vmul.f32 v9, v4;
	v2 =	vbroadcast v8, $0x5;
	v1 =	vadd.f32 v3, v1  }
0x192: {  	v15 =	vld [tilespmem:s7+$0xFFFFFFC0];
	v10 =	vmul.f32 v10, v32;
	v7 =	vmul.f32 v7, v33  }
0x193: {  	v16 =	vld [tilespmem:s7+$0x110];
	v3 =	vbroadcast v8, $0x6;
	v11 =	vmul.f32 v11, v2;
	v9 =	vadd.f32 v9, v1  }
0x194: {  	v7 =	vadd.f32 v7, v10;
	v10 =	vmul.f32 v12, v30  }
0x195: {  	v1 =	vbroadcast v8, $0x7;
	v12 =	vmul.f32 v13, v3;
	v8 =	vadd.f32 v11, v9;
	v9 =	vld [tilespmem:s7+$0x150]  }
0x196: {  	v7 =	vadd.f32 v10, v7;
	v10 =	vmul.f32 v14, v31  }
0x197: {  	v11 =	vmul.f32 v15, v1;
	v8 =	vadd.f32 v12, v8;
	v12 =	vld [tilespmem:s7+$0x190]  }
0x198: {  	v7 =	vadd.f32 v10, v7;
	v10 =	vmul.f32 v16, v29  }
0x199: {  	v8 =	vadd.f32 v11, v8;
	v11 =	vld [tilespmem:s7+$0x1D0]  }
0x19a: {  	v7 =	vadd.f32 v10, v7;
	v9 =	vmul.f32 v9, v27  }
0x19b: {  	[tilespmem:s6+$0xFFFFFFC0] =	vst v8  }
0x19c: {  	v8 =	vld [tilespmem:s7+$0xFFFFFE10];
	v7 =	vadd.f32 v9, v7;
	v9 =	vmul.f32 v12, v26  }
0x19d: {  	v10 =	vld [tilespmem:s7+$0xFFFFFE50]  }
0x19e: {  	v7 =	vadd.f32 v9, v7;
	v9 =	vmul.f32 v11, v28  }
0x19f: {  	v11 =	vld [tilespmem:s7+$0xFFFFFE90]  }
0x1a0: {  	v7 =	vadd.f32 v9, v7  }
0x1a1: {  	v9 =	vld [tilespmem:s7+$0xFFFFFED0]  }
0x1a2: {  	v12 =	vld [tilespmem:s7+$0xFFFFFF10];
	v8 =	vmul.f32 v8, v25;
	v10 =	vmul.f32 v10, v24;
	[tilespmem:s6+$0x10] =	vst v7  }
0x1a3: {  	v7 =	vld [tilespmem:s7+$0x20]  }
0x1a4: {  	v11 =	vmul.f32 v11, v6;
	v8 =	vadd.f32 v10, v8;
	v10 =	vld [tilespmem:s7+$0x60]  }
0x1a5: {  	v13 =	vld [tilespmem:s7+$0xFFFFFF50]  }
0x1a6: {  	v9 =	vmul.f32 v9, v5;
	v8 =	vadd.f32 v11, v8;
	v11 =	vld [tilespmem:s7+$0xA0]  }
0x1a7: {  	v14 =	vld [tilespmem:s7+$0xFFFFFF90]  }
0x1a8: {  	v12 =	vmul.f32 v12, v4;
	v8 =	vadd.f32 v9, v8;
	v9 =	vld [tilespmem:s7+$0xE0]  }
0x1a9: {  	v15 =	vld [tilespmem:s7+$0xFFFFFFD0];
	v7 =	vmul.f32 v7, v32;
	v10 =	vmul.f32 v10, v33  }
0x1aa: {  	v13 =	vmul.f32 v13, v2;
	v8 =	vadd.f32 v12, v8;
	v12 =	vld [tilespmem:s7+$0x120]  }
0x1ab: {  	v7 =	vadd.f32 v10, v7;
	v10 =	vmul.f32 v11, v30  }
0x1ac: {  	v14 =	vmul.f32 v14, v3;
	v8 =	vadd.f32 v13, v8;
	v13 =	vld [tilespmem:s7+$0x160]  }
0x1ad: {  	s11 =	simm.s32 $0x3;
	v7 =	vadd.f32 v10, v7;
	v9 =	vmul.f32 v9, v31  }
0x1ae: {  	v10 =	vmul.f32 v15, v1;
	v15 =	vmov s11;
	v8 =	vadd.f32 v14, v8;
	v14 =	vld [tilespmem:s7+$0x1A0]  }
0x1af: {  	v15 =	vand.u32 $0x3F, v15;
	v7 =	vadd.f32 v9, v7;
	v9 =	vmul.f32 v12, v29  }
0x1b0: {  	v12 =	vadd.s32 v0, v15;
	v8 =	vadd.f32 v10, v8;
	v10 =	vld [tilespmem:s7+$0x1E0]  }
0x1b1: {  	s11 =	simm.s32 $0xA930;
	v7 =	vadd.f32 v9, v7;
	v9 =	vmul.f32 v13, v27  }
0x1b2: {  	v20 =	vld [tilespmem:s11+$0x180]  }
0x1b3: {  	v21 =	vld [tilespmem:s11+$0x1C0];
	[tilespmem:s6+$0xFFFFFFD0] =	vst v8;
	v7 =	vadd.f32 v9, v7;
	v8 =	vmul.f32 v14, v26  }
0x1b4: {  	s10 =	simm.s32 $0x2;
	v22 =	vld [tilespmem:s11+$0xFFFFFE00]  }
0x1b5: {  	v16 =	vmov s10;
	v12 =	vld.idx.msk [tilespmem:v12+s22+$0x0], $0xffff;
	v7 =	vadd.f32 v8, v7;
	v8 =	vmul.f32 v10, v28  }
0x1b6: {  	v11 =	vand.u32 $0x3E, v16;
	v9 =	vld [tilespmem:s11+$0x0]  }
0x1b7: {  	v11 =	vadd.s32 v0, v11;
	v7 =	vadd.f32 v8, v7;
	v8 =	vld [tilespmem:s11+$0x40]  }
0x1b8: {  	v59 =	vld [tilespmem:s11+$0xFFFFFE80]  }
0x1b9: {  	v10 =	vld [tilespmem:s11+$0x80]  }
0x1ba: {  	v60 =	vld [tilespmem:s11+$0xFFFFFEC0];
	v17 =	vbroadcast v12, $0x0;
	v16 =	vbroadcast v12, $0x1  }
0x1bb: {  	[tilespmem:s6+$0x20] =	vst v7;
	v15 =	vbroadcast v12, $0x2;
	v7 =	vld [tilespmem:s11+$0xC0]  }
0x1bc: {  	v23 =	vld.idx.msk [tilespmem:v11+s22+$0x0], $0xffff;
	v9 =	vmul.f32 v9, v17;
	v8 =	vmul.f32 v8, v16  }
0x1bd: {  	v11 =	vld [tilespmem:s11+$0x100]  }
0x1be: {  	v62 =	vld [tilespmem:s11+$0xFFFFFF00];
	v14 =	vbroadcast v12, $0x3;
	v8 =	vadd.f32 v8, v9;
	v9 =	vmul.f32 v10, v15  }
0x1bf: {  	v10 =	vld [tilespmem:s11+$0x140]  }
0x1c0: {  	v47 =	vld [tilespmem:s11+$0xFFFFFF40];
	v13 =	vbroadcast v12, $0x4;
	v7 =	vmul.f32 v7, v14;
	v8 =	vadd.f32 v9, v8  }
0x1c1: {  	v57 =	vld [tilespmem:s11+$0xFFFFFF80]  }
0x1c2: {  	v18 =	vld [tilespmem:s7+$0xFFFFFE20];
	v7 =	vadd.f32 v7, v8;
	v8 =	vmul.f32 v11, v13;
	v11 =	vbroadcast v12, $0x5  }
0x1c3: {  	v19 =	vld [tilespmem:s7+$0xFFFFFE60]  }
0x1c4: {  	v34 =	vld [tilespmem:s7+$0xFFFFFEA0];
	v9 =	vbroadcast v12, $0x6;
	v7 =	vadd.f32 v8, v7;
	v8 =	vmul.f32 v10, v11  }
0x1c5: {  	v53 =	vld [tilespmem:s7+$0xFFFFFF20]  }
0x1c6: {  	v35 =	vld [tilespmem:s7+$0x30];
	v12 =	vbroadcast v12, $0x7;
	v7 =	vadd.f32 v8, v7;
	v8 =	vmul.f32 v20, v9  }
0x1c7: {  	v20 =	vld [tilespmem:s11+$0xFFFFFE40]  }
0x1c8: {  	v36 =	vld [tilespmem:s7+$0x70];
	v21 =	vmul.f32 v21, v12;
	v7 =	vadd.f32 v8, v7  }
0x1c9: {  	v37 =	vld [tilespmem:s7+$0xB0];
	v8 =	vbroadcast v23, $0x0  }
0x1ca: {  	v38 =	vld [tilespmem:s7+$0xF0];
	v10 =	vbroadcast v23, $0x1;
	v7 =	vadd.f32 v21, v7  }
0x1cb: {  	s10 =	simm.s32 $0xFDF0;
	v39 =	vld [tilespmem:s7+$0x130];
	v61 =	vmul.f32 v22, v8  }
0x1cc: {  	v40 =	vld [tilespmem:s7+$0x170];
	v21 =	vbroadcast v23, $0x2;
	v20 =	vmul.f32 v20, v10;
	[tilespmem:s10+$0x0] =	vst v7  }
0x1cd: {  	v7 =	vld [tilespmem:s11+$0x10]  }
0x1ce: {  	v22 =	vbroadcast v23, $0x3;
	v43 =	vmul.f32 v59, v21;
	v45 =	vadd.f32 v20, v61;
	v63 =	vld [tilespmem:s11+$0x50]  }
0x1cf: {  	v56 =	vmul.f32 v18, v25;
	v18 =	vbroadcast v23, $0x6;
	v41 =	vld [tilespmem:s7+$0x1B0]  }
0x1d0: {  	v44 =	vmul.f32 v60, v22;
	v20 =	vbroadcast v23, $0x4;
	v58 =	vld [tilespmem:s11+$0x90];
	v43 =	vadd.f32 v43, v45  }
0x1d1: {  	v42 =	vld [tilespmem:s7+$0x1F0];
	v50 =	vmul.f32 v57, v18;
	v59 =	vmul.f32 v19, v24  }
0x1d2: {  	v19 =	vbroadcast v23, $0x5;
	v61 =	vld [tilespmem:s11+$0xD0];
	v46 =	vmul.f32 v62, v20;
	v43 =	vadd.f32 v44, v43  }
0x1d3: {  	s12 =	simm.s32 $0x4;
	v60 =	vld [tilespmem:s11+$0xFFFFFFC0];
	v7 =	vmul.f32 v7, v17;
	v48 =	vmul.f32 v63, v16  }
0x1d4: {  	v57 =	vmov s12;
	v47 =	vmul.f32 v47, v19;
	v63 =	vld [tilespmem:s11+$0x110];
	v43 =	vadd.f32 v46, v43  }
0x1d5: {  	v49 =	vadd.f32 v59, v56;
	v59 =	vld [tilespmem:s7+$0xFFFFFF60];
	v45 =	vmul.f32 v58, v15;
	v48 =	vadd.f32 v48, v7  }
0x1d6: {  	v58 =	vld [tilespmem:s11+$0x150];
	v7 =	vbroadcast v23, $0x7;
	v23 =	vand.u32 $0x3E, v57;
	v43 =	vadd.f32 v47, v43  }
0x1d7: {  	v62 =	vld [tilespmem:s7+$0xFFFFFEE0];
	v44 =	vmul.f32 v61, v14;
	v23 =	vadd.s32 v0, v23;
	v45 =	vadd.f32 v45, v48  }
0x1d8: {  	v32 =	vmul.f32 v35, v32;
	v52 =	vmul.f32 v60, v7;
	v60 =	vld [tilespmem:s11+$0x190];
	v43 =	vadd.f32 v50, v43  }
0x1d9: {  	v33 =	vmul.f32 v36, v33;
	v61 =	vld [tilespmem:s7+$0xFFFFFFA0];
	v46 =	vmul.f32 v63, v13;
	v44 =	vadd.f32 v44, v45  }
0x1da: {  	v34 =	vmul.f32 v34, v6;
	v30 =	vmul.f32 v37, v30;
	v63 =	vld [tilespmem:s11+$0x1D0];
	v43 =	vadd.f32 v52, v43  }
0x1db: {  	v32 =	vadd.f32 v33, v32;
	v47 =	vmul.f32 v58, v11;
	v44 =	vadd.f32 v46, v44;
	v46 =	vld [tilespmem:s7+$0xFFFFFFE0]  }
0x1dc: {  	v34 =	vadd.f32 v34, v49;
	v62 =	vmul.f32 v62, v5;
	v23 =	vld.idx.msk [tilespmem:v23+s22+$0x0], $0xffff;
	[tilespmem:s10+$0xFFFFFFC0] =	vst v43  }
0x1dd: {  	v52 =	vmul.f32 v53, v4;
	v54 =	vmul.f32 v60, v9;
	v44 =	vadd.f32 v47, v44;
	v53 =	vld [tilespmem:s11+$0xFFFFFE10]  }
0x1de: {  	v31 =	vmul.f32 v38, v31;
	v30 =	vadd.f32 v30, v32;
	v34 =	vadd.f32 v62, v34;
	v55 =	vld [tilespmem:s11+$0xFFFFFE50]  }
0x1df: {  	v56 =	vmul.f32 v59, v2;
	v58 =	vld [tilespmem:s11+$0xFFFFFE90];
	v59 =	vmul.f32 v63, v12;
	v57 =	vadd.f32 v54, v44  }
0x1e0: {  	v34 =	vadd.f32 v52, v34;
	v60 =	vld [tilespmem:s11+$0xFFFFFED0]  }
0x1e1: {  	v29 =	vmul.f32 v39, v29;
	v30 =	vadd.f32 v31, v30;
	v63 =	vld [tilespmem:s11+$0xFFFFFF10];
	v62 =	vadd.f32 v59, v57  }
0x1e2: {  	v61 =	vmul.f32 v61, v3;
	v49 =	vld [tilespmem:s11+$0xFFFFFF90];
	v34 =	vadd.f32 v56, v34  }
0x1e3: {  	v29 =	vadd.f32 v29, v30;
	v30 =	vld [tilespmem:s11+$0xFFFFFFD0];
	v48 =	vmul.f32 v53, v8;
	v35 =	vmul.f32 v55, v10;
	[tilespmem:s10+$0x10] =	vst v62  }
0x1e4: {  	v45 =	vmul.f32 v46, v1;
	v34 =	vadd.f32 v61, v34;
	v31 =	vld [tilespmem:s11+$0x20]  }
0x1e5: {  	v50 =	vmul.f32 v58, v21;
	v35 =	vadd.f32 v35, v48;
	v51 =	vld [tilespmem:s11+$0x60]  }
0x1e6: {  	v27 =	vmul.f32 v40, v27;
	v46 =	vld [tilespmem:s11+$0xFFFFFF50];
	v32 =	vadd.f32 v45, v34  }
0x1e7: {  	v52 =	vmul.f32 v60, v22;
	v54 =	vld [tilespmem:s11+$0xA0];
	v53 =	vadd.f32 v50, v35  }
0x1e8: {  	v26 =	vmul.f32 v41, v26;
	v27 =	vadd.f32 v27, v29;
	[tilespmem:s6+$0xFFFFFFE0] =	vst v32;
	v56 =	vld [tilespmem:s11+$0xE0]  }
0x1e9: {  	v55 =	vmul.f32 v63, v20;
	v29 =	vld [tilespmem:s7+$0xFFFFFE30];
	v32 =	vadd.f32 v52, v53  }
0x1ea: {  	v26 =	vadd.f32 v26, v27;
	v57 =	vld [tilespmem:s7+$0xFFFFFE70];
	v27 =	vmul.f32 v31, v17;
	v31 =	vmul.f32 v51, v16  }
0x1eb: {  	v28 =	vmul.f32 v42, v28;
	v58 =	vld [tilespmem:s11+$0x120];
	v38 =	vmul.f32 v46, v19;
	v32 =	vadd.f32 v55, v32  }
0x1ec: {  	v60 =	vmul.f32 v30, v7;
	v30 =	vld [tilespmem:s11+$0x160];
	v27 =	vadd.f32 v31, v27;
	v31 =	vmul.f32 v54, v15  }
0x1ed: {  	v28 =	vadd.f32 v28, v26;
	v59 =	vmul.f32 v49, v18;
	v26 =	vld [tilespmem:s7+$0xFFFFFEB0];
	v32 =	vadd.f32 v38, v32  }
0x1ee: {  	s31 =	simm.s32 $0x5;
	v33 =	vmul.f32 v56, v14;
	v29 =	vmul.f32 v29, v25;
	v25 =	vld [tilespmem:s7+$0xFFFFFEF0];
	v27 =	vadd.f32 v31, v27  }
0x1ef: {  	v61 =	vmov s31;
	v36 =	vmul.f32 v57, v24;
	v31 =	vld [tilespmem:s11+$0x1A0];
	v62 =	vadd.f32 v59, v32  }
0x1f0: {  	v63 =	vand.u32 $0x3F, v61;
	v35 =	vmul.f32 v58, v13;
	v24 =	vld [tilespmem:s7+$0xFFFFFF30];
	v34 =	vadd.f32 v33, v27  }
0x1f1: {  	s9 =	simm.s32 $0xA930;
	s8 =	simm.s32 $0xFDF0;
	s12 =	simm.s32 $0x6;
	[tilespmem:s6+$0x30] =	vst v28;
	v32 =	vadd.s32 v0, v63;
	v33 =	vld [tilespmem:s11+$0x1E0];
	v27 =	vadd.f32 v36, v29;
	v28 =	vadd.f32 v60, v62  }
.LBB2_5:
0x1f2: {  	p0 =	slt.u32 s12, $0x26;
	v29 =	vadd.f32 v35, v34;
	v30 =	vmul.f32 v30, v11;
	v26 =	vmul.f32 v26, v6;
	v34 =	vld [tilespmem:s7+$0xFFFFFF70];
	v6 =	vmovc v21  }
0x1f3: {  	[tilespmem:s10+$0xFFFFFFD0] =	vst v28;
	v21 =	vmul.f32 v25, v5;
	v25 =	vld [tilespmem:s7+$0xFFFFFFB0];
	v5 =	vmov v22  }
0x1f4: {  	v22 =	vld [tilespmem:s11+$0xFFFFFE20];
	v28 =	vadd.f32 v30, v29;
	v29 =	vmul.f32 v31, v9;
	v26 =	vadd.f32 v26, v27  }
0x1f5: {  	v27 =	vld [tilespmem:s11+$0xFFFFFE60];
	v24 =	vmul.f32 v24, v4;
	v4 =	vmov v20  }
0x1f6: {  	v20 =	vld.idx.msk [tilespmem:v32+s22+$0x0], $0xffff;
	v28 =	vadd.f32 v29, v28;
	v29 =	vmul.f32 v33, v12;
	v21 =	vadd.f32 v21, v26  }
0x1f7: {  	s11 =	sadd.s32 $0x400, s11;
	v26 =	vld [tilespmem:s9+$0xFFFFFEA0];
	v30 =	vmul.f32 v34, v2;
	v2 =	vmov v19  }
0x1f8: {  	v19 =	vld [tilespmem:s11+$0x0];
	v28 =	vadd.f32 v29, v28;
	v21 =	vadd.f32 v24, v21;
	v24 =	vmul.f32 v25, v3;
	v3 =	vmovc v18  }
0x1f9: {  	v18 =	vld [tilespmem:s11+$0x40];
	v22 =	vmul.f32 v22, v8  }
0x1fa: {  	v25 =	vld [tilespmem:s11+$0x80];
	v27 =	vmul.f32 v27, v10;
	[tilespmem:s10+$0x20] =	vst v28;
	v21 =	vadd.f32 v30, v21  }
0x1fb: {  	v28 =	vld [tilespmem:s9+$0x30]  }
0x1fc: {  	v29 =	vbroadcast v20, $0x0;
	v30 =	vbroadcast v20, $0x1;
	v22 =	vadd.f32 v27, v22;
	v27 =	vld [tilespmem:s9+$0x70]  }
0x1fd: {  	v31 =	vbroadcast v20, $0x2;
	v26 =	vmul.f32 v26, v6;
	v24 =	vadd.f32 v24, v21;
	v32 =	vld [tilespmem:s11+$0xC0]  }
0x1fe: {  	v19 =	vmul.f32 v19, v29;
	v18 =	vmul.f32 v18, v30;
	v21 =	vld [tilespmem:s9+$0xB0]  }
0x1ff: {  	v26 =	vadd.f32 v26, v22;
	v33 =	vld [tilespmem:s11+$0x100]  }
0x200: {  	v22 =	vbroadcast v20, $0x3;
	v18 =	vadd.f32 v18, v19;
	v19 =	vmul.f32 v25, v31;
	v25 =	vld [tilespmem:s9+$0xF0]  }
0x201: {  	v28 =	vmul.f32 v28, v17;
	v17 =	vmovc v29;
	v34 =	vld [tilespmem:s11+$0x140];
	v27 =	vmul.f32 v27, v16;
	v16 =	vmov v30  }
0x202: {  	v29 =	vbroadcast v20, $0x4;
	v18 =	vadd.f32 v19, v18;
	v19 =	vmul.f32 v32, v22;
	v30 =	vld [tilespmem:s9+$0x130]  }
0x203: {  	v32 =	vld [tilespmem:s11+$0x180];
	v27 =	vadd.f32 v27, v28;
	v21 =	vmul.f32 v21, v15;
	v15 =	vmov v31  }
0x204: {  	v28 =	vbroadcast v20, $0x5;
	v18 =	vadd.f32 v19, v18;
	v19 =	vmul.f32 v33, v29;
	v31 =	vld [tilespmem:s9+$0x170]  }
0x205: {  	v33 =	vld [tilespmem:s11+$0x1C0];
	v21 =	vadd.f32 v21, v27;
	v25 =	vmul.f32 v25, v14;
	v14 =	vmov v22  }
0x206: {  	v22 =	vbroadcast v20, $0x6;
	v18 =	vadd.f32 v19, v18;
	v19 =	vmul.f32 v34, v28;
	v27 =	vld [tilespmem:s9+$0x1B0]  }
0x207: {  	v34 =	vld [tilespmem:s11+$0xFFFFFE00];
	v21 =	vadd.f32 v25, v21;
	v25 =	vmul.f32 v30, v13;
	v13 =	vmov v29  }
0x208: {  	v20 =	vbroadcast v20, $0x7;
	v18 =	vadd.f32 v19, v18;
	v19 =	vmul.f32 v32, v22;
	v29 =	vld [tilespmem:s9+$0x1F0]  }
0x209: {  	v30 =	vld [tilespmem:s11+$0xFFFFFE40];
	v21 =	vadd.f32 v25, v21;
	v31 =	vmul.f32 v31, v11;
	v11 =	vmov v28  }
0x20a: {  	v25 =	vbroadcast v23, $0x0;
	v28 =	vld [tilespmem:s11+$0xFFFFFE80];
	v18 =	vadd.f32 v19, v18;
	v19 =	vmul.f32 v33, v20  }
0x20b: {  	v32 =	vld [tilespmem:s11+$0xFFFFFEC0];
	v31 =	vadd.f32 v31, v21;
	v33 =	vmul.f32 v27, v9;
	v9 =	vmov v22  }
0x20c: {  	v27 =	vbroadcast v23, $0x1;
	v34 =	vmul.f32 v34, v25;
	v35 =	vld [tilespmem:s11+$0xFFFFFF00];
	v18 =	vadd.f32 v19, v18  }
0x20d: {  	s10 =	sadd.s32 $0x80, s10;
	v21 =	vbroadcast v23, $0x2;
	v36 =	vld [tilespmem:s11+$0xFFFFFF40];
	v19 =	vadd.f32 v33, v31;
	v29 =	vmul.f32 v29, v12;
	v12 =	vmovc v20  }
0x20e: {  	v22 =	vbroadcast v23, $0x3;
	v30 =	vmul.f32 v30, v27;
	v31 =	vld [tilespmem:s11+$0xFFFFFF80];
	[tilespmem:s10+$0x0] =	vst v18  }
0x20f: {  	v20 =	vbroadcast v23, $0x4;
	v28 =	vmul.f32 v28, v21;
	v33 =	vld [tilespmem:s11+$0x10];
	v29 =	vadd.f32 v29, v19  }
0x210: {  	v19 =	vbroadcast v23, $0x5;
	v30 =	vadd.f32 v30, v34;
	v32 =	vmul.f32 v32, v22;
	v34 =	vld [tilespmem:s11+$0x50]  }
0x211: {  	v18 =	vbroadcast v23, $0x6;
	v35 =	vmul.f32 v35, v20;
	v37 =	vld [tilespmem:s11+$0xFFFFFFC0];
	[tilespmem:s8+$0x30] =	vst v29  }
0x212: {  	v28 =	vadd.f32 v28, v30;
	v29 =	vmul.f32 v36, v19;
	v30 =	vld [tilespmem:s11+$0x90]  }
0x213: {  	v31 =	vmul.f32 v31, v18;
	v36 =	vld [tilespmem:s9+$0xFFFFFEE0]  }
0x214: {  	v28 =	vadd.f32 v32, v28;
	v32 =	vbroadcast v23, $0x7;
	v23 =	vld [tilespmem:s11+$0xD0]  }
0x215: {  	v33 =	vmul.f32 v33, v17;
	v34 =	vmul.f32 v34, v16;
	v38 =	vld [tilespmem:s9+$0xFFFFFF20]  }
0x216: {  	v28 =	vadd.f32 v35, v28;
	v35 =	vmul.f32 v37, v32;
	v37 =	vld [tilespmem:s11+$0x110]  }
0x217: {  	v39 =	vmov s12;
	v33 =	vadd.f32 v34, v33;
	v30 =	vmul.f32 v30, v15;
	v34 =	vld [tilespmem:s9+$0xFFFFFF60]  }
0x218: {  	v39 =	vand.u32 $0x3E, v39;
	v28 =	vadd.f32 v29, v28;
	v29 =	vld [tilespmem:s11+$0x150];
	v36 =	vmul.f32 v36, v5  }
0x219: {  	v39 =	vadd.s32 v0, v39;
	v30 =	vadd.f32 v30, v33;
	v23 =	vmul.f32 v23, v14;
	v33 =	vld [tilespmem:s9+$0xFFFFFFA0]  }
0x21a: {  	v28 =	vadd.f32 v31, v28;
	v31 =	vld [tilespmem:s11+$0x190];
	v26 =	vadd.f32 v36, v26;
	v36 =	vmul.f32 v38, v4  }
0x21b: {  	v23 =	vadd.f32 v23, v30;
	v30 =	vmul.f32 v37, v13;
	v37 =	vld [tilespmem:s9+$0xFFFFFFE0]  }
0x21c: {  	v28 =	vadd.f32 v35, v28;
	v35 =	vld [tilespmem:s11+$0x1D0];
	v26 =	vadd.f32 v36, v26;
	v34 =	vmul.f32 v34, v2  }
0x21d: {  	v30 =	vadd.f32 v30, v23;
	v29 =	vmul.f32 v29, v11;
	v36 =	vld [tilespmem:s7+$0xFFFFFFF0];
	s7 =	smov.u32 s9;
	s9 =	smov.u32 s11  }
0x21e: {  	v23 =	vld.idx.msk [tilespmem:v39+s22+$0x0], $0xffff;
	[tilespmem:s10+$0xFFFFFFC0] =	vst v28;
	v26 =	vadd.f32 v34, v26;
	v28 =	vmul.f32 v33, v3  }
0x21f: {  	v33 =	vld [tilespmem:s11+$0xFFFFFE10];
	v29 =	vadd.f32 v29, v30;
	v30 =	vmul.f32 v31, v9  }
0x220: {  	v31 =	vld [tilespmem:s11+$0xFFFFFE50];
	v26 =	vadd.f32 v28, v26;
	v28 =	vmul.f32 v37, v7  }
0x221: {  	v34 =	vld [tilespmem:s11+$0xFFFFFE90];
	v29 =	vadd.f32 v30, v29;
	v30 =	vmul.f32 v35, v12  }
0x222: {  	v35 =	vld [tilespmem:s11+$0xFFFFFED0];
	v26 =	vadd.f32 v28, v26;
	v28 =	vmul.f32 v36, v1;
	v1 =	vmovc v7;
	v7 =	vmov v32  }
0x223: {  	v32 =	vld [tilespmem:s11+$0xFFFFFF10];
	v29 =	vadd.f32 v30, v29  }
0x224: {  	v30 =	vmul.f32 v33, v25;
	v33 =	vld [tilespmem:s11+$0xFFFFFF50];
	[tilespmem:s8+$0xFFFFFFE0] =	vst v26;
	v24 =	vadd.f32 v28, v24  }
0x225: {  	v26 =	vmul.f32 v31, v27;
	v28 =	vld [tilespmem:s11+$0xFFFFFF90];
	[tilespmem:s10+$0x10] =	vst v29  }
0x226: {  	v29 =	vmul.f32 v34, v21;
	v31 =	vld [tilespmem:s11+$0x20];
	[tilespmem:s6+$0xFFFFFFF0] =	vst v24;
	s6 =	smov.u32 s8;
	s8 =	smov.u32 s10  }
0x227: {  	v24 =	vadd.f32 v26, v30;
	v26 =	vmul.f32 v35, v22;
	v30 =	vld [tilespmem:s11+$0x60]  }
0x228: {  	v32 =	vmul.f32 v32, v20;
	v34 =	vld [tilespmem:s11+$0xFFFFFFD0]  }
0x229: {  	v24 =	vadd.f32 v29, v24;
	v29 =	vmul.f32 v33, v19;
	v33 =	vld [tilespmem:s11+$0xA0]  }
0x22a: {  	v28 =	vmul.f32 v28, v18;
	v35 =	vld [tilespmem:s7+$0xFFFFFE30]  }
0x22b: {  	v24 =	vadd.f32 v26, v24;
	v36 =	vld [tilespmem:s11+$0xE0]  }
0x22c: {  	v26 =	vmul.f32 v31, v17;
	v30 =	vmul.f32 v30, v16;
	v37 =	vld [tilespmem:s7+$0xFFFFFE70]  }
0x22d: {  	v24 =	vadd.f32 v32, v24;
	v38 =	vmul.f32 v34, v7;
	v32 =	vld [tilespmem:s11+$0x120]  }
0x22e: {  	v31 =	vadd.f32 v30, v26;
	v33 =	vmul.f32 v33, v15;
	v26 =	vld [tilespmem:s7+$0xFFFFFEB0]  }
.Ltmp1:
0x22f: {  	v24 =	vadd.f32 v29, v24;
	v30 =	vld [tilespmem:s11+$0x160];
	v29 =	vmul.f32 v35, v8;
	v8 =	vmov v25;
	(pc) =	sbr.rel @p0 .LBB2_5-.Ltmp1, $4  }
0x230: {  	s1 =	sadd.s32 $0x1, s12;
	v33 =	vadd.f32 v33, v31;
	v34 =	vmul.f32 v36, v14;
	v25 =	vld [tilespmem:s7+$0xFFFFFEF0]  }
0x231: {  	v35 =	vmov s1;
	v28 =	vadd.f32 v28, v24;
	v31 =	vld [tilespmem:s11+$0x1A0];
	v36 =	vmul.f32 v37, v10;
	v10 =	vmovc v27  }
0x232: {  	v27 =	vand.u32 $0x3F, v35;
	v34 =	vadd.f32 v34, v33;
	v35 =	vmul.f32 v32, v13;
	v24 =	vld [tilespmem:s7+$0xFFFFFF30]  }
0x233: {  	s12 =	sadd.s32 $0x2, s12;
	v32 =	vadd.s32 v0, v27;
	v28 =	vadd.f32 v38, v28;
	v33 =	vld [tilespmem:s11+$0x1E0];
	v27 =	vadd.f32 v36, v29  }
0x234: {  	v53 =	vld [tilespmem:s7+$0xFFFFFFB0];
	_ =	sdelay $0x3  }
0x235: {  	[tilespmem:s10+$0xFFFFFFD0] =	vst v28  }
0x236: {  	v29 =	vld [tilespmem:s7+$0xFFFFFF70];
	[tilespmem:$0x1FFE0] =	vst v53  }
0x237: {  	v50 =	vld [tilespmem:s11+$0xFFFFFE20]  }
0x238: {  	v51 =	vld [tilespmem:s11+$0xFFFFFE60]  }
0x239: {  	s12 =	sadd.s32 $0x400, s11;
	v42 =	vld.idx.msk [tilespmem:v32+s22+$0x0], $0xffff  }
0x23a: {  	v36 =	vld [tilespmem:s12+$0x0]  }
0x23b: {  	v37 =	vld [tilespmem:s12+$0x40]  }
0x23c: {  	v30 =	vmul.f32 v30, v11;
	v38 =	vld [tilespmem:s12+$0x80]  }
0x23d: {  	v34 =	vadd.f32 v35, v34;
	v39 =	vbroadcast v23, $0x1;
	v54 =	vmul.f32 v31, v9;
	v41 =	vld [tilespmem:s12+$0xFFFFFE00]  }
0x23e: {  	v44 =	vld [tilespmem:s12+$0xFFFFFE40];
	v32 =	vbroadcast v42, $0x0;
	v40 =	vbroadcast v42, $0x1  }
0x23f: {  	v55 =	vadd.f32 v30, v34;
	v31 =	vbroadcast v23, $0x0;
	v45 =	vld [tilespmem:s12+$0xC0];
	v30 =	vbroadcast v42, $0x2  }
0x240: {  	v46 =	vld [tilespmem:s12+$0xFFFFFE80];
	v56 =	vmul.f32 v36, v32;
	v57 =	vmul.f32 v37, v40  }
0x241: {  	v34 =	vbroadcast v23, $0x2;
	v43 =	vmul.f32 v33, v12;
	v35 =	vadd.f32 v54, v55;
	v47 =	vld [tilespmem:s12+$0x100]  }
0x242: {  	v49 =	vld [tilespmem:s12+$0xFFFFFEC0];
	v33 =	vbroadcast v42, $0x3;
	v58 =	vmul.f32 v38, v30;
	v36 =	vadd.f32 v57, v56  }
0x243: {  	v60 =	vadd.f32 v43, v35;
	v61 =	vld [tilespmem:s12+$0x140];
	v59 =	vmul.f32 v41, v31;
	v44 =	vmul.f32 v44, v39  }
0x244: {  	v52 =	vld [tilespmem:s12+$0xFFFFFF00];
	v45 =	vmul.f32 v45, v33;
	v37 =	vbroadcast v42, $0x4;
	v36 =	vadd.f32 v58, v36  }
0x245: {  	v53 =	vld [tilespmem:s12+$0x180];
	v35 =	vbroadcast v23, $0x3;
	v46 =	vmul.f32 v46, v34;
	v44 =	vadd.f32 v44, v59  }
0x246: {  	v54 =	vld [tilespmem:s12+$0xFFFFFF40];
	v38 =	vbroadcast v42, $0x5;
	v47 =	vmul.f32 v47, v37;
	v45 =	vadd.f32 v45, v36  }
0x247: {  	v55 =	vld [tilespmem:s12+$0x1C0];
	v49 =	vmul.f32 v49, v35;
	v44 =	vadd.f32 v46, v44;
	v36 =	vbroadcast v23, $0x4  }
0x248: {  	v63 =	vld [tilespmem:s12+$0xFFFFFF80];
	v41 =	vbroadcast v42, $0x6;
	v62 =	vmul.f32 v61, v38;
	v45 =	vadd.f32 v47, v45  }
0x249: {  	v48 =	vld [tilespmem:s9+$0xFFFFFEA0];
	v43 =	vbroadcast v23, $0x5;
	v49 =	vadd.f32 v49, v44;
	v52 =	vmul.f32 v52, v36  }
0x24a: {  	[tilespmem:s10+$0x20] =	vst v60;
	v60 =	vld [tilespmem:s12+$0xFFFFFFC0];
	v28 =	vmul.f32 v53, v41;
	v42 =	vbroadcast v42, $0x7;
	v45 =	vadd.f32 v62, v45  }
0x24b: {  	v54 =	vmul.f32 v54, v43;
	v56 =	vld [tilespmem:s9+$0x30];
	v44 =	vbroadcast v23, $0x6;
	v58 =	vadd.f32 v52, v49  }
0x24c: {  	v57 =	vld [tilespmem:s9+$0x70];
	v61 =	vmul.f32 v55, v42;
	v45 =	vadd.f32 v28, v45  }
0x24d: {  	v46 =	vld [tilespmem:s9+$0x170];
	v62 =	vmul.f32 v63, v44;
	v28 =	vbroadcast v23, $0x7;
	v54 =	vadd.f32 v54, v58  }
0x24e: {  	v47 =	vld [tilespmem:s9+$0x130];
	v63 =	vadd.f32 v61, v45  }
0x24f: {  	s31 =	sadd.s32 $0x80, s10;
	v52 =	vld [tilespmem:s9+$0xB0];
	v53 =	vmul.f32 v60, v28;
	v54 =	vadd.f32 v62, v54  }
0x250: {  	v49 =	vld [tilespmem:s9+$0xF0];
	[tilespmem:s31+$0x0] =	vst v63  }
0x251: {  	v53 =	vadd.f32 v53, v54;
	v55 =	vld [tilespmem:s12+$0x10]  }
0x252: {  	v23 =	vld [tilespmem:s12+$0x50]  }
0x253: {  	v58 =	vld [tilespmem:s12+$0x90];
	[tilespmem:s31+$0xFFFFFFC0] =	vst v53  }
0x254: {  	v53 =	vld [tilespmem:s12+$0xFFFFFE10]  }
0x255: {  	v59 =	vld [tilespmem:s12+$0xFFFFFE50]  }
0x256: {  	v60 =	vld [tilespmem:s12+$0xD0]  }
0x257: {  	v61 =	vld [tilespmem:s12+$0xFFFFFE90];
	v55 =	vmul.f32 v55, v32;
	v54 =	vmul.f32 v23, v40  }
0x258: {  	v62 =	vld [tilespmem:s12+$0x110]  }
0x259: {  	v23 =	vmul.f32 v58, v30;
	v58 =	vld [tilespmem:s12+$0xFFFFFED0];
	v54 =	vadd.f32 v54, v55  }
0x25a: {  	v63 =	vld [tilespmem:s12+$0x150];
	v53 =	vmul.f32 v53, v31;
	v59 =	vmul.f32 v59, v39  }
0x25b: {  	v55 =	vmul.f32 v60, v33;
	v60 =	vld [tilespmem:s12+$0xFFFFFF10];
	v54 =	vadd.f32 v23, v54  }
0x25c: {  	v61 =	vmul.f32 v61, v34;
	v23 =	vld [tilespmem:s12+$0x190];
	v53 =	vadd.f32 v59, v53  }
0x25d: {  	v59 =	vld [tilespmem:s12+$0xFFFFFF50];
	v54 =	vadd.f32 v55, v54;
	v55 =	vmul.f32 v62, v37  }
0x25e: {  	v58 =	vmul.f32 v58, v35;
	v62 =	vld [tilespmem:s12+$0x1D0];
	v53 =	vadd.f32 v61, v53  }
0x25f: {  	v61 =	vld [tilespmem:s12+$0xFFFFFF90];
	v54 =	vadd.f32 v55, v54;
	v55 =	vmul.f32 v63, v38  }
0x260: {  	v45 =	vld [tilespmem:s9+$0x1B0];
	v60 =	vmul.f32 v60, v36;
	v53 =	vadd.f32 v58, v53  }
0x261: {  	v23 =	vmul.f32 v23, v41;
	v54 =	vadd.f32 v55, v54;
	v55 =	vld [tilespmem:s12+$0xFFFFFFD0]  }
0x262: {  	v63 =	vld [tilespmem:s9+$0x1F0];
	v59 =	vmul.f32 v59, v43;
	v53 =	vadd.f32 v60, v53  }
0x263: {  	v58 =	vld [tilespmem:s9+$0xFFFFFEE0];
	v23 =	vadd.f32 v23, v54;
	v54 =	vmul.f32 v62, v42  }
0x264: {  	v60 =	vld [tilespmem:s9+$0xFFFFFF20];
	v61 =	vmul.f32 v61, v44;
	v53 =	vadd.f32 v59, v53  }
0x265: {  	v50 =	vmul.f32 v50, v8;
	v51 =	vmul.f32 v51, v10;
	v62 =	vld [tilespmem:s9+$0xFFFFFF60];
	v23 =	vadd.f32 v54, v23  }
0x266: {  	v59 =	vld [tilespmem:s9+$0xFFFFFFA0];
	v53 =	vadd.f32 v61, v53;
	v55 =	vmul.f32 v55, v28  }
0x267: {  	v50 =	vadd.f32 v51, v50;
	v54 =	vld [tilespmem:s9+$0xFFFFFFE0];
	v61 =	vmul.f32 v48, v21;
	[tilespmem:s31+$0x10] =	vst v23  }
0x268: {  	v23 =	vld [tilespmem:s12+$0x20];
	v53 =	vadd.f32 v55, v53  }
0x269: {  	v50 =	vadd.f32 v61, v50;
	v61 =	vmul.f32 v58, v22;
	v55 =	vld [tilespmem:s12+$0x60]  }
0x26a: {  	v58 =	vld [tilespmem:s12+$0xA0];
	[tilespmem:s31+$0xFFFFFFD0] =	vst v53  }
0x26b: {  	v51 =	vmul.f32 v60, v20;
	v50 =	vadd.f32 v61, v50;
	v53 =	vld [tilespmem:s12+$0xFFFFFE20]  }
0x26c: {  	v60 =	vld [tilespmem:s12+$0xFFFFFE60]  }
0x26d: {  	v61 =	vld [tilespmem:s12+$0xE0];
	v50 =	vadd.f32 v51, v50;
	v51 =	vmul.f32 v62, v19  }
0x26e: {  	v62 =	vld [tilespmem:s12+$0xFFFFFEA0];
	v23 =	vmul.f32 v23, v32;
	v55 =	vmul.f32 v55, v40  }
0x26f: {  	v50 =	vadd.f32 v51, v50;
	v51 =	vmul.f32 v59, v18;
	v59 =	vld [tilespmem:s12+$0x120]  }
0x270: {  	v23 =	vadd.f32 v55, v23;
	v55 =	vmul.f32 v58, v30;
	v58 =	vld [tilespmem:s12+$0xFFFFFEE0]  }
0x271: {  	v50 =	vadd.f32 v51, v50;
	v51 =	vld [tilespmem:s12+$0x160];
	v53 =	vmul.f32 v53, v31;
	v60 =	vmul.f32 v60, v39  }
0x272: {  	v54 =	vmul.f32 v54, v7;
	v23 =	vadd.f32 v55, v23;
	v55 =	vmul.f32 v61, v33;
	v61 =	vld [tilespmem:s12+$0xFFFFFF20]  }
0x273: {  	v62 =	vmul.f32 v62, v34;
	v53 =	vadd.f32 v60, v53;
	v60 =	vld [tilespmem:s12+$0x1A0]  }
0x274: {  	v50 =	vadd.f32 v54, v50;
	v54 =	vmul.f32 v59, v37;
	v23 =	vadd.f32 v55, v23;
	v55 =	vld [tilespmem:s12+$0xFFFFFF60]  }
0x275: {  	v17 =	vmul.f32 v56, v17;
	v59 =	vld [tilespmem:s12+$0x1E0];
	v53 =	vadd.f32 v62, v53;
	v58 =	vmul.f32 v58, v35  }
0x276: {  	v16 =	vmul.f32 v57, v16;
	v62 =	vmul.f32 v51, v38;
	v51 =	vld [tilespmem:s12+$0xFFFFFFA0];
	v23 =	vadd.f32 v54, v23  }
0x277: {  	v48 =	vld [tilespmem:s7+$0xFFFFFFF0];
	v53 =	vadd.f32 v58, v53;
	v56 =	vmul.f32 v61, v36  }
0x278: {  	v16 =	vadd.f32 v16, v17;
	v15 =	vmul.f32 v52, v15;
	[tilespmem:s8+$0xFFFFFFE0] =	vst v50;
	v23 =	vadd.f32 v62, v23;
	v62 =	vld [tilespmem:s12+$0xFFFFFFE0]  }
0x279: {  	v50 =	vld [tilespmem:s9+$0xFFFFFEB0];
	v61 =	vmul.f32 v60, v41;
	v58 =	vadd.f32 v56, v53;
	v55 =	vmul.f32 v55, v43  }
0x27a: {  	v6 =	vmul.f32 v26, v6;
	v15 =	vadd.f32 v15, v16;
	v26 =	vld [tilespmem:s9+$0xFFFFFF70];
	v60 =	vmul.f32 v59, v42  }
0x27b: {  	v16 =	vld [tilespmem:s9+$0xFFFFFFB0];
	v23 =	vadd.f32 v61, v23;
	v51 =	vmul.f32 v51, v44;
	v17 =	vadd.f32 v55, v58  }
0x27c: {  	v54 =	vld [tilespmem:s9+$0xFFFFFE30]  }
0x27d: {  	v53 =	vld [tilespmem:s9+$0xFFFFFE70];
	v61 =	vadd.f32 v60, v23;
	v17 =	vadd.f32 v51, v17;
	v62 =	vmul.f32 v62, v28  }
0x27e: {  	v55 =	vld [tilespmem:s9+$0xFFFFFEF0]  }
0x27f: {  	v14 =	vmul.f32 v49, v14;
	v23 =	vld [tilespmem:s9+$0xFFFFFF30];
	[tilespmem:s31+$0x20] =	vst v61;
	v49 =	vadd.f32 v62, v17  }
0x280: {  	v51 =	vld [tilespmem:s12+$0x30]  }
0x281: {  	v5 =	vmul.f32 v25, v5;
	v6 =	vadd.f32 v6, v27;
	v52 =	vld [tilespmem:s12+$0x70];
	[tilespmem:s31+$0xFFFFFFE0] =	vst v49  }
0x282: {  	v13 =	vmul.f32 v47, v13;
	v14 =	vadd.f32 v14, v15;
	v15 =	vld [tilespmem:$0x1FFE0]  }
0x283: {  	v4 =	vmul.f32 v24, v4;
	v5 =	vadd.f32 v5, v6;
	v57 =	vld [tilespmem:s12+$0xB0]  }
0x284: {  	v2 =	vmul.f32 v29, v2;
	v13 =	vadd.f32 v13, v14;
	v56 =	vmul.f32 v46, v11;
	v58 =	vld [tilespmem:s12+$0xFFFFFE30]  }
0x285: {  	v4 =	vadd.f32 v4, v5;
	v1 =	vmul.f32 v48, v1;
	v59 =	vmul.f32 v45, v9;
	v60 =	vld [tilespmem:s12+$0xFFFFFE70]  }
0x286: {  	v11 =	vadd.f32 v56, v13;
	v56 =	vmul.f32 v26, v19;
	v61 =	vmul.f32 v63, v12;
	v62 =	vld [tilespmem:s12+$0xF0]  }
0x287: {  	v2 =	vadd.f32 v2, v4;
	v25 =	vmul.f32 v53, v10;
	v24 =	vld [tilespmem:s12+$0xFFFFFEB0];
	v3 =	vmul.f32 v15, v3  }
0x288: {  	v9 =	vadd.f32 v59, v11;
	v27 =	vld [tilespmem:s12+$0x130];
	v63 =	vmul.f32 v51, v32;
	v6 =	vmul.f32 v52, v40  }
0x289: {  	v29 =	vmul.f32 v57, v30;
	v30 =	vld [tilespmem:s12+$0xFFFFFEF0];
	v2 =	vadd.f32 v3, v2;
	v3 =	vmul.f32 v54, v8  }
0x28a: {  	v46 =	vld [tilespmem:s12+$0xFFFFFF30];
	v6 =	vadd.f32 v6, v63;
	v5 =	vmul.f32 v58, v31;
	v13 =	vmul.f32 v60, v39  }
0x28b: {  	v32 =	vld [tilespmem:s12+$0x170];
	v40 =	vmul.f32 v50, v21;
	v45 =	vmul.f32 v62, v33;
	v3 =	vadd.f32 v25, v3  }
0x28c: {  	v49 =	vld [tilespmem:s12+$0x1B0];
	v50 =	vmul.f32 v24, v34;
	v6 =	vadd.f32 v29, v6;
	v5 =	vadd.f32 v13, v5  }
0x28d: {  	v47 =	vmul.f32 v55, v22;
	v51 =	vmul.f32 v27, v37;
	v52 =	vld [tilespmem:s12+$0xFFFFFF70];
	v3 =	vadd.f32 v40, v3  }
0x28e: {  	v55 =	vld [tilespmem:s12+$0xFFFFFFB0];
	v11 =	vmul.f32 v30, v35;
	v6 =	vadd.f32 v45, v6;
	v5 =	vadd.f32 v50, v5  }
0x28f: {  	v53 =	vmul.f32 v23, v20;
	v12 =	vmul.f32 v46, v36;
	v54 =	vld [tilespmem:s12+$0x1F0];
	v3 =	vadd.f32 v47, v3  }
0x290: {  	v57 =	vld [tilespmem:s9+$0xFFFFFFF0];
	v8 =	vmul.f32 v32, v38;
	v6 =	vadd.f32 v51, v6;
	v5 =	vadd.f32 v11, v5  }
0x291: {  	v4 =	vadd.f32 v61, v9;
	v59 =	vld [tilespmem:s12+$0xFFFFFFF0];
	v58 =	vmul.f32 v49, v41;
	v3 =	vadd.f32 v53, v3  }
0x292: {  	v10 =	vmul.f32 v52, v43;
	v6 =	vadd.f32 v8, v6;
	v5 =	vadd.f32 v12, v5  }
0x293: {  	v60 =	vmul.f32 v16, v18;
	v9 =	vmul.f32 v55, v44;
	v3 =	vadd.f32 v56, v3  }
0x294: {  	v61 =	vmul.f32 v54, v42;
	v6 =	vadd.f32 v58, v6;
	v5 =	vadd.f32 v10, v5  }
0x295: {  	s17 =	sadd.s32 $0x1, s17;
	v1 =	vadd.f32 v1, v2;
	v2 =	vadd.f32 v60, v3;
	v3 =	vmul.f32 v57, v7  }
0x296: {  	p0 =	sne.s32 s17, $0x7D;
	[tilespmem:s8+$0x30] =	vst v4;
	v63 =	vmul.f32 v59, v28;
	v62 =	vadd.f32 v61, v6;
	v5 =	vadd.f32 v9, v5  }
.Ltmp2:
0x297: {  	[tilespmem:s6+$0xFFFFFFF0] =	vst v1;
	v1 =	vadd.f32 v3, v2;
	(pc) =	sbr.rel @p0 .LBB2_2-.Ltmp2, $4  }
0x298: {  	[tilespmem:s31+$0x30] =	vst v62;
	v2 =	vadd.f32 v63, v5  }
0x299: {  	[tilespmem:s8+$0xFFFFFFF0] =	vst v1  }
0x29a: {  	s1 =	sadd.s32 $0x2710, s21;
	[tilespmem:s31+$0xFFFFFFF0] =	vst v2  }
0x29b: {  	[spmem:s2] =	stream.indirect.scatter.add.f32 [tilespmem:s30], [sflag:$0x6], $0x40, s1, s18, $0xb8;
	[tilespmem:$0x1A730] =	vst v63  }
0x29c: {  	s1 =	simm.s32 $0x5  }
0x29d: {  	_ =	swait.ge [sflag:s1], $0xA00  }
0x29e: {  	[sflag:s1] =	ssyncset.done $0x0  }
0x29f: {  	s17 =	simm.s32 $0x6;
	[sflag:s1] =	ssyncadd.s32 $0xFFFFF600  }
0x2a0: {  	_ =	swait.ge [sflag:s17], $0xA00  }
0x2a1: {  	[sflag:s17] =	ssyncset.done $0x0  }
0x2a2: {  	[sflag:s17] =	ssyncadd.s32 $0xFFFFF600  }
0x2a3: {  	[bflag:$0x0] =	sbarrier.arrive $0xFFFF  }
0x2a4: {  	s21 =	rddreg [dreg:$0x8]  }
0x2a5: {  	[hbm:s21], [sflag:s15] =	dma.local [spmem:s16], $0x1400  }
0x2a6: {  	_ =	swait.ge [sflag:s14], $0x1400  }
0x2a7: {  	s0 =	sadd.s32 $0x1, s0;
	s31 =	rddreg [dreg:$0x9]  }
0x2a8: {  	p0 =	sne.s32 s0, s31  }
.Ltmp3:
0x2a9: {  	_ = 	snop;
	(pc) =	sbr.rel @p0 .LBB2_1-.Ltmp3, $3  }
0x2aa: {  	_ =	sdelay $0x1  }
0x2ab: {  	[sflag:s14] =	ssyncset.done $0x0  }
0x2ac: {  	[sflag:s14] =	ssyncadd.s32 $0xFFFFEC00  }
0x2ad: {  	_ =	sfence.sel $0x180000  }
0x2ae: {  	[bflag:$0x0] =	sbarrier.arrive $0xFFFF  }
0x2af: {  	_ =	strace $0x9000004D  }
0x2b0: {  	s0 =	stileid.u32;
	[bflag:$0x2] =	sbarrier.arrive $0xFFFF  }
0x2b1: {  	p0 =	sne.s32 s0, $0x0;
	s0 =	rddreg [dreg:$0x2]  }
0x2b2: {  	s0 =	sadd.s32 @!p0 $0x100000, s0  }
0x2b3: {  	[sflag:s0] =	ssyncadd.tile.s32 @!p0 $0x1;
	_ =	shalt  }
.Lfunc_end2:
_tile_overlayer_lowered:
.L_overlay_start_2:
0x2b4: {  	(tag) =	ssettag $0x2  }
0x2b5: {  	s0 =	rddreg [dreg:$0x0];
	s2 =	stileid.u32  }
0x2b6: {  	s1 =	rddreg [dreg:$0x1];
	p0 =	sne.s32 s2, $0x0  }
0x2b7: {  	s3 =	rddreg [dreg:$0x2];
	[bflag:$0x3] =	sbarrier.arrive $0xFFFF;
	s2 =	simm.s32 @!p0 $0x1C07  }
0x2b8: {  	[timem:s3], [sflag:s2] =	dma.local @!p0 [hbm:s0], s1  }
0x2b9: {  	s0 =	simm.s32 @!p0 $0x7  }
0x2ba: {  	_ =	swait.ge @!p0 [sflag:s0], s1  }
0x2bb: {  	s1 =	ssub.s32 @!p0 $0x0, s1;
	[sflag:s0] =	ssyncset.done @!p0 $0x0  }
0x2bc: {  	[sflag:s0] =	ssyncadd.s32 @!p0 s1  }
0x2bd: {  	[bflag:$0x3] =	sbarrier.arrive $0xFFFF  }
0x2be: {  	_ =	shalt  }

// kernel: kernel.5.cloned.1.call-start
scs
__scs_entry_jumppad:
0x0: {  	(pc) =	sbr.rel $0x88, $3  }
0x1: {  	(tag) =	ssettag $0x0;
	lr =	simm.s32 $0x1  }
0x2: {  	[smem:$0x3F81] =	sst lr;
	_ =	strace $0xD0000000  }
0x3: {  	_ = 	snop  }
0x4: {  	_ = 	snop  }
0x5: {  	_ = 	snop  }
0x6: {  	_ = 	snop  }
0x7: {  	_ = 	snop  }
__scs_overlays_trampoline_lowered:
0x8: {  	[smem:$0x3F90] =	sst s0  }
0x9: {  	[smem:$0x3F91] =	sst s1  }
0xa: {  	[smem:$0x3F92] =	sst s2  }
0xb: {  	[smem:$0x3F93] =	sst s3  }
0xc: {  	[smem:$0x3F94] =	sst s4  }
0xd: {  	[smem:$0x3F95] =	sst s5  }
0xe: {  	[smem:$0x3F96] =	sst s6  }
0xf: {  	[smem:$0x3F97] =	sst s7  }
0x10: {  	[smem:$0x3F98] =	sst s8  }
0x11: {  	[smem:$0x3F99] =	sst s9;
	s0 =	simm.s32 @!p0 $0x0  }
0x12: {  	s1 =	sld [smem:$0x3F7F];
	s0 =	simm.s32 @p0 $0x1  }
0x13: {  	[smem:$0x3F9A] =	sst s0;
	s0 =	simm.s32 @!p1 $0x0  }
0x14: {  	s2 =	sld [smem:$0x3F7E];
	s0 =	simm.s32 @p1 $0x1  }
0x15: {  	[smem:$0x3F9B] =	sst s0;
	s0 =	simm.s32 @!p2 $0x0  }
0x16: {  	s3 =	sld [smem:$0x3FDB];
	s0 =	simm.s32 @p2 $0x1  }
0x17: {  	s4 =	simm.s32 $0x1BF5;
	[smem:$0x3F9D] =	sst s0  }
0x18: {  	s0 =	sld [smem:$0x3F80];
	_ =	swait.ge [sflag:s4], $0x0  }
0x19: {  	s7 =	sld [smem:$0x3F81]  }
0x1a: {  	s8 =	sadd.s32 $0xFFFFE003, lr  }
0x1b: {  	s9 =	sadd.s32 $0xFFFFFEF7, lr;
	s5 =	simm.s32 $0xFFFFFFFF;
	p2 =	slt.u32 s8, $0xFFFFF086  }
0x1c: {  	p1 =	slt.u32 s9, $0xF7A;
	s5 =	simm.s32 @!p2 $0x0  }
0x1d: {  	s5 =	simm.s32 @p1 $0x1;
	p0 =	seq.s32 s7, s2  }
0x1e: {  	s7 =	smul.u32 @!p0 $0xF7A, s2;
	p2 =	seq.s32 @!p0 s5, $0x0  }
0x1f: {  	s9 =	smul.u32 $0xF7A, s1;
	s8 =	simm.s32 @!p0 $0x1BF5;
	p2 =	por !p2, p0  }
0x20: {  	[sflag:s8] =	ssyncset.s32 @!p0 $0xFFFFF086;
	s6 =	sadd.s32 @!p0 s3, s7;
	s7 =	simm.s32 @!p0 $0x108  }
0x21: {  	s3 =	sadd.s32 s3, s9;
	s6 =	sadd.s32 @!p0 $0x88, s6;
	s7 =	simm.s32 @p2 $0x1082  }
0x22: {  	[simem:s7], [sflag:s8] =	dma.local @!p0 [hbm:s6], $0xF7A  }
0x23: {  	s9 =	sor.u32 $0xD0000000, s2;
	s6 =	simm.s32 $0x108;
	_ =	swait.ge @!p0 [sflag:s8], $0x0  }
0x24: {  	s3 =	sadd.s32 $0x88, s3;
	s6 =	simm.s32 @!p1 $0x1082;
	[sflag:s4] =	ssyncset.s32 $0xFFFFF086  }
0x25: {  	[simem:s6], [sflag:s4] =	dma.local [hbm:s3], $0xF7A  }
0x26: {  	[smem:$0x3F81] =	sst s1;
	(tag) =	ssettag s2;
	_ =	strace s9  }
0x27: {  	s1 =	sld [smem:$0x3F91]  }
0x28: {  	s2 =	sld [smem:$0x3F92]  }
0x29: {  	s4 =	sld [smem:$0x3F94]  }
0x2a: {  	p0 =	seq.s32 s5, $0x0;
	s5 =	sld [smem:$0x3F95]  }
0x2b: {  	s6 =	sld [smem:$0x3F96]  }
0x2c: {  	s7 =	sld [smem:$0x3F97]  }
0x2d: {  	s3 =	simm.s32 $0x108;
	s8 =	sld [smem:$0x3F98]  }
0x2e: {  	s3 =	simm.s32 @!p0 $0x1082;
	s9 =	sld [smem:$0x3F99]  }
0x2f: {  	lr =	sadd.s32 s0, s3;
	s0 =	sld [smem:$0x3F90]  }
0x30: {  	s3 =	sld [smem:$0x3F93]  }
0x31: {  	[smem:$0x3F9C] =	sst s10  }
0x32: {  	s10 =	sld [smem:$0x3F9A];
	_ =	sdelay $0x3  }
0x33: {  	p0 =	seq.s32 s10, $0x1;
	s10 =	sld [smem:$0x3F9C];
	_ =	sdelay $0x3  }
0x34: {  	[smem:$0x3F9C] =	sst s10  }
0x35: {  	s10 =	sld [smem:$0x3F9B];
	_ =	sdelay $0x3  }
0x36: {  	p1 =	seq.s32 s10, $0x1;
	s10 =	sld [smem:$0x3F9C];
	_ =	sdelay $0x3  }
0x37: {  	[smem:$0x3F9C] =	sst s10  }
0x38: {  	s10 =	sld [smem:$0x3F9D]  }
0x39: {  	_ = 	snop;
	(pc) =	sbr.ind lr, $3  }
0x3a: {  	_ = 	snop  }
0x3b: {  	_ = 	snop  }
0x3c: {  	p2 =	seq.s32 s10, $0x1;
	s10 =	sld [smem:$0x3F9C]  }
0x3d: {  	_ =	shalt  }
0x3e: {  	_ =	shalt  }
0x3f: {  	_ =	shalt  }
0x40: {  	_ =	shalt  }
0x41: {  	_ =	shalt  }
0x42: {  	_ =	shalt  }
0x43: {  	_ =	shalt  }
0x44: {  	_ =	shalt  }
0x45: {  	_ =	shalt  }
0x46: {  	_ =	shalt  }
0x47: {  	_ =	shalt  }
0x48: {  	_ =	shalt  }
0x49: {  	_ =	shalt  }
0x4a: {  	_ =	shalt  }
0x4b: {  	_ =	shalt  }
0x4c: {  	_ =	shalt  }
0x4d: {  	_ =	shalt  }
0x4e: {  	_ =	shalt  }
0x4f: {  	_ =	shalt  }
0x50: {  	_ =	shalt  }
0x51: {  	_ =	shalt  }
0x52: {  	_ =	shalt  }
0x53: {  	_ =	shalt  }
0x54: {  	_ =	shalt  }
0x55: {  	_ =	shalt  }
0x56: {  	_ =	shalt  }
0x57: {  	_ =	shalt  }
0x58: {  	_ =	shalt  }
0x59: {  	_ =	shalt  }
0x5a: {  	_ =	shalt  }
0x5b: {  	_ =	shalt  }
0x5c: {  	_ =	shalt  }
0x5d: {  	_ =	shalt  }
0x5e: {  	_ =	shalt  }
0x5f: {  	_ =	shalt  }
0x60: {  	_ =	shalt  }
0x61: {  	_ =	shalt  }
0x62: {  	_ =	shalt  }
0x63: {  	_ =	shalt  }
0x64: {  	_ =	shalt  }
0x65: {  	_ =	shalt  }
0x66: {  	_ =	shalt  }
0x67: {  	_ =	shalt  }
0x68: {  	_ =	shalt  }
0x69: {  	_ =	shalt  }
0x6a: {  	_ =	shalt  }
0x6b: {  	_ =	shalt  }
0x6c: {  	_ =	shalt  }
0x6d: {  	_ =	shalt  }
0x6e: {  	_ =	shalt  }
0x6f: {  	_ =	shalt  }
0x70: {  	_ =	shalt  }
0x71: {  	_ =	shalt  }
0x72: {  	_ =	shalt  }
0x73: {  	_ =	shalt  }
0x74: {  	_ =	shalt  }
0x75: {  	_ =	shalt  }
0x76: {  	_ =	shalt  }
0x77: {  	_ =	shalt  }
0x78: {  	_ =	shalt  }
0x79: {  	_ =	shalt  }
0x7a: {  	_ =	shalt  }
0x7b: {  	_ =	shalt  }
0x7c: {  	_ =	shalt  }
0x7d: {  	_ =	shalt  }
0x7e: {  	_ =	shalt  }
0x7f: {  	_ =	shalt  }
0x80: {  	_ =	shalt  }
0x81: {  	_ =	shalt  }
0x82: {  	_ =	shalt  }
0x83: {  	_ =	shalt  }
0x84: {  	_ =	shalt  }
0x85: {  	_ =	shalt  }
0x86: {  	_ =	shalt  }
0x87: {  	_ =	shalt  }
.Lfunc_end0:
.L_simem_size_0:
called_computation.2_lowered:
.L_overlay_start_0:
0x88: {  	s2 =	sld [smem:$0x3FD9]  }
0x89: {  	s3 =	sld [smem:$0x3FFE];
	_ =	sdelay $0x1  }
0x8a: {  	s1 =	srdreg.scid  }
0x8b: {  	s0 =	sand.u32 $0x1, s1  }
0x8c: {  	s16 =	sshll.u32 s0, $0xA;
	s2 =	sadd.s32 s3, s2  }
0x8d: {  	s2 =	sadd.s32 s2, s16  }
0x8e: {  	[smem:$0x3FA8] =	sst s2  }
0x8f: {  	_ = 	snop  }
0x90: {  	(tm) =	ssettm $0x1  }
0x91: {  	s17 =	sld [smem:$0x3FFB];
	_ =	sdelay $0x3  }
0x92: {  	_ =	strace s17  }
0x93: {  	s2 =	sld [smem:$0x3FFC];
	_ =	sdelay $0x3  }
0x94: {  	_ =	strace s2  }
0x95: {  	s2 =	sld [smem:$0x3FFD];
	_ =	sdelay $0x3  }
0x96: {  	_ =	strace s2  }
0x97: {  	_ =	strace $0x8FFFFFFF  }
0x98: {  	s18 =	sld [smem:$0x3FDB];
	_ =	sdelay $0x1  }
0x99: {  	s19 =	simm.s32 $_scs_section_size  }
0x9a: {  	s4 =	simm.s32 $_size__tile_overlayer_lowered;
	s5 =	simm.s32 $_tile_overlayer_lowered  }
0x9b: {  	s22 =	simm.s32 $0x1BFF;
	s21 =	sshll.u32 s5, $0x1;
	s2 =	sadd.s32 s19, s18  }
0x9c: {  	s6 =	simm.s32 $0x0;
	s20 =	sshll.u32 s4, $0x1;
	s4 =	sadd.s32 s21, s2  }
0x9d: {  	[timem:s6], [sflag:s22] =	dma.local [hbm:s4], s20  }
0x9e: {  	_ =	swait.ge [sflag:s22], s20  }
0x9f: {  	s3 =	ssub.s32 $0x0, s20;
	[sflag:s22] =	ssyncset.done $0x0  }
0xa0: {  	[sflag:s22] =	ssyncadd.s32 s3;
	_ =	sdelay $0x1  }
0xa1: {  	s23 =	simm.s32 $0x1B8B  }
0xa2: {  	_ =	swait.ge [sflag:s23], $0x1  }
0xa3: {  	[sflag:s23] =	ssyncset.done $0x0  }
0xa4: {  	s25 =	simm.s32 $0x1B8E;
	s24 =	sld [smem:$0x3FFE];
	[sflag:s23] =	ssyncadd.s32 $0xFFFFFFFF  }
0xa5: {  	s26 =	simm.s32 $execute0_lowered;
	[smem:$0x3FD2] =	sst s25  }
0xa6: {  	s4 =	sshll.u32 s26, $0x1;
	_ =	strace $0x80000046;
	[dreg:$0x1] =	wrdreg $0xFFFFFFFF  }
0xa7: {  	s28 =	simm.s32 $_size_execute0_lowered;
	s2 =	sadd.s32 s2, s4;
	[dreg:$0x0] =	wrdreg $0x0  }
0xa8: {  	s4 =	sshll.u32 s28, $0x1;
	[dreg:$0x2] =	wrdreg s2  }
0xa9: {  	[dreg:$0x3] =	wrdreg s4  }
0xaa: {  	[dreg:$0x4] =	wrdreg $0xC0  }
0xab: {  	_ =	task [dreg:s6], $0x5FFFF  }
0xac: {  	[dreg:$0x1] =	wrdreg $0xFFFFFFFF  }
0xad: {  	[dreg:$0x0] =	wrdreg $0x60  }
0xae: {  	[dreg:$0x2] =	wrdreg s24  }
0xaf: {  	[dreg:$0x3] =	wrdreg $0x138D00  }
0xb0: {  	[dreg:$0x4] =	wrdreg $0x9  }
0xb1: {  	_ =	task.clear_ibuf [dreg:s6], $0x5FFFF;
	_ =	strace $0x90000046  }
0xb2: {  	s29 =	simm.s32 $0x9;
	_ =	strace $0x80000048  }
0xb3: {  	_ =	swait.ge [sflag:s29], $0x1  }
0xb4: {  	[sflag:s29] =	ssyncadd.s32 $0xFFFFFFFF  }
0xb5: {  	_ =	strace $0x90000048  }
0xb6: {  	_ =	sfence  }
0xb7: {  	s30 =	sld [smem:$0x0];
	_ =	sdelay $0x2  }
0xb8: {  	s31 =	sshll.u32 s1, $0xD;
	s1 =	sshrl.u32 s1, $0x2  }
0xb9: {  	s3 =	sand.u32 $0x4000, s31;
	s1 =	sadd.s32 s1, s30  }
0xba: {  	s0 =	sor.u32 s3, s0;
	s1 =	sshll.u32 s1, $0x11  }
0xbb: {  	s0 =	sor.u32 s1, s0  }
0xbc: {  	s0 =	sadd.s32 $0x8F2B, s0  }
0xbd: {  	[sflag:s0] =	ssyncadd.remote.s32 $0x1  }
0xbe: {  	_ =	sfence.sel $0xFFFF  }
0xbf: {  	[dreg:$0x0] =	wrdreg $0xFFFFFFFF;
	(pc) =	sbr.abs _section_cstart, $3  }
0xc0: {  	[dreg:$0x1] =	wrdreg $0xFFFFFFFF  }
0xc1: {  	_ =	task.clear_ibuf [dreg:s6], $0x2FFFF;
	_ =	strace $0x9FFFFFFF  }
0xc2: {  	(tm) =	ssettm $0x7FFFFFFF  }
0xc3: {  	_ =	shalt  }
tec
execute0_lowered:
.L_overlay_start_1:
0x0: {  	(tag) =	ssettag $0x1  }
0x1: {  	s0 =	srdreg.scid;
	s7 =	rddreg [dreg:$0x0]  }
0x2: {  	s2 =	rddreg [dreg:$0x1];
	s3 =	simm.s32 $0x0;
	s14 =	simm.s32 $0x7530  }
0x3: {  	s15 =	simm.s32 $0x9C40;
	s16 =	simm.s32 $0x2710;
	s17 =	simm.s32 $0x2800  }
0x4: {  	s18 =	simm.s32 $0xC350;
	s19 =	simm.s32 $0x50;
	s20 =	simm.s32 $0x13880  }
0x5: {  	s21 =	simm.s32 $0x1;
	s6 =	sand.u32 $0x1, s0;
	s0 =	stileid.u32  }
0x6: {  	s22 =	simm.s32 $0x0;
	[smem:$0x7FF] =	sst s3;
	s9 =	smul.u32 $0x280, s0  }
0x7: {  	s4 =	sadd.s32 $0x1AC00, s7;
	s1 =	sshll.u32 s6, $0x4;
	s10 =	smul.u32 $0x2800, s6  }
0x8: {  	s6 =	ssub.s32 $0x2, s6;
	s31 =	sshll.u32 s0, $0x6;
	s5 =	sor.u32 s0, s1  }
0x9: {  	s1 =	rddreg [dreg:$0x2];
	_ =	strace $0x80000047;
	s8 =	smul.u32 $0x4E2, s5  }
0xa: {  	s12 =	sshrl.u32 s6, $0x1;
	s11 =	smul.u32 $0xF00, s5;
	s5 =	sadd.s32 $0x1BC00, s7  }
0xb: {  	s10 =	sadd.s32 s9, s10;
	s12 =	ssub.s32 s6, s12;
	s13 =	sadd.s32 s9, s2  }
0xc: {  	s6 =	sor.u32 $0x1C02, s31;
	s10 =	sshrl.u32 s10, $0x3;
	s8 =	sadd.s32 s8, s7  }
0xd: {  	s11 =	sadd.s32 s11, s7;
	s10 =	sadd.s32 s10, s7;
	s7 =	sadd.s32 $0x10E00, s8  }
0xe: {  	s8 =	sadd.s32 $0x7000, s8;
	s9 =	sadd.s32 $0x1BE00, s11;
	s10 =	sadd.s32 $0x39E00, s10  }
0xf: {  	v0 =	vimm.f32 $1.000000000e+00;
	s11 =	smax.u32 s12, $0x1;
	s12 =	sshrl.u32 s13, $0x3;
	s13 =	simm.s32 $0x2  }
.LBB2_1:
0x10: {  	[spmem:s12], [sflag:s6] =	dma.local [hbm:s5], $0x50  }
0x11: {  	_ =	swait.ge [sflag:s13], $0x50  }
0x12: {  	[sflag:s13] =	ssyncset.done $0x0  }
0x13: {  	[sflag:s13] =	ssyncadd.s32 $0xFFFFFFB0  }
0x14: {  	[tilespmem:s14], [sflag:$0x2] =	stream.linear.gather [hbm4b:s7+s3], $0x2710, $0x38;
	[tilespmem:$0x13B50] =	vst v63  }
0x15: {  	_ =	swait.ge [sflag:s13], $0x2710  }
0x16: {  	[sflag:s13] =	ssyncset.done $0x0  }
0x17: {  	[sflag:s13] =	ssyncadd.s32 $0xFFFFD8F0  }
0x18: {  	[tilespmem:s15], [sflag:$0x2] =	stream.linear.gather [hbm4b:s8+s3], $0x2710, $0x38;
	[tilespmem:$0x13B50] =	vst v63  }
0x19: {  	_ =	swait.ge [sflag:s13], $0x2710  }
0x1a: {  	[sflag:s13] =	ssyncset.done $0x0  }
0x1b: {  	[sflag:s13] =	ssyncadd.s32 $0xFFFFD8F0  }
0x1c: {  	[tilespmem:s3], [sflag:$0x2] =	stream.linear.gather [hbm4b:s4+s3], $0x7530, $0x38;
	[tilespmem:$0x13B50] =	vst v63  }
0x1d: {  	s23 =	smul.u32 $0xCCCD, s3;
	_ =	swait.ge [sflag:s13], $0x7530  }
0x1e: {  	[sflag:s13] =	ssyncset.done $0x0  }
0x1f: {  	s23 =	sshrl.u32 s23, $0x12;
	[sflag:s13] =	ssyncadd.s32 $0xFFFF8AD0  }
0x20: {  	s24 =	smul.u32 $0x5, s23;
	[tilespmem:$0x13880] =	vst v0  }
0x21: {  	[tilespmem:$0x13890] =	vst v0  }
0x22: {  	s23 =	smul.u32 $0x50, s23;
	s24 =	ssub.s32 $0x0, s24;
	[tilespmem:$0x138A0] =	vst v0  }
0x23: {  	s24 =	sshll.u32 s24, $0x4;
	[tilespmem:$0x138B0] =	vst v0  }
0x24: {  	s23 =	sadd.s32 s24, s23;
	[tilespmem:$0x138C0] =	vst v0  }
0x25: {  	s23 =	sand.u32 $0xFFF0, s23;
	[bflag:$0x0] =	sbarrier.arrive $0xFFFF  }
0x26: {  	v1 =	vld [tilespmem:s23+$0x7530]  }
0x27: {  	v2 =	vld [tilespmem:s23+$0x9C40];
	_ =	sdelay $0x3  }
0x28: {  	v1 =	vmul.u32 $0x3, v1  }
0x29: {  	v2 =	vmul.u32 $0x3, v2;
	_ =	sdelay $0x4  }
0x2a: {  	v3 =	vld.idx.msk [tilespmem:v1+s3+$0x0], $0xffff  }
0x2b: {  	v4 =	vld.idx.msk [tilespmem:v2+s3+$0x0], $0xffff;
	_ =	sdelay $0x2  }
0x2c: {  	v5 =	vadd.s32 $0x1, v1  }
0x2d: {  	v6 =	vadd.s32 $0x1, v2  }
0x2e: {  	v3 =	vsub.f32 v4, v3;
	_ =	sdelay $0x1  }
0x2f: {  	[tilespmem:s18+$0x0] =	vst v3  }
0x30: {  	v3 =	vld.idx.msk [tilespmem:v5+s3+$0x0], $0xffff  }
0x31: {  	v63 =	vld.idx.msk [tilespmem:v6+s3+$0x0], $0xffff;
	_ =	sdelay $0x2  }
0x32: {  	v1 =	vadd.s32 $0x2, v1  }
0x33: {  	v2 =	vadd.s32 $0x2, v2  }
0x34: {  	v3 =	vsub.f32 v63, v3  }
0x35: {  	s24 =	simm.s32 $0x1  }
0x36: {  	s31 =	smul.u32 $0xCCCD, s24;
	[tilespmem:s18+$0x2710] =	vst v3  }
0x37: {  	v1 =	vld.idx.msk [tilespmem:v1+s3+$0x0], $0xffff  }
0x38: {  	s23 =	sshrl.u32 s31, $0x12;
	v2 =	vld.idx.msk [tilespmem:v2+s3+$0x0], $0xffff  }
0x39: {  	s29 =	simm.s32 $0x2;
	s30 =	smul.u32 $0x5, s23  }
0x3a: {  	s25 =	simm.s32 $0xC350;
	s28 =	smul.u32 $0x50, s23;
	s23 =	simm.s32 $0xC350  }
.LBB2_2:
0x3b: {  	s30 =	ssub.s32 s24, s30  }
0x3c: {  	s23 =	sadd.s32 $0x10, s23;
	s24 =	smov.u32 s29;
	s26 =	sadd.s32 $0x1, s29  }
0x3d: {  	p0 =	sne.s32 s29, $0x270;
	v1 =	vsub.f32 v2, v1;
	s29 =	sshll.u32 s30, $0x4  }
0x3e: {  	s28 =	sadd.s32 s29, s28  }
0x3f: {  	s28 =	sand.u32 $0xFFF0, s28;
	[tilespmem:s25+$0x4E20] =	vst v1;
	s25 =	smov.u32 s23  }
0x40: {  	v1 =	vld [tilespmem:s28+$0x7530]  }
0x41: {  	v2 =	vld [tilespmem:s28+$0x9C40];
	_ =	sdelay $0x3  }
0x42: {  	v1 =	vmul.u32 $0x3, v1  }
0x43: {  	v2 =	vmul.u32 $0x3, v2;
	_ =	sdelay $0x4  }
0x44: {  	v3 =	vld.idx.msk [tilespmem:v1+s3+$0x0], $0xffff  }
0x45: {  	v4 =	vld.idx.msk [tilespmem:v2+s3+$0x0], $0xffff;
	_ =	sdelay $0x3  }
0x46: {  	v5 =	vadd.s32 $0x1, v1;
	v6 =	vadd.s32 $0x1, v2;
	_ =	sdelay $0x1  }
0x47: {  	v3 =	vsub.f32 v4, v3;
	_ =	sdelay $0x1  }
0x48: {  	[tilespmem:s23+$0x0] =	vst v3  }
0x49: {  	v3 =	vld.idx.msk [tilespmem:v5+s3+$0x0], $0xffff  }
0x4a: {  	v4 =	vld.idx.msk [tilespmem:v6+s3+$0x0], $0xffff;
	_ =	sdelay $0x3  }
0x4b: {  	v1 =	vadd.s32 $0x2, v1;
	v2 =	vadd.s32 $0x2, v2;
	_ =	sdelay $0x1  }
0x4c: {  	v3 =	vsub.f32 v4, v3;
	_ =	sdelay $0x1  }
0x4d: {  	[tilespmem:s23+$0x2710] =	vst v3  }
0x4e: {  	s28 =	smul.u32 $0xCCCD, s24;
	v1 =	vld.idx.msk [tilespmem:v1+s3+$0x0], $0xffff  }
.Ltmp0:
0x4f: {  	v2 =	vld.idx.msk [tilespmem:v2+s3+$0x0], $0xffff;
	(pc) =	sbr.rel @p0 .LBB2_2-.Ltmp0, $4  }
0x50: {  	_ = 	snop  }
0x51: {  	s28 =	sshrl.u32 s28, $0x12  }
0x52: {  	s30 =	smul.u32 $0x5, s28  }
0x53: {  	s29 =	smov.u32 s26;
	s28 =	smul.u32 $0x50, s28  }
0x54: {  	s24 =	ssub.s32 s24, s30  }
0x55: {  	v1 =	vsub.f32 v2, v1;
	s24 =	sshll.u32 s24, $0x4  }
0x56: {  	s24 =	sadd.s32 s24, s28  }
0x57: {  	[tilespmem:s25+$0x4E20] =	vst v1;
	s24 =	sand.u32 $0xFFF0, s24  }
0x58: {  	v1 =	vld [tilespmem:s24+$0x7530]  }
0x59: {  	v2 =	vld [tilespmem:s24+$0x9C40];
	_ =	sdelay $0x3  }
0x5a: {  	v1 =	vmul.u32 $0x3, v1  }
0x5b: {  	v2 =	vmul.u32 $0x3, v2;
	_ =	sdelay $0x4  }
0x5c: {  	v3 =	vld.idx.msk [tilespmem:v1+s3+$0x0], $0xffff  }
0x5d: {  	v4 =	vld.idx.msk [tilespmem:v2+s3+$0x0], $0xffff;
	_ =	sdelay $0x2  }
0x5e: {  	v5 =	vadd.s32 $0x1, v1  }
0x5f: {  	v6 =	vadd.s32 $0x1, v2  }
0x60: {  	v3 =	vsub.f32 v4, v3  }
0x61: {  	s23 =	sadd.s32 $0x10, s23  }
0x62: {  	[tilespmem:s23+$0x0] =	vst v3  }
0x63: {  	v3 =	vld.idx.msk [tilespmem:v5+s3+$0x0], $0xffff  }
0x64: {  	v63 =	vld.idx.msk [tilespmem:v6+s3+$0x0], $0xffff;
	_ =	sdelay $0x2  }
0x65: {  	v1 =	vadd.s32 $0x2, v1  }
0x66: {  	v2 =	vadd.s32 $0x2, v2  }
0x67: {  	v3 =	vsub.f32 v63, v3;
	_ =	sdelay $0x1  }
0x68: {  	[tilespmem:s23+$0x2710] =	vst v3  }
0x69: {  	v1 =	vld.idx.msk [tilespmem:v1+s3+$0x0], $0xffff  }
0x6a: {  	v2 =	vld.idx.msk [tilespmem:v2+s3+$0x0], $0xffff;
	_ =	sdelay $0x4  }
0x6b: {  	v1 =	vsub.f32 v2, v1;
	_ =	sdelay $0x1  }
0x6c: {  	[tilespmem:s23+$0x4E20] =	vst v1  }
0x6d: {  	[hbm4b:s9+s16] =	stream.strided.scatter [tilespmem:s18], [sflag:$0x2], $0x7530, s17, s16, $0x38;
	[tilespmem:$0x13B50] =	vst v63  }
0x6e: {  	_ =	swait.ge [sflag:s13], $0x7530  }
0x6f: {  	p0 =	por $0x1, $0x1;
	[sflag:s13] =	ssyncset.done $0x0  }
0x70: {  	s25 =	simm.s32 @!p0 $0x1;
	s23 =	simm.s32 $0x9C40;
	[sflag:s13] =	ssyncadd.s32 $0xFFFF8AD0  }
0x71: {  	[spmem:s2] =	stream.indirect.scatter.add.f32 [tilespmem:s20], [sflag:$0x1], $0x1, s23, s19, $0xb8;
	[tilespmem:$0x13B50] =	vst v63  }
0x72: {  	_ =	swait.ge @!p0 [sflag:s25], $0x50  }
0x73: {  	s24 =	simm.s32 $0x1;
	[sflag:s25] =	ssyncset.done @!p0 $0x0  }
.LBB2_4:
0x74: {  	[sflag:s25] =	ssyncadd.s32 @!p0 $0xFFFFFFB0  }
0x75: {  	s23 =	sadd.s32 $0x50, s23;
	s25 =	smov.u32 s24;
	s24 =	sadd.s32 $0x1, s24  }
0x76: {  	p1 =	sne.s32 s24, $0x7D  }
0x77: {  	[spmem:s2] =	stream.indirect.scatter.add.f32 [tilespmem:s20], [sflag:$0x1], $0x1, s23, s19, $0xb8;
	[tilespmem:$0x13B50] =	vst v63  }
.Ltmp1:
0x78: {  	_ = 	snop;
	(pc) =	sbr.rel @p1 .LBB2_4-.Ltmp1, $4  }
0x79: {  	p0 =	slt.u32 s25, $0x8  }
0x7a: {  	s25 =	simm.s32 @!p0 $0x1  }
0x7b: {  	_ =	swait.ge @!p0 [sflag:s25], $0x50  }
0x7c: {  	[sflag:s25] =	ssyncset.done @!p0 $0x0  }
0x7d: {  	[sflag:s25] =	ssyncadd.s32 @!p0 $0xFFFFFFB0  }
0x7e: {  	_ =	swait.ge [sflag:s21], $0x50  }
0x7f: {  	[sflag:s21] =	ssyncset.done $0x0  }
0x80: {  	[sflag:s21] =	ssyncadd.s32 $0xFFFFFFB0  }
0x81: {  	_ =	swait.ge [sflag:s21], $0x50  }
0x82: {  	[sflag:s21] =	ssyncset.done $0x0  }
0x83: {  	[sflag:s21] =	ssyncadd.s32 $0xFFFFFFB0  }
0x84: {  	_ =	swait.ge [sflag:s21], $0x50  }
0x85: {  	[sflag:s21] =	ssyncset.done $0x0  }
0x86: {  	[sflag:s21] =	ssyncadd.s32 $0xFFFFFFB0  }
0x87: {  	_ =	swait.ge [sflag:s21], $0x50  }
0x88: {  	[sflag:s21] =	ssyncset.done $0x0  }
0x89: {  	[sflag:s21] =	ssyncadd.s32 $0xFFFFFFB0  }
0x8a: {  	_ =	swait.ge [sflag:s21], $0x50  }
0x8b: {  	[sflag:s21] =	ssyncset.done $0x0  }
0x8c: {  	[sflag:s21] =	ssyncadd.s32 $0xFFFFFFB0  }
0x8d: {  	_ =	swait.ge [sflag:s21], $0x50  }
0x8e: {  	[sflag:s21] =	ssyncset.done $0x0  }
0x8f: {  	[sflag:s21] =	ssyncadd.s32 $0xFFFFFFB0  }
0x90: {  	_ =	swait.ge [sflag:s21], $0x50  }
0x91: {  	[sflag:s21] =	ssyncset.done $0x0  }
0x92: {  	[sflag:s21] =	ssyncadd.s32 $0xFFFFFFB0  }
0x93: {  	_ =	swait.ge [sflag:s21], $0x50  }
0x94: {  	s22 =	sadd.s32 $0x1, s22;
	[sflag:s21] =	ssyncset.done $0x0  }
0x95: {  	p0 =	sne.s32 s22, s11;
	[sflag:s21] =	ssyncadd.s32 $0xFFFFFFB0  }
.Ltmp2:
0x96: {  	[bflag:$0x0] =	sbarrier.arrive $0xFFFF;
	(pc) =	sbr.rel @p0 .LBB2_1-.Ltmp2, $4  }
0x97: {  	[hbm:s10], [sflag:s6] =	dma.local [spmem:s12], $0x50  }
0x98: {  	_ =	swait.ge [sflag:s13], $0x50  }
0x99: {  	[sflag:s13] =	ssyncset.done $0x0  }
0x9a: {  	[sflag:s13] =	ssyncadd.s32 $0xFFFFFFB0  }
0x9b: {  	_ =	sfence.sel $0x180000  }
0x9c: {  	[bflag:$0x0] =	sbarrier.arrive $0xFFFF  }
0x9d: {  	p0 =	sne.s32 s0, $0x0;
	_ =	strace $0x90000047  }
0x9e: {  	s0 =	sadd.s32 @!p0 $0x100000, s1;
	[bflag:$0x2] =	sbarrier.arrive $0xFFFF  }
0x9f: {  	[sflag:s0] =	ssyncadd.tile.s32 @!p0 $0x1;
	_ =	shalt  }
.Lfunc_end2:
_tile_overlayer_lowered:
.L_overlay_start_2:
0xa0: {  	(tag) =	ssettag $0x2  }
0xa1: {  	s0 =	rddreg [dreg:$0x0];
	s2 =	stileid.u32  }
0xa2: {  	s1 =	rddreg [dreg:$0x1];
	p0 =	sne.s32 s2, $0x0  }
0xa3: {  	s3 =	rddreg [dreg:$0x2];
	[bflag:$0x3] =	sbarrier.arrive $0xFFFF;
	s2 =	simm.s32 @!p0 $0x1C02  }
0xa4: {  	[timem:s3], [sflag:s2] =	dma.local @!p0 [hbm:s0], s1  }
0xa5: {  	s0 =	simm.s32 @!p0 $0x2  }
0xa6: {  	_ =	swait.ge @!p0 [sflag:s0], s1  }
0xa7: {  	s1 =	ssub.s32 @!p0 $0x0, s1;
	[sflag:s0] =	ssyncset.done @!p0 $0x0  }
0xa8: {  	[sflag:s0] =	ssyncadd.s32 @!p0 s1  }
0xa9: {  	[bflag:$0x3] =	sbarrier.arrive $0xFFFF  }
0xaa: {  	_ =	shalt  }

// kernel: sparse-core-data-format-call.cloned.1.call-start
scs
called_computation_lowered:
.L_overlay_start_0:
0x0: {  	s1 =	sld [smem:$0x3FD9]  }
0x1: {  	s2 =	sld [smem:$0x3FFE];
	_ =	sdelay $0x1  }
0x2: {  	s3 =	srdreg.scid  }
0x3: {  	s0 =	sand.u32 $0x1, s3  }
0x4: {  	s17 =	sshll.u32 s0, $0xA;
	s1 =	sadd.s32 s2, s1  }
0x5: {  	s1 =	sadd.s32 s1, s17  }
0x6: {  	[smem:$0x3FA8] =	sst s1  }
0x7: {  	_ = 	snop  }
0x8: {  	(tm) =	ssettm $0x1  }
0x9: {  	s18 =	sld [smem:$0x3FFB];
	_ =	sdelay $0x3  }
0xa: {  	_ =	strace s18  }
0xb: {  	s1 =	sld [smem:$0x3FFC];
	_ =	sdelay $0x3  }
0xc: {  	_ =	strace s1  }
0xd: {  	s1 =	sld [smem:$0x3FFD];
	_ =	sdelay $0x3  }
0xe: {  	_ =	strace s1  }
0xf: {  	_ =	strace $0x8FFFFFFF  }
0x10: {  	s19 =	sld [smem:$0x3FDB];
	_ =	sdelay $0x1  }
0x11: {  	s20 =	simm.s32 $_scs_section_size  }
0x12: {  	s4 =	simm.s32 $_size__tile_overlayer_lowered;
	s5 =	simm.s32 $_tile_overlayer_lowered  }
0x13: {  	s23 =	simm.s32 $0x1BFF;
	s22 =	sshll.u32 s5, $0x1;
	s1 =	sadd.s32 s20, s19  }
0x14: {  	s6 =	simm.s32 $0x0;
	s21 =	sshll.u32 s4, $0x1;
	s4 =	sadd.s32 s22, s1  }
0x15: {  	[timem:s6], [sflag:s23] =	dma.local [hbm:s4], s21  }
0x16: {  	_ =	swait.ge [sflag:s23], s21  }
0x17: {  	s2 =	ssub.s32 $0x0, s21;
	[sflag:s23] =	ssyncset.done $0x0  }
0x18: {  	[sflag:s23] =	ssyncadd.s32 s2;
	_ =	sdelay $0x1  }
0x19: {  	s24 =	simm.s32 $0x1B8B  }
0x1a: {  	_ =	swait.ge [sflag:s24], $0x1  }
0x1b: {  	[sflag:s24] =	ssyncset.done $0x0  }
0x1c: {  	s26 =	simm.s32 $0x1B8E;
	s25 =	sld [smem:$0x3FFE];
	[sflag:s24] =	ssyncadd.s32 $0xFFFFFFFF  }
0x1d: {  	s27 =	simm.s32 $execute0_lowered;
	[smem:$0x3FD2] =	sst s26  }
0x1e: {  	s4 =	sshll.u32 s27, $0x1;
	_ =	strace $0x80000049;
	[dreg:$0x1] =	wrdreg $0xFFFFFFFF  }
0x1f: {  	s28 =	simm.s32 $_size_execute0_lowered;
	s1 =	sadd.s32 s1, s4;
	[dreg:$0x0] =	wrdreg $0x0  }
0x20: {  	s4 =	sshll.u32 s28, $0x1;
	[dreg:$0x2] =	wrdreg s1  }
0x21: {  	[dreg:$0x3] =	wrdreg s4  }
0x22: {  	[dreg:$0x4] =	wrdreg $0xC0  }
0x23: {  	_ =	task [dreg:s6], $0x5FFFF  }
0x24: {  	[dreg:$0x1] =	wrdreg $0xFFFFFFFF  }
0x25: {  	[dreg:$0x0] =	wrdreg $0x60  }
0x26: {  	[dreg:$0x2] =	wrdreg s25  }
0x27: {  	[dreg:$0x3] =	wrdreg $0x9  }
0x28: {  	_ =	task.clear_ibuf [dreg:s6], $0x4FFFF;
	_ =	strace $0x90000049  }
0x29: {  	s29 =	simm.s32 $0x9;
	_ =	strace $0x8000004B  }
0x2a: {  	_ =	swait.ge [sflag:s29], $0x1  }
0x2b: {  	[sflag:s29] =	ssyncadd.s32 $0xFFFFFFFF  }
0x2c: {  	_ =	strace $0x9000004B  }
0x2d: {  	_ =	sfence  }
0x2e: {  	s30 =	sld [smem:$0x0];
	_ =	sdelay $0x2  }
0x2f: {  	s31 =	sshll.u32 s3, $0xD;
	s3 =	sshrl.u32 s3, $0x2  }
0x30: {  	s2 =	sand.u32 $0x4000, s31;
	s1 =	sadd.s32 s3, s30  }
0x31: {  	s0 =	sor.u32 s2, s0;
	s1 =	sshll.u32 s1, $0x11  }
0x32: {  	s0 =	sor.u32 s1, s0  }
0x33: {  	s0 =	sadd.s32 $0x8F2B, s0  }
0x34: {  	[sflag:s0] =	ssyncadd.remote.s32 $0x1  }
0x35: {  	_ =	sfence.sel $0xFFFF  }
0x36: {  	[dreg:$0x0] =	wrdreg $0xFFFFFFFF;
	(pc) =	sbr.abs _section_cstart, $3  }
0x37: {  	[dreg:$0x1] =	wrdreg $0xFFFFFFFF  }
0x38: {  	_ =	task.clear_ibuf [dreg:s6], $0x2FFFF;
	_ =	strace $0x9FFFFFFF  }
0x39: {  	(tm) =	ssettm $0x7FFFFFFF  }
tec
execute0_lowered:
.L_overlay_start_1:
0x0: {  	(tag) =	ssettag $0x1  }
0x1: {  	s1 =	rddreg [dreg:$0x0]  }
0x2: {  	s0 =	rddreg [dreg:$0x1]  }
0x3: {  	_ =	strace $0x8000004A;
	s4 =	srdreg.scid;
	s6 =	simm.s32 $0x2  }
0x4: {  	s11 =	simm.s32 $0x0;
	p0 =	por $0x0, $0x0;
	s7 =	simm.s32 $0x2800  }
.Ltmp0:
0x5: {  	s12 =	simm.s32 $0x0;
	s9 =	simm.s32 $0x0;
	(pc) =	sbr.rel .LBB1_1-.Ltmp0, $4  }
0x6: {  	s2 =	sadd.s32 $0x204800, s1;
	s3 =	sadd.s32 $0x484800, s1;
	s5 =	sshll.u32 s4, $0x4  }
0x7: {  	s1 =	stileid.u32;
	s4 =	simm.s32 $0x1;
	s5 =	sand.u32 $0x10, s5  }
0x8: {  	s8 =	simm.s32 $0x0;
	[sflag:s4] =	ssyncpa.u1 $0x0;
	s5 =	sor.u32 s1, s5  }
0x9: {  	[sflag:s6] =	ssyncpa.u1 $0x0;
	s6 =	simm.s32 $0x800;
	s10 =	smov.u32 s5  }
.LBB1_7:
0xa: {  	s13 =	sadd.s32 $0x10, s9  }
0xb: {  	s11 =	sadd.s32 $0x20, s10;
	s15 =	smov.u32 s10;
	p2 =	sgt.s32 s13, $0x4F  }
0xc: {  	p1 =	slt.u32 s8, $0x2;
	s15 =	smov.u32 @p2 s11  }
0xd: {  	s8 =	sadd.s32 $0x1, s8;
	s13 =	simm.s32 @p2 $0x0;
	p2 =	sgt.s32 s15, $0xFF  }
0xe: {  	s15 =	smov.u32 @p2 s5;
	p2 =	sne.s32 s8, $0x2A  }
.Ltmp1:
0xf: {  	_ = 	snop;
	(pc) =	sbr.rel @!p2 .LBB1_8-.Ltmp1, $4  }
0x10: {  	s14 =	simm.s32 @!p1 $0x2  }
0x11: {  	s12 =	smov.u32 s10;
	_ =	swait.ge @!p1 [sflag:s14], $0x4000  }
0x12: {  	p0 =	por !p0, !p0;
	s11 =	smov.u32 s9;
	[sflag:s14] =	ssyncset.done @!p1 $0x0  }
0x13: {  	s9 =	smov.u32 s13;
	[sflag:s14] =	ssyncadd.s32 @!p1 $0xFFFFC000;
	s10 =	smov.u32 s15  }
.LBB1_1:
0x14: {  	p1 =	sgt.u32 s8, $0x27  }
0x15: {  	s13 =	smul.u32 @!p1 $0x2800, s10  }
0x16: {  	s14 =	sxor.u32 @!p1 $0xFFFFFFFF, s8  }
0x17: {  	s15 =	sshll.u32 @!p1 s9, $0x7;
	s14 =	sshll.u32 @!p1 s14, $0xE;
	s13 =	sadd.s32 @!p1 s2, s13  }
0x18: {  	s14 =	sand.u32 @!p1 $0x4000, s14;
	s13 =	sadd.s32 @!p1 s15, s13;
	s15 =	simm.s32 @!p1 $0x0  }
0x19: {  	[tilespmem:s14], [sflag:$0x1] =	stream.linear.gather @!p1 [hbm4b:s13+s15], $0x4000, $0x38;
	[tilespmem:$0x10000] =	vst v63  }
0x1a: {  	p1 =	seq.s32 s8, $0x0  }
0x1b: {  	p2 =	seq.s32 @!p1 s8, $0x29  }
0x1c: {  	p1 =	por p1, p2  }
.Ltmp2:
0x1d: {  	_ = 	snop;
	(pc) =	sbr.rel @p1 .LBB1_7-.Ltmp2, $1  }
0x1e: {  	_ =	sdelay $0x3  }
0x1f: {  	s13 =	simm.s32 $0x1;
	_ =	swait.ge [sflag:s4], $0x4000;
	s16 =	sshll.u32 s8, $0xE  }
0x20: {  	s13 =	simm.s32 @!p0 $0x0;
	[sflag:s4] =	ssyncset.done $0x0;
	s31 =	sand.u32 $0x4000, s16  }
0x21: {  	s16 =	simm.s32 $0x0;
	s13 =	sshll.u32 s13, $0xE;
	[sflag:s4] =	ssyncadd.s32 $0xFFFFC000  }
0x22: {  	s14 =	sor.u32 $0x8040, s13;
	s15 =	sor.u32 $0x40, s13;
	s13 =	sor.u32 $0x8000, s31  }
.LBB1_3:
0x23: {  	v0 =	vmov s15;
	_ =	sdelay $0x3  }
0x24: {  	s18 =	simm.s32 $0x0  }
0x25: {  	v6 =	vld.idx.msk [tilespmem:v0+s18+$0x30 ss:$0x1], $0xffff  }
0x26: {  	v7 =	vld.idx.msk [tilespmem:v0+s18+$0xFFFFFFC0 ss:$0x1], $0xffff  }
0x27: {  	v5 =	vld.idx.msk [tilespmem:v0+s18+$0xFFFFFFD0 ss:$0x1], $0xffff  }
0x28: {  	v4 =	vld.idx.msk [tilespmem:v0+s18+$0xFFFFFFE0 ss:$0x1], $0xffff  }
0x29: {  	v3 =	vld.idx.msk [tilespmem:v0+s18+$0xFFFFFFF0 ss:$0x1], $0xffff  }
0x2a: {  	v1 =	vld.idx.msk [tilespmem:v0+s18+$0x0 ss:$0x1], $0xffff  }
0x2b: {  	v2 =	vld.idx.msk [tilespmem:v0+s18+$0x10 ss:$0x1], $0xffff;
	[tilespmem:s14+$0x30] =	vst v6  }
0x2c: {  	s17 =	simm.s32 $0x80;
	s19 =	simm.s32 $0x400;
	[tilespmem:s14+$0xFFFFFFC0] =	vst v7;
	v6 =	vld.idx.msk [tilespmem:v0+s18+$0x20 ss:$0x1], $0xffff;
	s18 =	smov.u32 s14  }
.LBB1_4:
0x2d: {  	p1 =	sne.s32 s19, $0xE00;
	v7 =	vld.idx.msk [tilespmem:v0+s17+$0x30 ss:$0x1], $0xffff;
	[tilespmem:s18+$0xFFFFFFD0] =	vst v5  }
0x2e: {  	v8 =	vld.idx.msk [tilespmem:v0+s17+$0xFFFFFFC0 ss:$0x1], $0xffff;
	[tilespmem:s18+$0xFFFFFFE0] =	vst v4  }
0x2f: {  	v5 =	vld.idx.msk [tilespmem:v0+s17+$0xFFFFFFD0 ss:$0x1], $0xffff;
	[tilespmem:s18+$0xFFFFFFF0] =	vst v3  }
.Ltmp3:
0x30: {  	v4 =	vld.idx.msk [tilespmem:v0+s17+$0xFFFFFFE0 ss:$0x1], $0xffff;
	[tilespmem:s18+$0x0] =	vst v1;
	(pc) =	sbr.rel @p1 .LBB1_4-.Ltmp3, $4  }
0x31: {  	v3 =	vld.idx.msk [tilespmem:v0+s17+$0xFFFFFFF0 ss:$0x1], $0xffff;
	[tilespmem:s18+$0x10] =	vst v2  }
0x32: {  	v1 =	vld.idx.msk [tilespmem:v0+s17+$0x0 ss:$0x1], $0xffff;
	[tilespmem:s18+$0x20] =	vst v6;
	s18 =	sadd.s32 $0x800, s18  }
0x33: {  	v2 =	vld.idx.msk [tilespmem:v0+s17+$0x10 ss:$0x1], $0xffff;
	[tilespmem:s18+$0x30] =	vst v7  }
0x34: {  	[tilespmem:s18+$0xFFFFFFC0] =	vst v8;
	v6 =	vld.idx.msk [tilespmem:v0+s17+$0x20 ss:$0x1], $0xffff;
	s17 =	sshra.s32 s19, $0x2;
	s19 =	sadd.s32 $0x200, s19  }
0x35: {  	_ =	sdelay $0x2  }
0x36: {  	[tilespmem:s18+$0xFFFFFFD0] =	vst v5  }
0x37: {  	v56 =	vld.idx.msk [tilespmem:v0+s17+$0x30 ss:$0x1], $0xffff;
	[tilespmem:s18+$0xFFFFFFE0] =	vst v4  }
0x38: {  	v57 =	vld.idx.msk [tilespmem:v0+s17+$0xFFFFFFC0 ss:$0x1], $0xffff;
	[tilespmem:s18+$0xFFFFFFF0] =	vst v3  }
0x39: {  	v58 =	vld.idx.msk [tilespmem:v0+s17+$0xFFFFFFD0 ss:$0x1], $0xffff;
	[tilespmem:s18+$0x0] =	vst v1  }
0x3a: {  	v59 =	vld.idx.msk [tilespmem:v0+s17+$0xFFFFFFE0 ss:$0x1], $0xffff;
	[tilespmem:s18+$0x10] =	vst v2  }
0x3b: {  	v60 =	vld.idx.msk [tilespmem:v0+s17+$0xFFFFFFF0 ss:$0x1], $0xffff;
	s31 =	sadd.s32 $0x800, s18;
	[tilespmem:s18+$0x20] =	vst v6  }
0x3c: {  	v61 =	vld.idx.msk [tilespmem:v0+s17+$0x0 ss:$0x1], $0xffff;
	[tilespmem:s31+$0x30] =	vst v56  }
0x3d: {  	v62 =	vld.idx.msk [tilespmem:v0+s17+$0x10 ss:$0x1], $0xffff;
	s16 =	sadd.s32 $0x1, s16;
	[tilespmem:s31+$0xFFFFFFC0] =	vst v57  }
0x3e: {  	v63 =	vld.idx.msk [tilespmem:v0+s17+$0x20 ss:$0x1], $0xffff;
	p1 =	sne.s32 s16, $0x10;
	[tilespmem:s31+$0xFFFFFFD0] =	vst v58  }
.Ltmp4:
0x3f: {  	[tilespmem:s31+$0xFFFFFFE0] =	vst v59;
	(pc) =	sbr.rel @p1 .LBB1_3-.Ltmp4, $4  }
0x40: {  	[tilespmem:s31+$0xFFFFFFF0] =	vst v60  }
0x41: {  	[tilespmem:s31+$0x0] =	vst v61  }
0x42: {  	[tilespmem:s31+$0x10] =	vst v62  }
0x43: {  	s14 =	sadd.s32 $0x80, s14;
	s15 =	sadd.s32 $0x400, s15;
	[tilespmem:s31+$0x20] =	vst v63  }
0x44: {  	s11 =	sand.u32 $0x1FFFFFF, s11  }
0x45: {  	s14 =	smulhi.u32 $0x3333334, s11  }
0x46: {  	s12 =	smul.u32 $0x2800, s12  }
0x47: {  	s14 =	smul.u32 $0x50, s14  }
.Ltmp5:
0x48: {  	_ = 	snop;
	(pc) =	sbr.rel .LBB1_7-.Ltmp5, $4  }
0x49: {  	s11 =	ssub.s32 s11, s14  }
0x4a: {  	s12 =	sadd.s32 s3, s12;
	s11 =	sshll.u32 s11, $0x4  }
0x4b: {  	s11 =	sadd.s32 s11, s12  }
0x4c: {  	[hbm4b:s11+s6] =	stream.strided.scatter [tilespmem:s13], [sflag:$0x2], $0x4000, s7, s6, $0x38;
	[tilespmem:$0x10000] =	vst v63  }
.LBB1_8:
0x4d: {  	_ =	sfence.sel $0x180000  }
0x4e: {  	s2 =	simm.s32 $0x1;
	[bflag:$0x0] =	sbarrier.arrive $0xFFFF  }
0x4f: {  	s31 =	simm.s32 $0x2;
	[sflag:s2] =	ssyncpa.u1 $0x1  }
0x50: {  	[sflag:s31] =	ssyncpa.u1 $0x1  }
0x51: {  	p0 =	sne.s32 s1, $0x0;
	_ =	strace $0x9000004A  }
0x52: {  	s0 =	sadd.s32 @!p0 $0x100000, s0;
	[bflag:$0x2] =	sbarrier.arrive $0xFFFF  }
0x53: {  	[sflag:s0] =	ssyncadd.tile.s32 @!p0 $0x1;
	_ =	shalt  }
.Lfunc_end1:
_tile_overlayer_lowered:
.L_overlay_start_2:
0x54: {  	(tag) =	ssettag $0x2  }
0x55: {  	s0 =	rddreg [dreg:$0x0];
	s2 =	stileid.u32  }
0x56: {  	s1 =	rddreg [dreg:$0x1];
	p0 =	sne.s32 s2, $0x0  }
0x57: {  	s3 =	rddreg [dreg:$0x2];
	[bflag:$0x3] =	sbarrier.arrive $0xFFFF;
	s2 =	simm.s32 @!p0 $0x1C01  }
0x58: {  	[timem:s3], [sflag:s2] =	dma.local @!p0 [hbm:s0], s1  }
0x59: {  	s0 =	simm.s32 @!p0 $0x1  }
0x5a: {  	_ =	swait.ge @!p0 [sflag:s0], s1  }
0x5b: {  	s1 =	ssub.s32 @!p0 $0x0, s1;
	[sflag:s0] =	ssyncset.done @!p0 $0x0  }
0x5c: {  	[sflag:s0] =	ssyncadd.s32 @!p0 s1  }
0x5d: {  	[bflag:$0x3] =	sbarrier.arrive $0xFFFF  }
0x5e: {  	_ =	shalt  }

</sc_bundles>
